<compile_context>
chip_gen: v7x
topology: tpu7x:2x2x1
jax: 0.10.2.dev20260603
libtpu: 0.0.44.dev20260713+nightly
codegen_flags: <defaults>
</compile_context>

<pallas_src>
import functools

import jax
import jax.numpy as jnp
from jax import lax
from jax.experimental import pallas as pl
from jax.experimental.pallas import tpu as pltpu
from jax.experimental.pallas import tpu_sc as plsc

N = 10000
E = 320000
D = 128
H = 128
T = 10
G = 64

NC = 2
NS = 16
NW = NC * NS
EPW = E // NW
CH = 80
NCHUNK = EPW // CH
NBUF = 3
NGRP = NCHUNK // NBUF
EPI = NCHUNK - NBUF * NGRP
RPS = 624
TAIL = N - NS * RPS
ZR = 8
ZSLABS = RPS // ZR

_mesh = plsc.VectorSubcoreMesh(
    core_axis_name="c", subcore_axis_name="s", num_cores=NC, num_subcores=NS)


@functools.partial(
    pl.kernel,
    out_type=jax.ShapeDtypeStruct((NC, N, D), jnp.float32),
    mesh=_mesh,
    scratch_types=[
        pltpu.VMEM((EPW,), jnp.int32),
        pltpu.VMEM((NBUF, CH), jnp.int32),
        pltpu.VMEM((NBUF, CH, D), jnp.float32),
        pltpu.VMEM((ZR, D), jnp.float32),
        pltpu.VMEM_SHARED((N, D), jnp.float32),
        pltpu.SemaphoreType.DMA,
        [pltpu.SemaphoreType.DMA] * NBUF,
        [pltpu.SemaphoreType.DMA] * NBUF,
    ],
)
def _sc_agg(x_hbm, src_hbm, dst_hbm, out_hbm, sidx, didx, rows, zbuf, acc,
            isem, gsems, dsems):
    cid = lax.axis_index("c")
    sid = lax.axis_index("s")
    wid = sid * NC + cid
    ebase = wid * EPW

    iload = pltpu.async_copy(
        src_hbm.at[pl.ds(pl.multiple_of(ebase, 8), EPW)], sidx, isem)

    zv = jnp.zeros((16,), jnp.float32)

    def _zrow(i, carry):
        zbuf[i // (D // 16), pl.ds((i % (D // 16)) * 16, 16)] = zv
        return carry

    lax.fori_loop(0, ZR * (D // 16), _zrow, 0)

    def _zslab(j, carry):
        pltpu.sync_copy(zbuf, acc.at[pl.ds(sid * RPS + j * ZR, ZR)])
        return carry

    lax.fori_loop(0, ZSLABS, _zslab, 0)

    @pl.when(sid == NS - 1)
    def _():
        pltpu.sync_copy(zbuf.at[pl.ds(0, TAIL)], acc.at[pl.ds(NS * RPS, TAIL)])

    iload.wait()
    plsc.subcore_barrier()

    def _dst_copy(k, b):
        off = pl.multiple_of(ebase + k * CH, 8)
        return pltpu.make_async_copy(dst_hbm.at[pl.ds(off, CH)], didx.at[b],
                                     dsems[b])

    def _dst_load(k, b):
        off = pl.multiple_of(ebase + k * CH, 8)
        pltpu.async_copy(dst_hbm.at[pl.ds(off, CH)], didx.at[b], dsems[b])

    def _sidx(k):
        return sidx.at[pl.ds(pl.multiple_of(k * CH, 8), CH)]

    for b in range(NBUF):
        _dst_load(b, b)
        pltpu.async_copy(x_hbm.at[_sidx(b)], rows.at[b], gsems[b])

    def _group(g, carry):
        for b in range(NBUF):
            k = g * NBUF + b
            pltpu.make_async_copy(x_hbm.at[_sidx(k)], rows.at[b],
                                  gsems[b]).wait()
            _dst_copy(k, b).wait()
            pltpu.sync_copy(rows.at[b], acc.at[didx.at[b]], add=True)

            @pl.when(k + NBUF < NCHUNK)
            def _():
                _dst_load(k + NBUF, b)
                pltpu.async_copy(x_hbm.at[_sidx(k + NBUF)], rows.at[b],
                                 gsems[b])
        return carry

    lax.fori_loop(0, NGRP, _group, 0)

    for e in range(EPI):
        k = NBUF * NGRP + e
        pltpu.make_async_copy(x_hbm.at[_sidx(k)], rows.at[e], gsems[e]).wait()
        _dst_copy(k, e).wait()
        pltpu.sync_copy(rows.at[e], acc.at[didx.at[e]], add=True)
    plsc.subcore_barrier()

    pltpu.sync_copy(acc.at[pl.ds(sid * RPS, RPS)],
                    out_hbm.at[cid, pl.ds(sid * RPS, RPS)])

    @pl.when(sid == NS - 1)
    def _():
        pltpu.sync_copy(acc.at[pl.ds(NS * RPS, TAIL)],
                        out_hbm.at[cid, pl.ds(NS * RPS, TAIL)])


BN = 1000
_PREC = lax.Precision.HIGHEST


def _mlp_core(x_ref, p_ref, w1_ref, b1_ref, w2_ref, b2_ref):
    h = x_ref[...] + p_ref[0] + p_ref[1]
    h = jnp.maximum(
        jnp.dot(h, w1_ref[...], precision=_PREC,
                preferred_element_type=jnp.float32) + b1_ref[...], 0.0)
    return jnp.maximum(
        jnp.dot(h, w2_ref[...], precision=_PREC,
                preferred_element_type=jnp.float32) + b2_ref[...], 0.0)


def _mlp_body(x_ref, p_ref, w1_ref, b1_ref, w2_ref, b2_ref, o_ref):
    o_ref[...] = _mlp_core(x_ref, p_ref, w1_ref, b1_ref, w2_ref, b2_ref)


_mlp = pl.pallas_call(
    _mlp_body,
    grid=(N // BN,),
    in_specs=[
        pl.BlockSpec((BN, D), lambda i: (i, 0)),
        pl.BlockSpec((NC, BN, D), lambda i: (0, i, 0)),
        pl.BlockSpec((D, H), lambda i: (0, 0)),
        pl.BlockSpec((1, H), lambda i: (0, 0)),
        pl.BlockSpec((H, H), lambda i: (0, 0)),
        pl.BlockSpec((1, H), lambda i: (0, 0)),
    ],
    out_specs=pl.BlockSpec((BN, H), lambda i: (i, 0)),
    out_shape=jax.ShapeDtypeStruct((N, H), jnp.float32),
)


def _final_body(x_ref, p_ref, w1_ref, b1_ref, w2_ref, b2_ref, bidx_ref,
                rw1_ref, rb1_ref, rw2_ref, rb2_ref, o_ref, acc_ref):
    i = pl.program_id(0)
    h = _mlp_core(x_ref, p_ref, w1_ref, b1_ref, w2_ref, b2_ref)
    b = bidx_ref[0, 0, :]
    onehot = (b[:, None] == lax.broadcasted_iota(jnp.int32, (1, G), 1)
              ).astype(jnp.float32)
    part = lax.dot_general(onehot, h, (((0,), (0,)), ((), ())),
                           precision=_PREC,
                           preferred_element_type=jnp.float32)

    @pl.when(i == 0)
    def _():
        acc_ref[...] = part

    @pl.when(i > 0)
    def _():
        acc_ref[...] += part

    @pl.when(i == N // BN - 1)
    def _():
        pooled = acc_ref[...]
        r = jnp.maximum(
            jnp.dot(pooled, rw1_ref[...], precision=_PREC,
                    preferred_element_type=jnp.float32) + rb1_ref[...], 0.0)
        o_ref[...] = jnp.dot(r, rw2_ref[...], precision=_PREC,
                             preferred_element_type=jnp.float32) + rb2_ref[...]


_final = pl.pallas_call(
    _final_body,
    grid=(N // BN,),
    in_specs=[
        pl.BlockSpec((BN, D), lambda i: (i, 0)),
        pl.BlockSpec((NC, BN, D), lambda i: (0, i, 0)),
        pl.BlockSpec((D, H), lambda i: (0, 0)),
        pl.BlockSpec((1, H), lambda i: (0, 0)),
        pl.BlockSpec((H, H), lambda i: (0, 0)),
        pl.BlockSpec((1, H), lambda i: (0, 0)),
        pl.BlockSpec((1, 1, BN), lambda i: (i, 0, 0)),
        pl.BlockSpec((H, H), lambda i: (0, 0)),
        pl.BlockSpec((1, H), lambda i: (0, 0)),
        pl.BlockSpec((H, T), lambda i: (0, 0)),
        pl.BlockSpec((1, T), lambda i: (0, 0)),
    ],
    out_specs=pl.BlockSpec((G, T), lambda i: (0, 0)),
    out_shape=jax.ShapeDtypeStruct((G, T), jnp.float32),
    scratch_shapes=[pltpu.VMEM((G, D), jnp.float32)],
)


def kernel(x, edge_index, batch_index,
           l0_w1, l0_b1, l0_w2, l0_b2,
           l1_w1, l1_b1, l1_w2, l1_b2,
           l2_w1, l2_b1, l2_w2, l2_b2,
           ro_w1, ro_b1, ro_w2, ro_b2):
    src = edge_index[0]
    dst = edge_index[1]
    bidx = batch_index.reshape(N // BN, 1, BN)

    p = _sc_agg(x, src, dst)
    h = _mlp(x, p, l0_w1, l0_b1.reshape(1, H), l0_w2, l0_b2.reshape(1, H))
    p = _sc_agg(h, src, dst)
    h = _mlp(h, p, l1_w1, l1_b1.reshape(1, H), l1_w2, l1_b2.reshape(1, H))
    p = _sc_agg(h, src, dst)
    out = _final(h, p, l2_w1, l2_b1.reshape(1, H), l2_w2, l2_b2.reshape(1, H),
                 bidx, ro_w1, ro_b1.reshape(1, H), ro_w2, ro_b2.reshape(1, T))
    return out

# --- scband reference (transcript-rebuilt; emitter-appended) ---
"""Pipeline reference for scband-gin-22376779612621 (READ-ONLY COPY).

The authoritative reference and input builder live on the scoring server;
editing this copy changes nothing except your own understanding.
"""

import jax, jax.numpy as jnp
import numpy as np

N = 10000
E = 320000
D = 128
H = 128
T = 10
G = 64


def _init_linear(key, fan_in, fan_out):
    k1, k2 = jax.random.split(key)
    w = jax.random.normal(k1, (fan_in, fan_out), dtype=jnp.float32) / np.sqrt(fan_in)
    b = jnp.zeros((fan_out,), dtype=jnp.float32)
    return w, b


def setup_inputs(seed: int = 0):
    key = jax.random.key(seed)
    ks = jax.random.split(key, 12)
    x = jax.random.normal(ks[0], (N, D), dtype=jnp.float32)
    edge_index = jax.random.randint(ks[1], (2, E), 0, N, dtype=jnp.int32)
    batch_index = jnp.sort(jax.random.randint(ks[2], (N,), 0, G, dtype=jnp.int32))
    inp = {"x": x, "edge_index": edge_index, "batch_index": batch_index}
    dims = [(D, H), (H, H), (H, H)]
    for i, (fi, fo) in enumerate(dims):
        w1, b1 = _init_linear(ks[3 + 2 * i], fi, fo)
        w2, b2 = _init_linear(ks[4 + 2 * i], fo, fo)
        inp["l%d_w1" % i] = w1
        inp["l%d_b1" % i] = b1
        inp["l%d_w2" % i] = w2
        inp["l%d_b2" % i] = b2
    w, b = _init_linear(ks[9], H, H)
    inp["ro_w1"] = w
    inp["ro_b1"] = b
    w, b = _init_linear(ks[10], H, T)
    inp["ro_w2"] = w
    inp["ro_b2"] = b
    return inp


def _gin_conv(x, src, dst, w1, b1, w2, b2):
    # GINConv with eps=0: mlp((1+eps)*x + sum_{j in N(i)} x_j)
    agg = jax.ops.segment_sum(x[src], dst, num_segments=x.shape[0])
    h = x + agg
    h = jax.nn.relu(h @ w1 + b1)
    h = jax.nn.relu(h @ w2 + b2)
    return h


def reference(x, edge_index, batch_index,
              l0_w1, l0_b1, l0_w2, l0_b2,
              l1_w1, l1_b1, l1_w2, l1_b2,
              l2_w1, l2_b1, l2_w2, l2_b2,
              ro_w1, ro_b1, ro_w2, ro_b2):
    src = edge_index[0]
    dst = edge_index[1]
    h = _gin_conv(x, src, dst, l0_w1, l0_b1, l0_w2, l0_b2)
    h = _gin_conv(h, src, dst, l1_w1, l1_b1, l1_w2, l1_b2)
    h = _gin_conv(h, src, dst, l2_w1, l2_b1, l2_w2, l2_b2)
    pooled = jax.ops.segment_sum(h, batch_index, num_segments=G)
    out = jax.nn.relu(pooled @ ro_w1 + ro_b1) @ ro_w2 + ro_b2
    return out

if __name__ == "__main__":
    import jax
    _d = setup_inputs()
    print(jax.jit(kernel)(*tuple(_d.values())))

</pallas_src>

<mosaic_0001>
#map = affine_map<(d0, d1) -> (0, 0)>
#map1 = affine_map<(d0, d1) -> (0)>
#map2 = affine_map<(d0, d1) -> (0, 0, 0)>
module attributes {stable_mosaic.version = 14 : i64} {
  func.func @_sc_agg(%arg0: i32, %arg1: i32, %arg2: memref<10000x128xf32, #tpu.memory_space<hbm>>, %arg3: memref<320000xi32, #tpu.memory_space<hbm>>, %arg4: memref<320000xi32, #tpu.memory_space<hbm>>, %arg5: memref<2x10000x128xf32, #tpu.memory_space<hbm>>, %arg6: memref<10000xi32, #tpu.memory_space<vmem>>, %arg7: memref<3x80xi32, #tpu.memory_space<vmem>>, %arg8: memref<3x80x128xf32, #tpu.memory_space<vmem>>, %arg9: memref<8x128xf32, #tpu.memory_space<vmem>>, %arg10: memref<10000x128xf32, #tpu.memory_space<vmem_shared>>, %arg11: memref<!tpu.dma_semaphore, #tpu.memory_space<semaphore_mem>>, %arg12: memref<!tpu.dma_semaphore, #tpu.memory_space<semaphore_mem>>, %arg13: memref<!tpu.dma_semaphore, #tpu.memory_space<semaphore_mem>>, %arg14: memref<!tpu.dma_semaphore, #tpu.memory_space<semaphore_mem>>, %arg15: memref<!tpu.dma_semaphore, #tpu.memory_space<semaphore_mem>>, %arg16: memref<!tpu.dma_semaphore, #tpu.memory_space<semaphore_mem>>, %arg17: memref<!tpu.dma_semaphore, #tpu.memory_space<semaphore_mem>>) attributes {dimension_semantics = [#tpu.dimension_semantics<core_parallel>, #tpu.dimension_semantics<subcore_parallel>], iteration_bounds = array<i64: 2, 16>, scalar_prefetch = 0 : i64, scratch_operands = 12 : i64, tpu.core_type = #tpu.core_type<sc_vector_subcore>, window_params = [{transform_indices = #map}, {transform_indices = #map1}, {transform_indices = #map1}, {transform_indices = #map2}]} {
    %mul3A = arith.constant 2 : i32
    %mul3A_0 = arith.muli %arg1, %mul3A : i32
    %add3A = arith.addi %mul3A_0, %arg0 : i32
    %mul3A_1 = arith.constant 10000 : i32
    %mul3A_2 = arith.muli %add3A, %mul3A_1 : i32
    %multiple_of3A = tpu.assume_multiple %mul3A_2, 8 : i32
    %dma_start3A = tpu.memref_slice %arg3[%multiple_of3A] : memref<320000xi32, #tpu.memory_space<hbm>> -> memref<10000xi32, #tpu.memory_space<hbm>>
    %dma_start3A_3 = tpu.memref_slice %arg3[%multiple_of3A] : memref<320000xi32, #tpu.memory_space<hbm>> -> memref<10000xi32, #tpu.memory_space<hbm>>
    tpu.enqueue_dma source(%dma_start3A_3 : memref<10000xi32, #tpu.memory_space<hbm>>) target(%arg6 : memref<10000xi32, #tpu.memory_space<vmem>>) target_semaphore(%arg11 : memref<!tpu.dma_semaphore, #tpu.memory_space<semaphore_mem>>)
    %broadcast_in_dim3A = arith.constant 0.000000e+00 : f32
    %broadcast_in_dim3A_4 = vector.broadcast %broadcast_in_dim3A : f32 to vector<16xf32>
    %scan3A = arith.constant 0 : i32
    %scan3A_5 = arith.constant 0 : i32
    %scan3A_6 = arith.constant 64 : i32
    %scan3A_7 = arith.addi %scan3A_5, %scan3A_6 : i32
    %scan3A_8 = arith.constant 1 : i32
    scf.for %scan3A_153 = %scan3A_5 to %scan3A_7 step %scan3A_8  : i32 {
      %jit3A = arith.constant 8 : i32
      %div3A = arith.divsi %scan3A_153, %jit3A : i32
      %sign3A = arith.constant 0 : i32
      %sign3A_154 = arith.cmpi sgt, %scan3A_153, %sign3A : i32
      %sign3A_155 = arith.extui %sign3A_154 : i1 to i32
      %sign3A_156 = arith.constant 0 : i32
      %sign3A_157 = arith.cmpi slt, %scan3A_153, %sign3A_156 : i32
      %sign3A_158 = arith.extui %sign3A_157 : i1 to i32
      %sign3A_159 = arith.subi %sign3A_155, %sign3A_158 : i32
      %sign3A_160 = arith.constant 0 : i32
      %sign3A_161 = arith.cmpi sgt, %jit3A, %sign3A_160 : i32
      %sign3A_162 = arith.extui %sign3A_161 : i1 to i32
      %sign3A_163 = arith.constant 0 : i32
      %sign3A_164 = arith.cmpi slt, %jit3A, %sign3A_163 : i32
      %sign3A_165 = arith.extui %sign3A_164 : i1 to i32
      %sign3A_166 = arith.subi %sign3A_162, %sign3A_165 : i32
      %ne3A = arith.cmpi ne, %sign3A_159, %sign3A_166 : i32
      %rem3A = arith.remsi %scan3A_153, %jit3A : i32
      %ne3A_167 = arith.constant 0 : i32
      %ne3A_168 = arith.cmpi ne, %rem3A, %ne3A_167 : i32
      %and3A = arith.andi %ne3A, %ne3A_168 : i1
      %sub3A = arith.constant 1 : i32
      %sub3A_169 = arith.subi %div3A, %sub3A : i32
      %select_n3A = arith.select %and3A, %sub3A_169, %div3A : i32
      %jit3A_170 = arith.constant 8 : i32
      %eq3A_171 = arith.constant 0 : i32
      %eq3A_172 = arith.cmpi eq, %jit3A_170, %eq3A_171 : i32
      %jit3A_173 = arith.constant 1 : i32
      %select_n3A_174 = arith.select %eq3A_172, %jit3A_173, %jit3A_170 : i32
      %rem3A_175 = arith.remsi %scan3A_153, %select_n3A_174 : i32
      %ne3A_176 = arith.constant 0 : i32
      %ne3A_177 = arith.cmpi ne, %rem3A_175, %ne3A_176 : i32
      %lt3A = arith.constant 0 : i32
      %lt3A_178 = arith.cmpi slt, %rem3A_175, %lt3A : i32
      %lt3A_179 = arith.constant 0 : i32
      %lt3A_180 = arith.cmpi slt, %select_n3A_174, %lt3A_179 : i32
      %ne3A_181 = arith.xori %lt3A_178, %lt3A_180 : i1
      %and3A_182 = arith.andi %ne3A_181, %ne3A_177 : i1
      %add3A_183 = arith.addi %rem3A_175, %select_n3A_174 : i32
      %select_n3A_184 = arith.select %and3A_182, %add3A_183, %rem3A_175 : i32
      %mul3A_185 = arith.constant 16 : i32
      %mul3A_186 = arith.muli %select_n3A_184, %mul3A_185 : i32
      %swap3A = arith.index_cast %select_n3A : i32 to index
      %swap3A_187 = arith.index_cast %mul3A_186 : i32 to index
      %swap3A_188 = tpu.vector_load %arg9[%swap3A, %swap3A_187] {strides = array<i32>} : memref<8x128xf32, #tpu.memory_space<vmem>>, vector<1x16xf32>,
      %swap3A_189 = vector.shape_cast %swap3A_188 : vector<1x16xf32> to vector<16xf32>
      %swap3A_190 = vector.shape_cast %broadcast_in_dim3A_4 : vector<16xf32> to vector<1x16xf32>
      tpu.vector_store %arg9[%swap3A, %swap3A_187], %swap3A_190 {strides = array<i32>} : memref<8x128xf32, #tpu.memory_space<vmem>>, vector<1x16xf32>,
    }
    %scan3A_9 = arith.constant 64 : i32
    %scan3A_10 = arith.constant 0 : i32
    %scan3A_11 = arith.constant 0 : i32
    %scan3A_12 = arith.constant 78 : i32
    %scan3A_13 = arith.addi %scan3A_11, %scan3A_12 : i32
    %scan3A_14 = arith.constant 1 : i32
    scf.for %scan3A_153 = %scan3A_11 to %scan3A_13 step %scan3A_14  : i32 {
      %mul3A_154 = arith.constant 624 : i32
      %mul3A_155 = arith.muli %arg1, %mul3A_154 : i32
      %mul3A_156 = arith.constant 8 : i32
      %mul3A_157 = arith.muli %scan3A_153, %mul3A_156 : i32
      %add3A_158 = arith.addi %mul3A_155, %mul3A_157 : i32
      "tpu.region"() ({
        %run_scoped3A_159 = tpu.sem_alloc : memref<!tpu.dma_semaphore, #tpu.memory_space<semaphore_mem>>
        %dma_start3A_160 = arith.constant 0 : i32
        %dma_start3A_161 = tpu.memref_slice %arg10[%add3A_158, %dma_start3A_160] : memref<10000x128xf32, #tpu.memory_space<vmem_shared>> -> memref<8x128xf32, #tpu.memory_space<vmem_shared>>
        %dma_start3A_162 = arith.constant 0 : i32
        %dma_start3A_163 = tpu.memref_slice %arg10[%add3A_158, %dma_start3A_162] : memref<10000x128xf32, #tpu.memory_space<vmem_shared>> -> memref<8x128xf32, #tpu.memory_space<vmem_shared>>
        tpu.enqueue_dma source(%arg9 : memref<8x128xf32, #tpu.memory_space<vmem>>) target(%dma_start3A_163 : memref<8x128xf32, #tpu.memory_space<vmem_shared>>) target_semaphore(%run_scoped3A_159 : memref<!tpu.dma_semaphore, #tpu.memory_space<semaphore_mem>>)
        %dma_wait3A_164 = arith.constant 0 : i32
        %dma_wait3A_165 = tpu.memref_slice %arg10[%add3A_158, %dma_wait3A_164] : memref<10000x128xf32, #tpu.memory_space<vmem_shared>> -> memref<8x128xf32, #tpu.memory_space<vmem_shared>>
        %dma_wait3A_166 = arith.constant 0 : i32
        %dma_wait3A_167 = tpu.memref_slice %arg10[%add3A_158, %dma_wait3A_166] : memref<10000x128xf32, #tpu.memory_space<vmem_shared>> -> memref<8x128xf32, #tpu.memory_space<vmem_shared>>
        tpu.wait_dma2 semaphore(%run_scoped3A_159 : memref<!tpu.dma_semaphore, #tpu.memory_space<semaphore_mem>>) src(%arg9 : memref<8x128xf32, #tpu.memory_space<vmem>>) dst(%dma_wait3A_167 : memref<8x128xf32, #tpu.memory_space<vmem_shared>>)
        tpu.yield
      }) : () -> ()
    }
    %scan3A_15 = arith.constant 78 : i32
    %eq3A = arith.constant 15 : i32
    %eq3A_16 = arith.cmpi eq, %arg1, %eq3A : i32
    %convert_element_type3A = arith.extui %eq3A_16 : i1 to i32
    %cond3A = arith.constant 0 : i32
    %cond3A_17 = arith.cmpi ne, %convert_element_type3A, %cond3A : i32
    scf.if %cond3A_17 {
      "tpu.region"() ({
        %run_scoped3A_153 = tpu.sem_alloc : memref<!tpu.dma_semaphore, #tpu.memory_space<semaphore_mem>>
        %dma_start3A_154 = arith.constant 0 : i32
        %dma_start3A_155 = arith.constant 0 : i32
        %dma_start3A_156 = tpu.memref_slice %arg9[%dma_start3A_154, %dma_start3A_155] : memref<8x128xf32, #tpu.memory_space<vmem>> -> memref<16x128xf32, #tpu.memory_space<vmem>>
        %dma_start3A_157 = arith.constant 9984 : i32
        %dma_start3A_158 = arith.constant 0 : i32
        %dma_start3A_159 = tpu.memref_slice %arg10[%dma_start3A_157, %dma_start3A_158] : memref<10000x128xf32, #tpu.memory_space<vmem_shared>> -> memref<16x128xf32, #tpu.memory_space<vmem_shared>>
        %dma_start3A_160 = arith.constant 9984 : i32
        %dma_start3A_161 = arith.constant 0 : i32
        %dma_start3A_162 = tpu.memref_slice %arg10[%dma_start3A_160, %dma_start3A_161] : memref<10000x128xf32, #tpu.memory_space<vmem_shared>> -> memref<16x128xf32, #tpu.memory_space<vmem_shared>>
        %dma_start3A_163 = arith.constant 0 : i32
        %dma_start3A_164 = arith.constant 0 : i32
        %dma_start3A_165 = tpu.memref_slice %arg9[%dma_start3A_163, %dma_start3A_164] : memref<8x128xf32, #tpu.memory_space<vmem>> -> memref<16x128xf32, #tpu.memory_space<vmem>>
        tpu.enqueue_dma source(%dma_start3A_165 : memref<16x128xf32, #tpu.memory_space<vmem>>) target(%dma_start3A_162 : memref<16x128xf32, #tpu.memory_space<vmem_shared>>) target_semaphore(%run_scoped3A_153 : memref<!tpu.dma_semaphore, #tpu.memory_space<semaphore_mem>>)
        %dma_wait3A_166 = arith.constant 0 : i32
        %dma_wait3A_167 = arith.constant 0 : i32
        %dma_wait3A_168 = tpu.memref_slice %arg9[%dma_wait3A_166, %dma_wait3A_167] : memref<8x128xf32, #tpu.memory_space<vmem>> -> memref<16x128xf32, #tpu.memory_space<vmem>>
        %dma_wait3A_169 = arith.constant 9984 : i32
        %dma_wait3A_170 = arith.constant 0 : i32
        %dma_wait3A_171 = tpu.memref_slice %arg10[%dma_wait3A_169, %dma_wait3A_170] : memref<10000x128xf32, #tpu.memory_space<vmem_shared>> -> memref<16x128xf32, #tpu.memory_space<vmem_shared>>
        %dma_wait3A_172 = arith.constant 9984 : i32
        %dma_wait3A_173 = arith.constant 0 : i32
        %dma_wait3A_174 = tpu.memref_slice %arg10[%dma_wait3A_172, %dma_wait3A_173] : memref<10000x128xf32, #tpu.memory_space<vmem_shared>> -> memref<16x128xf32, #tpu.memory_space<vmem_shared>>
        %dma_wait3A_175 = arith.constant 0 : i32
        %dma_wait3A_176 = arith.constant 0 : i32
        %dma_wait3A_177 = tpu.memref_slice %arg9[%dma_wait3A_175, %dma_wait3A_176] : memref<8x128xf32, #tpu.memory_space<vmem>> -> memref<16x128xf32, #tpu.memory_space<vmem>>
        tpu.wait_dma2 semaphore(%run_scoped3A_153 : memref<!tpu.dma_semaphore, #tpu.memory_space<semaphore_mem>>) src(%dma_wait3A_177 : memref<16x128xf32, #tpu.memory_space<vmem>>) dst(%dma_wait3A_174 : memref<16x128xf32, #tpu.memory_space<vmem_shared>>)
        tpu.yield
      }) : () -> ()
    } else {
    }
    %dma_wait3A = tpu.memref_slice %arg3[%multiple_of3A] : memref<320000xi32, #tpu.memory_space<hbm>> -> memref<10000xi32, #tpu.memory_space<hbm>>
    %dma_wait3A_18 = tpu.memref_slice %arg3[%multiple_of3A] : memref<320000xi32, #tpu.memory_space<hbm>> -> memref<10000xi32, #tpu.memory_space<hbm>>
    tpu.wait_dma2 semaphore(%arg11 : memref<!tpu.dma_semaphore, #tpu.memory_space<semaphore_mem>>) src(%dma_wait3A_18 : memref<10000xi32, #tpu.memory_space<hbm>>) dst(%arg6 : memref<10000xi32, #tpu.memory_space<vmem>>)
    %barrier3A = arith.constant 0 : index
    tpu.barrier barrier_id(%barrier3A)
    %add3A_19 = arith.constant 0 : i32
    %add3A_20 = arith.addi %mul3A_2, %add3A_19 : i32
    %multiple_of3A_21 = tpu.assume_multiple %add3A_20, 8 : i32
    %dma_start3A_22 = arith.constant 0 : i32
    %dma_start3A_23 = arith.constant 0 : i32
    %dma_start3A_24 = tpu.memref_slice %arg7[%dma_start3A_22, %dma_start3A_23] : memref<3x80xi32, #tpu.memory_space<vmem>> -> memref<1x80xi32, #tpu.memory_space<vmem>>
    %dma_start3A_25 = tpu.memref_squeeze %dma_start3A_24 : memref<1x80xi32, #tpu.memory_space<vmem>> -> memref<80xi32, #tpu.memory_space<vmem>>
    %dma_start3A_26 = tpu.memref_slice %arg4[%multiple_of3A_21] : memref<320000xi32, #tpu.memory_space<hbm>> -> memref<80xi32, #tpu.memory_space<hbm>>
    %dma_start3A_27 = arith.constant 0 : i32
    %dma_start3A_28 = tpu.memref_slice %arg7[%dma_start3A_22, %dma_start3A_27] : memref<3x80xi32, #tpu.memory_space<vmem>> -> memref<1x80xi32, #tpu.memory_space<vmem>>
    %dma_start3A_29 = tpu.memref_squeeze %dma_start3A_28 : memref<1x80xi32, #tpu.memory_space<vmem>> -> memref<80xi32, #tpu.memory_space<vmem>>
    %dma_start3A_30 = tpu.memref_slice %arg4[%multiple_of3A_21] : memref<320000xi32, #tpu.memory_space<hbm>> -> memref<80xi32, #tpu.memory_space<hbm>>
    tpu.enqueue_dma source(%dma_start3A_30 : memref<80xi32, #tpu.memory_space<hbm>>) target(%dma_start3A_29 : memref<80xi32, #tpu.memory_space<vmem>>) target_semaphore(%arg15 : memref<!tpu.dma_semaphore, #tpu.memory_space<semaphore_mem>>)
    %multiple_of3A_31 = arith.constant 0 : i32
    %multiple_of3A_32 = tpu.assume_multiple %multiple_of3A_31, 8 : i32
    %dma_start3A_33 = arith.constant 0 : i32
    %dma_start3A_34 = arith.constant 0 : i32
    %dma_start3A_35 = arith.constant 0 : i32
    %dma_start3A_36 = tpu.memref_slice %arg8[%dma_start3A_33, %dma_start3A_34, %dma_start3A_35] : memref<3x80x128xf32, #tpu.memory_space<vmem>> -> memref<1x80x128xf32, #tpu.memory_space<vmem>>
    %dma_start3A_37 = tpu.memref_squeeze %dma_start3A_36 : memref<1x80x128xf32, #tpu.memory_space<vmem>> -> memref<80x128xf32, #tpu.memory_space<vmem>>
    %dma_start3A_38 = tpu.memref_slice %arg6[%multiple_of3A_32] : memref<10000xi32, #tpu.memory_space<vmem>> -> memref<80xi32, #tpu.memory_space<vmem>>
    %dma_start3A_39 = arith.constant 0 : i32
    %dma_start3A_40 = arith.constant 0 : i32
    %dma_start3A_41 = tpu.memref_slice %arg2[%dma_start3A_39, %dma_start3A_40] : memref<10000x128xf32, #tpu.memory_space<hbm>> -> memref<10000x128xf32, #tpu.memory_space<hbm>>
    tpu.enqueue_indirect_dma source(%dma_start3A_41 : memref<10000x128xf32, #tpu.memory_space<hbm>>) target(%dma_start3A_37 : memref<80x128xf32, #tpu.memory_space<vmem>>) offsets(%dma_start3A_38 : memref<80xi32, #tpu.memory_space<vmem>>) semaphore(%arg12 : memref<!tpu.dma_semaphore, #tpu.memory_space<semaphore_mem>>)
    %add3A_42 = arith.constant 80 : i32
    %add3A_43 = arith.addi %mul3A_2, %add3A_42 : i32
    %multiple_of3A_44 = tpu.assume_multiple %add3A_43, 8 : i32
    %dma_start3A_45 = arith.constant 1 : i32
    %dma_start3A_46 = arith.constant 0 : i32
    %dma_start3A_47 = tpu.memref_slice %arg7[%dma_start3A_45, %dma_start3A_46] : memref<3x80xi32, #tpu.memory_space<vmem>> -> memref<1x80xi32, #tpu.memory_space<vmem>>
    %dma_start3A_48 = tpu.memref_squeeze %dma_start3A_47 : memref<1x80xi32, #tpu.memory_space<vmem>> -> memref<80xi32, #tpu.memory_space<vmem>>
    %dma_start3A_49 = tpu.memref_slice %arg4[%multiple_of3A_44] : memref<320000xi32, #tpu.memory_space<hbm>> -> memref<80xi32, #tpu.memory_space<hbm>>
    %dma_start3A_50 = arith.constant 0 : i32
    %dma_start3A_51 = tpu.memref_slice %arg7[%dma_start3A_45, %dma_start3A_50] : memref<3x80xi32, #tpu.memory_space<vmem>> -> memref<1x80xi32, #tpu.memory_space<vmem>>
    %dma_start3A_52 = tpu.memref_squeeze %dma_start3A_51 : memref<1x80xi32, #tpu.memory_space<vmem>> -> memref<80xi32, #tpu.memory_space<vmem>>
    %dma_start3A_53 = tpu.memref_slice %arg4[%multiple_of3A_44] : memref<320000xi32, #tpu.memory_space<hbm>> -> memref<80xi32, #tpu.memory_space<hbm>>
    tpu.enqueue_dma source(%dma_start3A_53 : memref<80xi32, #tpu.memory_space<hbm>>) target(%dma_start3A_52 : memref<80xi32, #tpu.memory_space<vmem>>) target_semaphore(%arg16 : memref<!tpu.dma_semaphore, #tpu.memory_space<semaphore_mem>>)
    %multiple_of3A_54 = arith.constant 80 : i32
    %multiple_of3A_55 = tpu.assume_multiple %multiple_of3A_54, 8 : i32
    %dma_start3A_56 = arith.constant 1 : i32
    %dma_start3A_57 = arith.constant 0 : i32
    %dma_start3A_58 = arith.constant 0 : i32
    %dma_start3A_59 = tpu.memref_slice %arg8[%dma_start3A_56, %dma_start3A_57, %dma_start3A_58] : memref<3x80x128xf32, #tpu.memory_space<vmem>> -> memref<1x80x128xf32, #tpu.memory_space<vmem>>
    %dma_start3A_60 = tpu.memref_squeeze %dma_start3A_59 : memref<1x80x128xf32, #tpu.memory_space<vmem>> -> memref<80x128xf32, #tpu.memory_space<vmem>>
    %dma_start3A_61 = tpu.memref_slice %arg6[%multiple_of3A_55] : memref<10000xi32, #tpu.memory_space<vmem>> -> memref<80xi32, #tpu.memory_space<vmem>>
    %dma_start3A_62 = arith.constant 0 : i32
    %dma_start3A_63 = arith.constant 0 : i32
    %dma_start3A_64 = tpu.memref_slice %arg2[%dma_start3A_62, %dma_start3A_63] : memref<10000x128xf32, #tpu.memory_space<hbm>> -> memref<10000x128xf32, #tpu.memory_space<hbm>>
    tpu.enqueue_indirect_dma source(%dma_start3A_64 : memref<10000x128xf32, #tpu.memory_space<hbm>>) target(%dma_start3A_60 : memref<80x128xf32, #tpu.memory_space<vmem>>) offsets(%dma_start3A_61 : memref<80xi32, #tpu.memory_space<vmem>>) semaphore(%arg13 : memref<!tpu.dma_semaphore, #tpu.memory_space<semaphore_mem>>)
    %add3A_65 = arith.constant 160 : i32
    %add3A_66 = arith.addi %mul3A_2, %add3A_65 : i32
    %multiple_of3A_67 = tpu.assume_multiple %add3A_66, 8 : i32
    %dma_start3A_68 = arith.constant 2 : i32
    %dma_start3A_69 = arith.constant 0 : i32
    %dma_start3A_70 = tpu.memref_slice %arg7[%dma_start3A_68, %dma_start3A_69] : memref<3x80xi32, #tpu.memory_space<vmem>> -> memref<1x80xi32, #tpu.memory_space<vmem>>
    %dma_start3A_71 = tpu.memref_squeeze %dma_start3A_70 : memref<1x80xi32, #tpu.memory_space<vmem>> -> memref<80xi32, #tpu.memory_space<vmem>>
    %dma_start3A_72 = tpu.memref_slice %arg4[%multiple_of3A_67] : memref<320000xi32, #tpu.memory_space<hbm>> -> memref<80xi32, #tpu.memory_space<hbm>>
    %dma_start3A_73 = arith.constant 0 : i32
    %dma_start3A_74 = tpu.memref_slice %arg7[%dma_start3A_68, %dma_start3A_73] : memref<3x80xi32, #tpu.memory_space<vmem>> -> memref<1x80xi32, #tpu.memory_space<vmem>>
    %dma_start3A_75 = tpu.memref_squeeze %dma_start3A_74 : memref<1x80xi32, #tpu.memory_space<vmem>> -> memref<80xi32, #tpu.memory_space<vmem>>
    %dma_start3A_76 = tpu.memref_slice %arg4[%multiple_of3A_67] : memref<320000xi32, #tpu.memory_space<hbm>> -> memref<80xi32, #tpu.memory_space<hbm>>
    tpu.enqueue_dma source(%dma_start3A_76 : memref<80xi32, #tpu.memory_space<hbm>>) target(%dma_start3A_75 : memref<80xi32, #tpu.memory_space<vmem>>) target_semaphore(%arg17 : memref<!tpu.dma_semaphore, #tpu.memory_space<semaphore_mem>>)
    %multiple_of3A_77 = arith.constant 160 : i32
    %multiple_of3A_78 = tpu.assume_multiple %multiple_of3A_77, 8 : i32
    %dma_start3A_79 = arith.constant 2 : i32
    %dma_start3A_80 = arith.constant 0 : i32
    %dma_start3A_81 = arith.constant 0 : i32
    %dma_start3A_82 = tpu.memref_slice %arg8[%dma_start3A_79, %dma_start3A_80, %dma_start3A_81] : memref<3x80x128xf32, #tpu.memory_space<vmem>> -> memref<1x80x128xf32, #tpu.memory_space<vmem>>
    %dma_start3A_83 = tpu.memref_squeeze %dma_start3A_82 : memref<1x80x128xf32, #tpu.memory_space<vmem>> -> memref<80x128xf32, #tpu.memory_space<vmem>>
    %dma_start3A_84 = tpu.memref_slice %arg6[%multiple_of3A_78] : memref<10000xi32, #tpu.memory_space<vmem>> -> memref<80xi32, #tpu.memory_space<vmem>>
    %dma_start3A_85 = arith.constant 0 : i32
    %dma_start3A_86 = arith.constant 0 : i32
    %dma_start3A_87 = tpu.memref_slice %arg2[%dma_start3A_85, %dma_start3A_86] : memref<10000x128xf32, #tpu.memory_space<hbm>> -> memref<10000x128xf32, #tpu.memory_space<hbm>>
    tpu.enqueue_indirect_dma source(%dma_start3A_87 : memref<10000x128xf32, #tpu.memory_space<hbm>>) target(%dma_start3A_83 : memref<80x128xf32, #tpu.memory_space<vmem>>) offsets(%dma_start3A_84 : memref<80xi32, #tpu.memory_space<vmem>>) semaphore(%arg14 : memref<!tpu.dma_semaphore, #tpu.memory_space<semaphore_mem>>)
    %scan3A_88 = arith.constant 0 : i32
    %scan3A_89 = arith.constant 0 : i32
    %scan3A_90 = arith.constant 41 : i32
    %scan3A_91 = arith.addi %scan3A_89, %scan3A_90 : i32
    %scan3A_92 = arith.constant 1 : i32
    scf.for %scan3A_153 = %scan3A_89 to %scan3A_91 step %scan3A_92  : i32 {
      %mul3A_154 = arith.constant 3 : i32
      %mul3A_155 = arith.muli %scan3A_153, %mul3A_154 : i32
      %add3A_156 = arith.constant 0 : i32
      %add3A_157 = arith.addi %mul3A_155, %add3A_156 : i32
      %mul3A_158 = arith.constant 80 : i32
      %mul3A_159 = arith.muli %add3A_157, %mul3A_158 : i32
      %multiple_of3A_160 = tpu.assume_multiple %mul3A_159, 8 : i32
      %dma_wait3A_161 = arith.constant 0 : i32
      %dma_wait3A_162 = arith.constant 0 : i32
      %dma_wait3A_163 = arith.constant 0 : i32
      %dma_wait3A_164 = tpu.memref_slice %arg8[%dma_wait3A_161, %dma_wait3A_162, %dma_wait3A_163] : memref<3x80x128xf32, #tpu.memory_space<vmem>> -> memref<1x80x128xf32, #tpu.memory_space<vmem>>
      %dma_wait3A_165 = tpu.memref_squeeze %dma_wait3A_164 : memref<1x80x128xf32, #tpu.memory_space<vmem>> -> memref<80x128xf32, #tpu.memory_space<vmem>>
      %dma_wait3A_166 = tpu.memref_slice %arg6[%multiple_of3A_160] : memref<10000xi32, #tpu.memory_space<vmem>> -> memref<80xi32, #tpu.memory_space<vmem>>
      %dma_wait3A_167 = arith.constant 0 : i32
      %dma_wait3A_168 = arith.constant 0 : i32
      %dma_wait3A_169 = tpu.memref_slice %arg2[%dma_wait3A_167, %dma_wait3A_168] : memref<10000x128xf32, #tpu.memory_space<hbm>> -> memref<10000x128xf32, #tpu.memory_space<hbm>>
      tpu.wait_indirect_dma semaphore(%arg12 : memref<!tpu.dma_semaphore, #tpu.memory_space<semaphore_mem>>) src(%dma_wait3A_169 : memref<10000x128xf32, #tpu.memory_space<hbm>>) dst(%dma_wait3A_165 : memref<80x128xf32, #tpu.memory_space<vmem>>)
      %mul3A_170 = arith.constant 80 : i32
      %mul3A_171 = arith.muli %add3A_157, %mul3A_170 : i32
      %add3A_172 = arith.addi %mul3A_2, %mul3A_171 : i32
      %multiple_of3A_173 = tpu.assume_multiple %add3A_172, 8 : i32
      %dma_wait3A_174 = arith.constant 0 : i32
      %dma_wait3A_175 = arith.constant 0 : i32
      %dma_wait3A_176 = tpu.memref_slice %arg7[%dma_wait3A_174, %dma_wait3A_175] : memref<3x80xi32, #tpu.memory_space<vmem>> -> memref<1x80xi32, #tpu.memory_space<vmem>>
      %dma_wait3A_177 = tpu.memref_squeeze %dma_wait3A_176 : memref<1x80xi32, #tpu.memory_space<vmem>> -> memref<80xi32, #tpu.memory_space<vmem>>
      %dma_wait3A_178 = tpu.memref_slice %arg4[%multiple_of3A_173] : memref<320000xi32, #tpu.memory_space<hbm>> -> memref<80xi32, #tpu.memory_space<hbm>>
      %dma_wait3A_179 = arith.constant 0 : i32
      %dma_wait3A_180 = tpu.memref_slice %arg7[%dma_wait3A_174, %dma_wait3A_179] : memref<3x80xi32, #tpu.memory_space<vmem>> -> memref<1x80xi32, #tpu.memory_space<vmem>>
      %dma_wait3A_181 = tpu.memref_squeeze %dma_wait3A_180 : memref<1x80xi32, #tpu.memory_space<vmem>> -> memref<80xi32, #tpu.memory_space<vmem>>
      %dma_wait3A_182 = tpu.memref_slice %arg4[%multiple_of3A_173] : memref<320000xi32, #tpu.memory_space<hbm>> -> memref<80xi32, #tpu.memory_space<hbm>>
      tpu.wait_dma2 semaphore(%arg15 : memref<!tpu.dma_semaphore, #tpu.memory_space<semaphore_mem>>) src(%dma_wait3A_182 : memref<80xi32, #tpu.memory_space<hbm>>) dst(%dma_wait3A_181 : memref<80xi32, #tpu.memory_space<vmem>>)
      %run_scoped3A_183 = arith.constant 0 : i32
      %run_scoped3A_184 = arith.constant 0 : i32
      "tpu.region"() ({
        %run_scoped3A_267 = tpu.sem_alloc : memref<!tpu.dma_semaphore, #tpu.memory_space<semaphore_mem>>
        %dma_start3A_268 = arith.constant 0 : i32
        %dma_start3A_269 = arith.constant 0 : i32
        %dma_start3A_270 = tpu.memref_slice %arg8[%run_scoped3A_183, %dma_start3A_268, %dma_start3A_269] : memref<3x80x128xf32, #tpu.memory_space<vmem>> -> memref<1x80x128xf32, #tpu.memory_space<vmem>>
        %dma_start3A_271 = tpu.memref_squeeze %dma_start3A_270 : memref<1x80x128xf32, #tpu.memory_space<vmem>> -> memref<80x128xf32, #tpu.memory_space<vmem>>
        %dma_start3A_272 = arith.constant 0 : i32
        %dma_start3A_273 = tpu.memref_slice %arg7[%run_scoped3A_184, %dma_start3A_272] : memref<3x80xi32, #tpu.memory_space<vmem>> -> memref<1x80xi32, #tpu.memory_space<vmem>>
        %dma_start3A_274 = tpu.memref_squeeze %dma_start3A_273 : memref<1x80xi32, #tpu.memory_space<vmem>> -> memref<80xi32, #tpu.memory_space<vmem>>
        %dma_start3A_275 = arith.constant 0 : i32
        %dma_start3A_276 = arith.constant 0 : i32
        %dma_start3A_277 = tpu.memref_slice %arg10[%dma_start3A_275, %dma_start3A_276] : memref<10000x128xf32, #tpu.memory_space<vmem_shared>> -> memref<10000x128xf32, #tpu.memory_space<vmem_shared>>
        tpu.enqueue_indirect_dma source(%dma_start3A_271 : memref<80x128xf32, #tpu.memory_space<vmem>>) target(%dma_start3A_277 : memref<10000x128xf32, #tpu.memory_space<vmem_shared>>) offsets(%dma_start3A_274 : memref<80xi32, #tpu.memory_space<vmem>>) semaphore(%run_scoped3A_267 : memref<!tpu.dma_semaphore, #tpu.memory_space<semaphore_mem>>) {add = true}
        %dma_wait3A_278 = arith.constant 0 : i32
        %dma_wait3A_279 = arith.constant 0 : i32
        %dma_wait3A_280 = tpu.memref_slice %arg8[%run_scoped3A_183, %dma_wait3A_278, %dma_wait3A_279] : memref<3x80x128xf32, #tpu.memory_space<vmem>> -> memref<1x80x128xf32, #tpu.memory_space<vmem>>
        %dma_wait3A_281 = tpu.memref_squeeze %dma_wait3A_280 : memref<1x80x128xf32, #tpu.memory_space<vmem>> -> memref<80x128xf32, #tpu.memory_space<vmem>>
        %dma_wait3A_282 = arith.constant 0 : i32
        %dma_wait3A_283 = tpu.memref_slice %arg7[%run_scoped3A_184, %dma_wait3A_282] : memref<3x80xi32, #tpu.memory_space<vmem>> -> memref<1x80xi32, #tpu.memory_space<vmem>>
        %dma_wait3A_284 = tpu.memref_squeeze %dma_wait3A_283 : memref<1x80xi32, #tpu.memory_space<vmem>> -> memref<80xi32, #tpu.memory_space<vmem>>
        %dma_wait3A_285 = arith.constant 0 : i32
        %dma_wait3A_286 = arith.constant 0 : i32
        %dma_wait3A_287 = tpu.memref_slice %arg10[%dma_wait3A_285, %dma_wait3A_286] : memref<10000x128xf32, #tpu.memory_space<vmem_shared>> -> memref<10000x128xf32, #tpu.memory_space<vmem_shared>>
        tpu.wait_indirect_dma semaphore(%run_scoped3A_267 : memref<!tpu.dma_semaphore, #tpu.memory_space<semaphore_mem>>) src(%dma_wait3A_281 : memref<80x128xf32, #tpu.memory_space<vmem>>) dst(%dma_wait3A_287 : memref<10000x128xf32, #tpu.memory_space<vmem_shared>>)
        tpu.yield
      }) : () -> ()
      %add3A_185 = arith.constant 3 : i32
      %add3A_186 = arith.addi %add3A_157, %add3A_185 : i32
      %lt3A = arith.constant 125 : i32
      %lt3A_187 = arith.cmpi slt, %add3A_186, %lt3A : i32
      %convert_element_type3A_188 = arith.extui %lt3A_187 : i1 to i32
      %cond3A_189 = arith.constant 0 : i32
      %cond3A_190 = arith.cmpi ne, %convert_element_type3A_188, %cond3A_189 : i32
      scf.if %cond3A_190 {
        %add3A_267 = arith.constant 3 : i32
        %add3A_268 = arith.addi %add3A_157, %add3A_267 : i32
        %mul3A_269 = arith.constant 80 : i32
        %mul3A_270 = arith.muli %add3A_268, %mul3A_269 : i32
        %add3A_271 = arith.addi %mul3A_2, %mul3A_270 : i32
        %multiple_of3A_272 = tpu.assume_multiple %add3A_271, 8 : i32
        %dma_start3A_273 = arith.constant 0 : i32
        %dma_start3A_274 = arith.constant 0 : i32
        %dma_start3A_275 = tpu.memref_slice %arg7[%dma_start3A_273, %dma_start3A_274] : memref<3x80xi32, #tpu.memory_space<vmem>> -> memref<1x80xi32, #tpu.memory_space<vmem>>
        %dma_start3A_276 = tpu.memref_squeeze %dma_start3A_275 : memref<1x80xi32, #tpu.memory_space<vmem>> -> memref<80xi32, #tpu.memory_space<vmem>>
        %dma_start3A_277 = tpu.memref_slice %arg4[%multiple_of3A_272] : memref<320000xi32, #tpu.memory_space<hbm>> -> memref<80xi32, #tpu.memory_space<hbm>>
        %dma_start3A_278 = arith.constant 0 : i32
        %dma_start3A_279 = tpu.memref_slice %arg7[%dma_start3A_273, %dma_start3A_278] : memref<3x80xi32, #tpu.memory_space<vmem>> -> memref<1x80xi32, #tpu.memory_space<vmem>>
        %dma_start3A_280 = tpu.memref_squeeze %dma_start3A_279 : memref<1x80xi32, #tpu.memory_space<vmem>> -> memref<80xi32, #tpu.memory_space<vmem>>
        %dma_start3A_281 = tpu.memref_slice %arg4[%multiple_of3A_272] : memref<320000xi32, #tpu.memory_space<hbm>> -> memref<80xi32, #tpu.memory_space<hbm>>
        tpu.enqueue_dma source(%dma_start3A_281 : memref<80xi32, #tpu.memory_space<hbm>>) target(%dma_start3A_280 : memref<80xi32, #tpu.memory_space<vmem>>) target_semaphore(%arg15 : memref<!tpu.dma_semaphore, #tpu.memory_space<semaphore_mem>>)
        %add3A_282 = arith.constant 3 : i32
        %add3A_283 = arith.addi %add3A_157, %add3A_282 : i32
        %mul3A_284 = arith.constant 80 : i32
        %mul3A_285 = arith.muli %add3A_283, %mul3A_284 : i32
        %multiple_of3A_286 = tpu.assume_multiple %mul3A_285, 8 : i32
        %dma_start3A_287 = arith.constant 0 : i32
        %dma_start3A_288 = arith.constant 0 : i32
        %dma_start3A_289 = arith.constant 0 : i32
        %dma_start3A_290 = tpu.memref_slice %arg8[%dma_start3A_287, %dma_start3A_288, %dma_start3A_289] : memref<3x80x128xf32, #tpu.memory_space<vmem>> -> memref<1x80x128xf32, #tpu.memory_space<vmem>>
        %dma_start3A_291 = tpu.memref_squeeze %dma_start3A_290 : memref<1x80x128xf32, #tpu.memory_space<vmem>> -> memref<80x128xf32, #tpu.memory_space<vmem>>
        %dma_start3A_292 = tpu.memref_slice %arg6[%multiple_of3A_286] : memref<10000xi32, #tpu.memory_space<vmem>> -> memref<80xi32, #tpu.memory_space<vmem>>
        %dma_start3A_293 = arith.constant 0 : i32
        %dma_start3A_294 = arith.constant 0 : i32
        %dma_start3A_295 = tpu.memref_slice %arg2[%dma_start3A_293, %dma_start3A_294] : memref<10000x128xf32, #tpu.memory_space<hbm>> -> memref<10000x128xf32, #tpu.memory_space<hbm>>
        tpu.enqueue_indirect_dma source(%dma_start3A_295 : memref<10000x128xf32, #tpu.memory_space<hbm>>) target(%dma_start3A_291 : memref<80x128xf32, #tpu.memory_space<vmem>>) offsets(%dma_start3A_292 : memref<80xi32, #tpu.memory_space<vmem>>) semaphore(%arg12 : memref<!tpu.dma_semaphore, #tpu.memory_space<semaphore_mem>>)
      } else {
      }
      %mul3A_191 = arith.constant 3 : i32
      %mul3A_192 = arith.muli %scan3A_153, %mul3A_191 : i32
      %add3A_193 = arith.constant 1 : i32
      %add3A_194 = arith.addi %mul3A_192, %add3A_193 : i32
      %mul3A_195 = arith.constant 80 : i32
      %mul3A_196 = arith.muli %add3A_194, %mul3A_195 : i32
      %multiple_of3A_197 = tpu.assume_multiple %mul3A_196, 8 : i32
      %dma_wait3A_198 = arith.constant 1 : i32
      %dma_wait3A_199 = arith.constant 0 : i32
      %dma_wait3A_200 = arith.constant 0 : i32
      %dma_wait3A_201 = tpu.memref_slice %arg8[%dma_wait3A_198, %dma_wait3A_199, %dma_wait3A_200] : memref<3x80x128xf32, #tpu.memory_space<vmem>> -> memref<1x80x128xf32, #tpu.memory_space<vmem>>
      %dma_wait3A_202 = tpu.memref_squeeze %dma_wait3A_201 : memref<1x80x128xf32, #tpu.memory_space<vmem>> -> memref<80x128xf32, #tpu.memory_space<vmem>>
      %dma_wait3A_203 = tpu.memref_slice %arg6[%multiple_of3A_197] : memref<10000xi32, #tpu.memory_space<vmem>> -> memref<80xi32, #tpu.memory_space<vmem>>
      %dma_wait3A_204 = arith.constant 0 : i32
      %dma_wait3A_205 = arith.constant 0 : i32
      %dma_wait3A_206 = tpu.memref_slice %arg2[%dma_wait3A_204, %dma_wait3A_205] : memref<10000x128xf32, #tpu.memory_space<hbm>> -> memref<10000x128xf32, #tpu.memory_space<hbm>>
      tpu.wait_indirect_dma semaphore(%arg13 : memref<!tpu.dma_semaphore, #tpu.memory_space<semaphore_mem>>) src(%dma_wait3A_206 : memref<10000x128xf32, #tpu.memory_space<hbm>>) dst(%dma_wait3A_202 : memref<80x128xf32, #tpu.memory_space<vmem>>)
      %mul3A_207 = arith.constant 80 : i32
      %mul3A_208 = arith.muli %add3A_194, %mul3A_207 : i32
      %add3A_209 = arith.addi %mul3A_2, %mul3A_208 : i32
      %multiple_of3A_210 = tpu.assume_multiple %add3A_209, 8 : i32
      %dma_wait3A_211 = arith.constant 1 : i32
      %dma_wait3A_212 = arith.constant 0 : i32
      %dma_wait3A_213 = tpu.memref_slice %arg7[%dma_wait3A_211, %dma_wait3A_212] : memref<3x80xi32, #tpu.memory_space<vmem>> -> memref<1x80xi32, #tpu.memory_space<vmem>>
      %dma_wait3A_214 = tpu.memref_squeeze %dma_wait3A_213 : memref<1x80xi32, #tpu.memory_space<vmem>> -> memref<80xi32, #tpu.memory_space<vmem>>
      %dma_wait3A_215 = tpu.memref_slice %arg4[%multiple_of3A_210] : memref<320000xi32, #tpu.memory_space<hbm>> -> memref<80xi32, #tpu.memory_space<hbm>>
      %dma_wait3A_216 = arith.constant 0 : i32
      %dma_wait3A_217 = tpu.memref_slice %arg7[%dma_wait3A_211, %dma_wait3A_216] : memref<3x80xi32, #tpu.memory_space<vmem>> -> memref<1x80xi32, #tpu.memory_space<vmem>>
      %dma_wait3A_218 = tpu.memref_squeeze %dma_wait3A_217 : memref<1x80xi32, #tpu.memory_space<vmem>> -> memref<80xi32, #tpu.memory_space<vmem>>
      %dma_wait3A_219 = tpu.memref_slice %arg4[%multiple_of3A_210] : memref<320000xi32, #tpu.memory_space<hbm>> -> memref<80xi32, #tpu.memory_space<hbm>>
      tpu.wait_dma2 semaphore(%arg16 : memref<!tpu.dma_semaphore, #tpu.memory_space<semaphore_mem>>) src(%dma_wait3A_219 : memref<80xi32, #tpu.memory_space<hbm>>) dst(%dma_wait3A_218 : memref<80xi32, #tpu.memory_space<vmem>>)
      %run_scoped3A_220 = arith.constant 1 : i32
      %run_scoped3A_221 = arith.constant 1 : i32
      "tpu.region"() ({
        %run_scoped3A_267 = tpu.sem_alloc : memref<!tpu.dma_semaphore, #tpu.memory_space<semaphore_mem>>
        %dma_start3A_268 = arith.constant 0 : i32
        %dma_start3A_269 = arith.constant 0 : i32
        %dma_start3A_270 = tpu.memref_slice %arg8[%run_scoped3A_220, %dma_start3A_268, %dma_start3A_269] : memref<3x80x128xf32, #tpu.memory_space<vmem>> -> memref<1x80x128xf32, #tpu.memory_space<vmem>>
        %dma_start3A_271 = tpu.memref_squeeze %dma_start3A_270 : memref<1x80x128xf32, #tpu.memory_space<vmem>> -> memref<80x128xf32, #tpu.memory_space<vmem>>
        %dma_start3A_272 = arith.constant 0 : i32
        %dma_start3A_273 = tpu.memref_slice %arg7[%run_scoped3A_221, %dma_start3A_272] : memref<3x80xi32, #tpu.memory_space<vmem>> -> memref<1x80xi32, #tpu.memory_space<vmem>>
        %dma_start3A_274 = tpu.memref_squeeze %dma_start3A_273 : memref<1x80xi32, #tpu.memory_space<vmem>> -> memref<80xi32, #tpu.memory_space<vmem>>
        %dma_start3A_275 = arith.constant 0 : i32
        %dma_start3A_276 = arith.constant 0 : i32
        %dma_start3A_277 = tpu.memref_slice %arg10[%dma_start3A_275, %dma_start3A_276] : memref<10000x128xf32, #tpu.memory_space<vmem_shared>> -> memref<10000x128xf32, #tpu.memory_space<vmem_shared>>
        tpu.enqueue_indirect_dma source(%dma_start3A_271 : memref<80x128xf32, #tpu.memory_space<vmem>>) target(%dma_start3A_277 : memref<10000x128xf32, #tpu.memory_space<vmem_shared>>) offsets(%dma_start3A_274 : memref<80xi32, #tpu.memory_space<vmem>>) semaphore(%run_scoped3A_267 : memref<!tpu.dma_semaphore, #tpu.memory_space<semaphore_mem>>) {add = true}
        %dma_wait3A_278 = arith.constant 0 : i32
        %dma_wait3A_279 = arith.constant 0 : i32
        %dma_wait3A_280 = tpu.memref_slice %arg8[%run_scoped3A_220, %dma_wait3A_278, %dma_wait3A_279] : memref<3x80x128xf32, #tpu.memory_space<vmem>> -> memref<1x80x128xf32, #tpu.memory_space<vmem>>
        %dma_wait3A_281 = tpu.memref_squeeze %dma_wait3A_280 : memref<1x80x128xf32, #tpu.memory_space<vmem>> -> memref<80x128xf32, #tpu.memory_space<vmem>>
        %dma_wait3A_282 = arith.constant 0 : i32
        %dma_wait3A_283 = tpu.memref_slice %arg7[%run_scoped3A_221, %dma_wait3A_282] : memref<3x80xi32, #tpu.memory_space<vmem>> -> memref<1x80xi32, #tpu.memory_space<vmem>>
        %dma_wait3A_284 = tpu.memref_squeeze %dma_wait3A_283 : memref<1x80xi32, #tpu.memory_space<vmem>> -> memref<80xi32, #tpu.memory_space<vmem>>
        %dma_wait3A_285 = arith.constant 0 : i32
        %dma_wait3A_286 = arith.constant 0 : i32
        %dma_wait3A_287 = tpu.memref_slice %arg10[%dma_wait3A_285, %dma_wait3A_286] : memref<10000x128xf32, #tpu.memory_space<vmem_shared>> -> memref<10000x128xf32, #tpu.memory_space<vmem_shared>>
        tpu.wait_indirect_dma semaphore(%run_scoped3A_267 : memref<!tpu.dma_semaphore, #tpu.memory_space<semaphore_mem>>) src(%dma_wait3A_281 : memref<80x128xf32, #tpu.memory_space<vmem>>) dst(%dma_wait3A_287 : memref<10000x128xf32, #tpu.memory_space<vmem_shared>>)
        tpu.yield
      }) : () -> ()
      %add3A_222 = arith.constant 3 : i32
      %add3A_223 = arith.addi %add3A_194, %add3A_222 : i32
      %lt3A_224 = arith.constant 125 : i32
      %lt3A_225 = arith.cmpi slt, %add3A_223, %lt3A_224 : i32
      %convert_element_type3A_226 = arith.extui %lt3A_225 : i1 to i32
      %cond3A_227 = arith.constant 0 : i32
      %cond3A_228 = arith.cmpi ne, %convert_element_type3A_226, %cond3A_227 : i32
      scf.if %cond3A_228 {
        %add3A_267 = arith.constant 3 : i32
        %add3A_268 = arith.addi %add3A_194, %add3A_267 : i32
        %mul3A_269 = arith.constant 80 : i32
        %mul3A_270 = arith.muli %add3A_268, %mul3A_269 : i32
        %add3A_271 = arith.addi %mul3A_2, %mul3A_270 : i32
        %multiple_of3A_272 = tpu.assume_multiple %add3A_271, 8 : i32
        %dma_start3A_273 = arith.constant 1 : i32
        %dma_start3A_274 = arith.constant 0 : i32
        %dma_start3A_275 = tpu.memref_slice %arg7[%dma_start3A_273, %dma_start3A_274] : memref<3x80xi32, #tpu.memory_space<vmem>> -> memref<1x80xi32, #tpu.memory_space<vmem>>
        %dma_start3A_276 = tpu.memref_squeeze %dma_start3A_275 : memref<1x80xi32, #tpu.memory_space<vmem>> -> memref<80xi32, #tpu.memory_space<vmem>>
        %dma_start3A_277 = tpu.memref_slice %arg4[%multiple_of3A_272] : memref<320000xi32, #tpu.memory_space<hbm>> -> memref<80xi32, #tpu.memory_space<hbm>>
        %dma_start3A_278 = arith.constant 0 : i32
        %dma_start3A_279 = tpu.memref_slice %arg7[%dma_start3A_273, %dma_start3A_278] : memref<3x80xi32, #tpu.memory_space<vmem>> -> memref<1x80xi32, #tpu.memory_space<vmem>>
        %dma_start3A_280 = tpu.memref_squeeze %dma_start3A_279 : memref<1x80xi32, #tpu.memory_space<vmem>> -> memref<80xi32, #tpu.memory_space<vmem>>
        %dma_start3A_281 = tpu.memref_slice %arg4[%multiple_of3A_272] : memref<320000xi32, #tpu.memory_space<hbm>> -> memref<80xi32, #tpu.memory_space<hbm>>
        tpu.enqueue_dma source(%dma_start3A_281 : memref<80xi32, #tpu.memory_space<hbm>>) target(%dma_start3A_280 : memref<80xi32, #tpu.memory_space<vmem>>) target_semaphore(%arg16 : memref<!tpu.dma_semaphore, #tpu.memory_space<semaphore_mem>>)
        %add3A_282 = arith.constant 3 : i32
        %add3A_283 = arith.addi %add3A_194, %add3A_282 : i32
        %mul3A_284 = arith.constant 80 : i32
        %mul3A_285 = arith.muli %add3A_283, %mul3A_284 : i32
        %multiple_of3A_286 = tpu.assume_multiple %mul3A_285, 8 : i32
        %dma_start3A_287 = arith.constant 1 : i32
        %dma_start3A_288 = arith.constant 0 : i32
        %dma_start3A_289 = arith.constant 0 : i32
        %dma_start3A_290 = tpu.memref_slice %arg8[%dma_start3A_287, %dma_start3A_288, %dma_start3A_289] : memref<3x80x128xf32, #tpu.memory_space<vmem>> -> memref<1x80x128xf32, #tpu.memory_space<vmem>>
        %dma_start3A_291 = tpu.memref_squeeze %dma_start3A_290 : memref<1x80x128xf32, #tpu.memory_space<vmem>> -> memref<80x128xf32, #tpu.memory_space<vmem>>
        %dma_start3A_292 = tpu.memref_slice %arg6[%multiple_of3A_286] : memref<10000xi32, #tpu.memory_space<vmem>> -> memref<80xi32, #tpu.memory_space<vmem>>
        %dma_start3A_293 = arith.constant 0 : i32
        %dma_start3A_294 = arith.constant 0 : i32
        %dma_start3A_295 = tpu.memref_slice %arg2[%dma_start3A_293, %dma_start3A_294] : memref<10000x128xf32, #tpu.memory_space<hbm>> -> memref<10000x128xf32, #tpu.memory_space<hbm>>
        tpu.enqueue_indirect_dma source(%dma_start3A_295 : memref<10000x128xf32, #tpu.memory_space<hbm>>) target(%dma_start3A_291 : memref<80x128xf32, #tpu.memory_space<vmem>>) offsets(%dma_start3A_292 : memref<80xi32, #tpu.memory_space<vmem>>) semaphore(%arg13 : memref<!tpu.dma_semaphore, #tpu.memory_space<semaphore_mem>>)
      } else {
      }
      %mul3A_229 = arith.constant 3 : i32
      %mul3A_230 = arith.muli %scan3A_153, %mul3A_229 : i32
      %add3A_231 = arith.constant 2 : i32
      %add3A_232 = arith.addi %mul3A_230, %add3A_231 : i32
      %mul3A_233 = arith.constant 80 : i32
      %mul3A_234 = arith.muli %add3A_232, %mul3A_233 : i32
      %multiple_of3A_235 = tpu.assume_multiple %mul3A_234, 8 : i32
      %dma_wait3A_236 = arith.constant 2 : i32
      %dma_wait3A_237 = arith.constant 0 : i32
      %dma_wait3A_238 = arith.constant 0 : i32
      %dma_wait3A_239 = tpu.memref_slice %arg8[%dma_wait3A_236, %dma_wait3A_237, %dma_wait3A_238] : memref<3x80x128xf32, #tpu.memory_space<vmem>> -> memref<1x80x128xf32, #tpu.memory_space<vmem>>
      %dma_wait3A_240 = tpu.memref_squeeze %dma_wait3A_239 : memref<1x80x128xf32, #tpu.memory_space<vmem>> -> memref<80x128xf32, #tpu.memory_space<vmem>>
      %dma_wait3A_241 = tpu.memref_slice %arg6[%multiple_of3A_235] : memref<10000xi32, #tpu.memory_space<vmem>> -> memref<80xi32, #tpu.memory_space<vmem>>
      %dma_wait3A_242 = arith.constant 0 : i32
      %dma_wait3A_243 = arith.constant 0 : i32
      %dma_wait3A_244 = tpu.memref_slice %arg2[%dma_wait3A_242, %dma_wait3A_243] : memref<10000x128xf32, #tpu.memory_space<hbm>> -> memref<10000x128xf32, #tpu.memory_space<hbm>>
      tpu.wait_indirect_dma semaphore(%arg14 : memref<!tpu.dma_semaphore, #tpu.memory_space<semaphore_mem>>) src(%dma_wait3A_244 : memref<10000x128xf32, #tpu.memory_space<hbm>>) dst(%dma_wait3A_240 : memref<80x128xf32, #tpu.memory_space<vmem>>)
      %mul3A_245 = arith.constant 80 : i32
      %mul3A_246 = arith.muli %add3A_232, %mul3A_245 : i32
      %add3A_247 = arith.addi %mul3A_2, %mul3A_246 : i32
      %multiple_of3A_248 = tpu.assume_multiple %add3A_247, 8 : i32
      %dma_wait3A_249 = arith.constant 2 : i32
      %dma_wait3A_250 = arith.constant 0 : i32
      %dma_wait3A_251 = tpu.memref_slice %arg7[%dma_wait3A_249, %dma_wait3A_250] : memref<3x80xi32, #tpu.memory_space<vmem>> -> memref<1x80xi32, #tpu.memory_space<vmem>>
      %dma_wait3A_252 = tpu.memref_squeeze %dma_wait3A_251 : memref<1x80xi32, #tpu.memory_space<vmem>> -> memref<80xi32, #tpu.memory_space<vmem>>
      %dma_wait3A_253 = tpu.memref_slice %arg4[%multiple_of3A_248] : memref<320000xi32, #tpu.memory_space<hbm>> -> memref<80xi32, #tpu.memory_space<hbm>>
      %dma_wait3A_254 = arith.constant 0 : i32
      %dma_wait3A_255 = tpu.memref_slice %arg7[%dma_wait3A_249, %dma_wait3A_254] : memref<3x80xi32, #tpu.memory_space<vmem>> -> memref<1x80xi32, #tpu.memory_space<vmem>>
      %dma_wait3A_256 = tpu.memref_squeeze %dma_wait3A_255 : memref<1x80xi32, #tpu.memory_space<vmem>> -> memref<80xi32, #tpu.memory_space<vmem>>
      %dma_wait3A_257 = tpu.memref_slice %arg4[%multiple_of3A_248] : memref<320000xi32, #tpu.memory_space<hbm>> -> memref<80xi32, #tpu.memory_space<hbm>>
      tpu.wait_dma2 semaphore(%arg17 : memref<!tpu.dma_semaphore, #tpu.memory_space<semaphore_mem>>) src(%dma_wait3A_257 : memref<80xi32, #tpu.memory_space<hbm>>) dst(%dma_wait3A_256 : memref<80xi32, #tpu.memory_space<vmem>>)
      %run_scoped3A_258 = arith.constant 2 : i32
      %run_scoped3A_259 = arith.constant 2 : i32
      "tpu.region"() ({
        %run_scoped3A_267 = tpu.sem_alloc : memref<!tpu.dma_semaphore, #tpu.memory_space<semaphore_mem>>
        %dma_start3A_268 = arith.constant 0 : i32
        %dma_start3A_269 = arith.constant 0 : i32
        %dma_start3A_270 = tpu.memref_slice %arg8[%run_scoped3A_258, %dma_start3A_268, %dma_start3A_269] : memref<3x80x128xf32, #tpu.memory_space<vmem>> -> memref<1x80x128xf32, #tpu.memory_space<vmem>>
        %dma_start3A_271 = tpu.memref_squeeze %dma_start3A_270 : memref<1x80x128xf32, #tpu.memory_space<vmem>> -> memref<80x128xf32, #tpu.memory_space<vmem>>
        %dma_start3A_272 = arith.constant 0 : i32
        %dma_start3A_273 = tpu.memref_slice %arg7[%run_scoped3A_259, %dma_start3A_272] : memref<3x80xi32, #tpu.memory_space<vmem>> -> memref<1x80xi32, #tpu.memory_space<vmem>>
        %dma_start3A_274 = tpu.memref_squeeze %dma_start3A_273 : memref<1x80xi32, #tpu.memory_space<vmem>> -> memref<80xi32, #tpu.memory_space<vmem>>
        %dma_start3A_275 = arith.constant 0 : i32
        %dma_start3A_276 = arith.constant 0 : i32
        %dma_start3A_277 = tpu.memref_slice %arg10[%dma_start3A_275, %dma_start3A_276] : memref<10000x128xf32, #tpu.memory_space<vmem_shared>> -> memref<10000x128xf32, #tpu.memory_space<vmem_shared>>
        tpu.enqueue_indirect_dma source(%dma_start3A_271 : memref<80x128xf32, #tpu.memory_space<vmem>>) target(%dma_start3A_277 : memref<10000x128xf32, #tpu.memory_space<vmem_shared>>) offsets(%dma_start3A_274 : memref<80xi32, #tpu.memory_space<vmem>>) semaphore(%run_scoped3A_267 : memref<!tpu.dma_semaphore, #tpu.memory_space<semaphore_mem>>) {add = true}
        %dma_wait3A_278 = arith.constant 0 : i32
        %dma_wait3A_279 = arith.constant 0 : i32
        %dma_wait3A_280 = tpu.memref_slice %arg8[%run_scoped3A_258, %dma_wait3A_278, %dma_wait3A_279] : memref<3x80x128xf32, #tpu.memory_space<vmem>> -> memref<1x80x128xf32, #tpu.memory_space<vmem>>
        %dma_wait3A_281 = tpu.memref_squeeze %dma_wait3A_280 : memref<1x80x128xf32, #tpu.memory_space<vmem>> -> memref<80x128xf32, #tpu.memory_space<vmem>>
        %dma_wait3A_282 = arith.constant 0 : i32
        %dma_wait3A_283 = tpu.memref_slice %arg7[%run_scoped3A_259, %dma_wait3A_282] : memref<3x80xi32, #tpu.memory_space<vmem>> -> memref<1x80xi32, #tpu.memory_space<vmem>>
        %dma_wait3A_284 = tpu.memref_squeeze %dma_wait3A_283 : memref<1x80xi32, #tpu.memory_space<vmem>> -> memref<80xi32, #tpu.memory_space<vmem>>
        %dma_wait3A_285 = arith.constant 0 : i32
        %dma_wait3A_286 = arith.constant 0 : i32
        %dma_wait3A_287 = tpu.memref_slice %arg10[%dma_wait3A_285, %dma_wait3A_286] : memref<10000x128xf32, #tpu.memory_space<vmem_shared>> -> memref<10000x128xf32, #tpu.memory_space<vmem_shared>>
        tpu.wait_indirect_dma semaphore(%run_scoped3A_267 : memref<!tpu.dma_semaphore, #tpu.memory_space<semaphore_mem>>) src(%dma_wait3A_281 : memref<80x128xf32, #tpu.memory_space<vmem>>) dst(%dma_wait3A_287 : memref<10000x128xf32, #tpu.memory_space<vmem_shared>>)
        tpu.yield
      }) : () -> ()
      %add3A_260 = arith.constant 3 : i32
      %add3A_261 = arith.addi %add3A_232, %add3A_260 : i32
      %lt3A_262 = arith.constant 125 : i32
      %lt3A_263 = arith.cmpi slt, %add3A_261, %lt3A_262 : i32
      %convert_element_type3A_264 = arith.extui %lt3A_263 : i1 to i32
      %cond3A_265 = arith.constant 0 : i32
      %cond3A_266 = arith.cmpi ne, %convert_element_type3A_264, %cond3A_265 : i32
      scf.if %cond3A_266 {
        %add3A_267 = arith.constant 3 : i32
        %add3A_268 = arith.addi %add3A_232, %add3A_267 : i32
        %mul3A_269 = arith.constant 80 : i32
        %mul3A_270 = arith.muli %add3A_268, %mul3A_269 : i32
        %add3A_271 = arith.addi %mul3A_2, %mul3A_270 : i32
        %multiple_of3A_272 = tpu.assume_multiple %add3A_271, 8 : i32
        %dma_start3A_273 = arith.constant 2 : i32
        %dma_start3A_274 = arith.constant 0 : i32
        %dma_start3A_275 = tpu.memref_slice %arg7[%dma_start3A_273, %dma_start3A_274] : memref<3x80xi32, #tpu.memory_space<vmem>> -> memref<1x80xi32, #tpu.memory_space<vmem>>
        %dma_start3A_276 = tpu.memref_squeeze %dma_start3A_275 : memref<1x80xi32, #tpu.memory_space<vmem>> -> memref<80xi32, #tpu.memory_space<vmem>>
        %dma_start3A_277 = tpu.memref_slice %arg4[%multiple_of3A_272] : memref<320000xi32, #tpu.memory_space<hbm>> -> memref<80xi32, #tpu.memory_space<hbm>>
        %dma_start3A_278 = arith.constant 0 : i32
        %dma_start3A_279 = tpu.memref_slice %arg7[%dma_start3A_273, %dma_start3A_278] : memref<3x80xi32, #tpu.memory_space<vmem>> -> memref<1x80xi32, #tpu.memory_space<vmem>>
        %dma_start3A_280 = tpu.memref_squeeze %dma_start3A_279 : memref<1x80xi32, #tpu.memory_space<vmem>> -> memref<80xi32, #tpu.memory_space<vmem>>
        %dma_start3A_281 = tpu.memref_slice %arg4[%multiple_of3A_272] : memref<320000xi32, #tpu.memory_space<hbm>> -> memref<80xi32, #tpu.memory_space<hbm>>
        tpu.enqueue_dma source(%dma_start3A_281 : memref<80xi32, #tpu.memory_space<hbm>>) target(%dma_start3A_280 : memref<80xi32, #tpu.memory_space<vmem>>) target_semaphore(%arg17 : memref<!tpu.dma_semaphore, #tpu.memory_space<semaphore_mem>>)
        %add3A_282 = arith.constant 3 : i32
        %add3A_283 = arith.addi %add3A_232, %add3A_282 : i32
        %mul3A_284 = arith.constant 80 : i32
        %mul3A_285 = arith.muli %add3A_283, %mul3A_284 : i32
        %multiple_of3A_286 = tpu.assume_multiple %mul3A_285, 8 : i32
        %dma_start3A_287 = arith.constant 2 : i32
        %dma_start3A_288 = arith.constant 0 : i32
        %dma_start3A_289 = arith.constant 0 : i32
        %dma_start3A_290 = tpu.memref_slice %arg8[%dma_start3A_287, %dma_start3A_288, %dma_start3A_289] : memref<3x80x128xf32, #tpu.memory_space<vmem>> -> memref<1x80x128xf32, #tpu.memory_space<vmem>>
        %dma_start3A_291 = tpu.memref_squeeze %dma_start3A_290 : memref<1x80x128xf32, #tpu.memory_space<vmem>> -> memref<80x128xf32, #tpu.memory_space<vmem>>
        %dma_start3A_292 = tpu.memref_slice %arg6[%multiple_of3A_286] : memref<10000xi32, #tpu.memory_space<vmem>> -> memref<80xi32, #tpu.memory_space<vmem>>
        %dma_start3A_293 = arith.constant 0 : i32
        %dma_start3A_294 = arith.constant 0 : i32
        %dma_start3A_295 = tpu.memref_slice %arg2[%dma_start3A_293, %dma_start3A_294] : memref<10000x128xf32, #tpu.memory_space<hbm>> -> memref<10000x128xf32, #tpu.memory_space<hbm>>
        tpu.enqueue_indirect_dma source(%dma_start3A_295 : memref<10000x128xf32, #tpu.memory_space<hbm>>) target(%dma_start3A_291 : memref<80x128xf32, #tpu.memory_space<vmem>>) offsets(%dma_start3A_292 : memref<80xi32, #tpu.memory_space<vmem>>) semaphore(%arg14 : memref<!tpu.dma_semaphore, #tpu.memory_space<semaphore_mem>>)
      } else {
      }
    }
    %scan3A_93 = arith.constant 41 : i32
    %multiple_of3A_94 = arith.constant 9840 : i32
    %multiple_of3A_95 = tpu.assume_multiple %multiple_of3A_94, 8 : i32
    %dma_wait3A_96 = arith.constant 0 : i32
    %dma_wait3A_97 = arith.constant 0 : i32
    %dma_wait3A_98 = arith.constant 0 : i32
    %dma_wait3A_99 = tpu.memref_slice %arg8[%dma_wait3A_96, %dma_wait3A_97, %dma_wait3A_98] : memref<3x80x128xf32, #tpu.memory_space<vmem>> -> memref<1x80x128xf32, #tpu.memory_space<vmem>>
    %dma_wait3A_100 = tpu.memref_squeeze %dma_wait3A_99 : memref<1x80x128xf32, #tpu.memory_space<vmem>> -> memref<80x128xf32, #tpu.memory_space<vmem>>
    %dma_wait3A_101 = tpu.memref_slice %arg6[%multiple_of3A_95] : memref<10000xi32, #tpu.memory_space<vmem>> -> memref<80xi32, #tpu.memory_space<vmem>>
    %dma_wait3A_102 = arith.constant 0 : i32
    %dma_wait3A_103 = arith.constant 0 : i32
    %dma_wait3A_104 = tpu.memref_slice %arg2[%dma_wait3A_102, %dma_wait3A_103] : memref<10000x128xf32, #tpu.memory_space<hbm>> -> memref<10000x128xf32, #tpu.memory_space<hbm>>
    tpu.wait_indirect_dma semaphore(%arg12 : memref<!tpu.dma_semaphore, #tpu.memory_space<semaphore_mem>>) src(%dma_wait3A_104 : memref<10000x128xf32, #tpu.memory_space<hbm>>) dst(%dma_wait3A_100 : memref<80x128xf32, #tpu.memory_space<vmem>>)
    %add3A_105 = arith.constant 9840 : i32
    %add3A_106 = arith.addi %mul3A_2, %add3A_105 : i32
    %multiple_of3A_107 = tpu.assume_multiple %add3A_106, 8 : i32
    %dma_wait3A_108 = arith.constant 0 : i32
    %dma_wait3A_109 = arith.constant 0 : i32
    %dma_wait3A_110 = tpu.memref_slice %arg7[%dma_wait3A_108, %dma_wait3A_109] : memref<3x80xi32, #tpu.memory_space<vmem>> -> memref<1x80xi32, #tpu.memory_space<vmem>>
    %dma_wait3A_111 = tpu.memref_squeeze %dma_wait3A_110 : memref<1x80xi32, #tpu.memory_space<vmem>> -> memref<80xi32, #tpu.memory_space<vmem>>
    %dma_wait3A_112 = tpu.memref_slice %arg4[%multiple_of3A_107] : memref<320000xi32, #tpu.memory_space<hbm>> -> memref<80xi32, #tpu.memory_space<hbm>>
    %dma_wait3A_113 = arith.constant 0 : i32
    %dma_wait3A_114 = tpu.memref_slice %arg7[%dma_wait3A_108, %dma_wait3A_113] : memref<3x80xi32, #tpu.memory_space<vmem>> -> memref<1x80xi32, #tpu.memory_space<vmem>>
    %dma_wait3A_115 = tpu.memref_squeeze %dma_wait3A_114 : memref<1x80xi32, #tpu.memory_space<vmem>> -> memref<80xi32, #tpu.memory_space<vmem>>
    %dma_wait3A_116 = tpu.memref_slice %arg4[%multiple_of3A_107] : memref<320000xi32, #tpu.memory_space<hbm>> -> memref<80xi32, #tpu.memory_space<hbm>>
    tpu.wait_dma2 semaphore(%arg15 : memref<!tpu.dma_semaphore, #tpu.memory_space<semaphore_mem>>) src(%dma_wait3A_116 : memref<80xi32, #tpu.memory_space<hbm>>) dst(%dma_wait3A_115 : memref<80xi32, #tpu.memory_space<vmem>>)
    %run_scoped3A = arith.constant 0 : i32
    %run_scoped3A_117 = arith.constant 0 : i32
    "tpu.region"() ({
      %run_scoped3A_153 = tpu.sem_alloc : memref<!tpu.dma_semaphore, #tpu.memory_space<semaphore_mem>>
      %dma_start3A_154 = arith.constant 0 : i32
      %dma_start3A_155 = arith.constant 0 : i32
      %dma_start3A_156 = tpu.memref_slice %arg8[%run_scoped3A, %dma_start3A_154, %dma_start3A_155] : memref<3x80x128xf32, #tpu.memory_space<vmem>> -> memref<1x80x128xf32, #tpu.memory_space<vmem>>
      %dma_start3A_157 = tpu.memref_squeeze %dma_start3A_156 : memref<1x80x128xf32, #tpu.memory_space<vmem>> -> memref<80x128xf32, #tpu.memory_space<vmem>>
      %dma_start3A_158 = arith.constant 0 : i32
      %dma_start3A_159 = tpu.memref_slice %arg7[%run_scoped3A_117, %dma_start3A_158] : memref<3x80xi32, #tpu.memory_space<vmem>> -> memref<1x80xi32, #tpu.memory_space<vmem>>
      %dma_start3A_160 = tpu.memref_squeeze %dma_start3A_159 : memref<1x80xi32, #tpu.memory_space<vmem>> -> memref<80xi32, #tpu.memory_space<vmem>>
      %dma_start3A_161 = arith.constant 0 : i32
      %dma_start3A_162 = arith.constant 0 : i32
      %dma_start3A_163 = tpu.memref_slice %arg10[%dma_start3A_161, %dma_start3A_162] : memref<10000x128xf32, #tpu.memory_space<vmem_shared>> -> memref<10000x128xf32, #tpu.memory_space<vmem_shared>>
      tpu.enqueue_indirect_dma source(%dma_start3A_157 : memref<80x128xf32, #tpu.memory_space<vmem>>) target(%dma_start3A_163 : memref<10000x128xf32, #tpu.memory_space<vmem_shared>>) offsets(%dma_start3A_160 : memref<80xi32, #tpu.memory_space<vmem>>) semaphore(%run_scoped3A_153 : memref<!tpu.dma_semaphore, #tpu.memory_space<semaphore_mem>>) {add = true}
      %dma_wait3A_164 = arith.constant 0 : i32
      %dma_wait3A_165 = arith.constant 0 : i32
      %dma_wait3A_166 = tpu.memref_slice %arg8[%run_scoped3A, %dma_wait3A_164, %dma_wait3A_165] : memref<3x80x128xf32, #tpu.memory_space<vmem>> -> memref<1x80x128xf32, #tpu.memory_space<vmem>>
      %dma_wait3A_167 = tpu.memref_squeeze %dma_wait3A_166 : memref<1x80x128xf32, #tpu.memory_space<vmem>> -> memref<80x128xf32, #tpu.memory_space<vmem>>
      %dma_wait3A_168 = arith.constant 0 : i32
      %dma_wait3A_169 = tpu.memref_slice %arg7[%run_scoped3A_117, %dma_wait3A_168] : memref<3x80xi32, #tpu.memory_space<vmem>> -> memref<1x80xi32, #tpu.memory_space<vmem>>
      %dma_wait3A_170 = tpu.memref_squeeze %dma_wait3A_169 : memref<1x80xi32, #tpu.memory_space<vmem>> -> memref<80xi32, #tpu.memory_space<vmem>>
      %dma_wait3A_171 = arith.constant 0 : i32
      %dma_wait3A_172 = arith.constant 0 : i32
      %dma_wait3A_173 = tpu.memref_slice %arg10[%dma_wait3A_171, %dma_wait3A_172] : memref<10000x128xf32, #tpu.memory_space<vmem_shared>> -> memref<10000x128xf32, #tpu.memory_space<vmem_shared>>
      tpu.wait_indirect_dma semaphore(%run_scoped3A_153 : memref<!tpu.dma_semaphore, #tpu.memory_space<semaphore_mem>>) src(%dma_wait3A_167 : memref<80x128xf32, #tpu.memory_space<vmem>>) dst(%dma_wait3A_173 : memref<10000x128xf32, #tpu.memory_space<vmem_shared>>)
      tpu.yield
    }) : () -> ()
    %multiple_of3A_118 = arith.constant 9920 : i32
    %multiple_of3A_119 = tpu.assume_multiple %multiple_of3A_118, 8 : i32
    %dma_wait3A_120 = arith.constant 1 : i32
    %dma_wait3A_121 = arith.constant 0 : i32
    %dma_wait3A_122 = arith.constant 0 : i32
    %dma_wait3A_123 = tpu.memref_slice %arg8[%dma_wait3A_120, %dma_wait3A_121, %dma_wait3A_122] : memref<3x80x128xf32, #tpu.memory_space<vmem>> -> memref<1x80x128xf32, #tpu.memory_space<vmem>>
    %dma_wait3A_124 = tpu.memref_squeeze %dma_wait3A_123 : memref<1x80x128xf32, #tpu.memory_space<vmem>> -> memref<80x128xf32, #tpu.memory_space<vmem>>
    %dma_wait3A_125 = tpu.memref_slice %arg6[%multiple_of3A_119] : memref<10000xi32, #tpu.memory_space<vmem>> -> memref<80xi32, #tpu.memory_space<vmem>>
    %dma_wait3A_126 = arith.constant 0 : i32
    %dma_wait3A_127 = arith.constant 0 : i32
    %dma_wait3A_128 = tpu.memref_slice %arg2[%dma_wait3A_126, %dma_wait3A_127] : memref<10000x128xf32, #tpu.memory_space<hbm>> -> memref<10000x128xf32, #tpu.memory_space<hbm>>
    tpu.wait_indirect_dma semaphore(%arg13 : memref<!tpu.dma_semaphore, #tpu.memory_space<semaphore_mem>>) src(%dma_wait3A_128 : memref<10000x128xf32, #tpu.memory_space<hbm>>) dst(%dma_wait3A_124 : memref<80x128xf32, #tpu.memory_space<vmem>>)
    %add3A_129 = arith.constant 9920 : i32
    %add3A_130 = arith.addi %mul3A_2, %add3A_129 : i32
    %multiple_of3A_131 = tpu.assume_multiple %add3A_130, 8 : i32
    %dma_wait3A_132 = arith.constant 1 : i32
    %dma_wait3A_133 = arith.constant 0 : i32
    %dma_wait3A_134 = tpu.memref_slice %arg7[%dma_wait3A_132, %dma_wait3A_133] : memref<3x80xi32, #tpu.memory_space<vmem>> -> memref<1x80xi32, #tpu.memory_space<vmem>>
    %dma_wait3A_135 = tpu.memref_squeeze %dma_wait3A_134 : memref<1x80xi32, #tpu.memory_space<vmem>> -> memref<80xi32, #tpu.memory_space<vmem>>
    %dma_wait3A_136 = tpu.memref_slice %arg4[%multiple_of3A_131] : memref<320000xi32, #tpu.memory_space<hbm>> -> memref<80xi32, #tpu.memory_space<hbm>>
    %dma_wait3A_137 = arith.constant 0 : i32
    %dma_wait3A_138 = tpu.memref_slice %arg7[%dma_wait3A_132, %dma_wait3A_137] : memref<3x80xi32, #tpu.memory_space<vmem>> -> memref<1x80xi32, #tpu.memory_space<vmem>>
    %dma_wait3A_139 = tpu.memref_squeeze %dma_wait3A_138 : memref<1x80xi32, #tpu.memory_space<vmem>> -> memref<80xi32, #tpu.memory_space<vmem>>
    %dma_wait3A_140 = tpu.memref_slice %arg4[%multiple_of3A_131] : memref<320000xi32, #tpu.memory_space<hbm>> -> memref<80xi32, #tpu.memory_space<hbm>>
    tpu.wait_dma2 semaphore(%arg16 : memref<!tpu.dma_semaphore, #tpu.memory_space<semaphore_mem>>) src(%dma_wait3A_140 : memref<80xi32, #tpu.memory_space<hbm>>) dst(%dma_wait3A_139 : memref<80xi32, #tpu.memory_space<vmem>>)
    %run_scoped3A_141 = arith.constant 1 : i32
    %run_scoped3A_142 = arith.constant 1 : i32
    "tpu.region"() ({
      %run_scoped3A_153 = tpu.sem_alloc : memref<!tpu.dma_semaphore, #tpu.memory_space<semaphore_mem>>
      %dma_start3A_154 = arith.constant 0 : i32
      %dma_start3A_155 = arith.constant 0 : i32
      %dma_start3A_156 = tpu.memref_slice %arg8[%run_scoped3A_141, %dma_start3A_154, %dma_start3A_155] : memref<3x80x128xf32, #tpu.memory_space<vmem>> -> memref<1x80x128xf32, #tpu.memory_space<vmem>>
      %dma_start3A_157 = tpu.memref_squeeze %dma_start3A_156 : memref<1x80x128xf32, #tpu.memory_space<vmem>> -> memref<80x128xf32, #tpu.memory_space<vmem>>
      %dma_start3A_158 = arith.constant 0 : i32
      %dma_start3A_159 = tpu.memref_slice %arg7[%run_scoped3A_142, %dma_start3A_158] : memref<3x80xi32, #tpu.memory_space<vmem>> -> memref<1x80xi32, #tpu.memory_space<vmem>>
      %dma_start3A_160 = tpu.memref_squeeze %dma_start3A_159 : memref<1x80xi32, #tpu.memory_space<vmem>> -> memref<80xi32, #tpu.memory_space<vmem>>
      %dma_start3A_161 = arith.constant 0 : i32
      %dma_start3A_162 = arith.constant 0 : i32
      %dma_start3A_163 = tpu.memref_slice %arg10[%dma_start3A_161, %dma_start3A_162] : memref<10000x128xf32, #tpu.memory_space<vmem_shared>> -> memref<10000x128xf32, #tpu.memory_space<vmem_shared>>
      tpu.enqueue_indirect_dma source(%dma_start3A_157 : memref<80x128xf32, #tpu.memory_space<vmem>>) target(%dma_start3A_163 : memref<10000x128xf32, #tpu.memory_space<vmem_shared>>) offsets(%dma_start3A_160 : memref<80xi32, #tpu.memory_space<vmem>>) semaphore(%run_scoped3A_153 : memref<!tpu.dma_semaphore, #tpu.memory_space<semaphore_mem>>) {add = true}
      %dma_wait3A_164 = arith.constant 0 : i32
      %dma_wait3A_165 = arith.constant 0 : i32
      %dma_wait3A_166 = tpu.memref_slice %arg8[%run_scoped3A_141, %dma_wait3A_164, %dma_wait3A_165] : memref<3x80x128xf32, #tpu.memory_space<vmem>> -> memref<1x80x128xf32, #tpu.memory_space<vmem>>
      %dma_wait3A_167 = tpu.memref_squeeze %dma_wait3A_166 : memref<1x80x128xf32, #tpu.memory_space<vmem>> -> memref<80x128xf32, #tpu.memory_space<vmem>>
      %dma_wait3A_168 = arith.constant 0 : i32
      %dma_wait3A_169 = tpu.memref_slice %arg7[%run_scoped3A_142, %dma_wait3A_168] : memref<3x80xi32, #tpu.memory_space<vmem>> -> memref<1x80xi32, #tpu.memory_space<vmem>>
      %dma_wait3A_170 = tpu.memref_squeeze %dma_wait3A_169 : memref<1x80xi32, #tpu.memory_space<vmem>> -> memref<80xi32, #tpu.memory_space<vmem>>
      %dma_wait3A_171 = arith.constant 0 : i32
      %dma_wait3A_172 = arith.constant 0 : i32
      %dma_wait3A_173 = tpu.memref_slice %arg10[%dma_wait3A_171, %dma_wait3A_172] : memref<10000x128xf32, #tpu.memory_space<vmem_shared>> -> memref<10000x128xf32, #tpu.memory_space<vmem_shared>>
      tpu.wait_indirect_dma semaphore(%run_scoped3A_153 : memref<!tpu.dma_semaphore, #tpu.memory_space<semaphore_mem>>) src(%dma_wait3A_167 : memref<80x128xf32, #tpu.memory_space<vmem>>) dst(%dma_wait3A_173 : memref<10000x128xf32, #tpu.memory_space<vmem_shared>>)
      tpu.yield
    }) : () -> ()
    %barrier3A_143 = arith.constant 0 : index
    tpu.barrier barrier_id(%barrier3A_143)
    %mul3A_144 = arith.constant 624 : i32
    %mul3A_145 = arith.muli %arg1, %mul3A_144 : i32
    %mul3A_146 = arith.constant 624 : i32
    %mul3A_147 = arith.muli %arg1, %mul3A_146 : i32
    "tpu.region"() ({
      %run_scoped3A_153 = tpu.sem_alloc : memref<!tpu.dma_semaphore, #tpu.memory_space<semaphore_mem>>
      %dma_start3A_154 = arith.constant 0 : i32
      %dma_start3A_155 = tpu.memref_slice %arg5[%arg0, %mul3A_147, %dma_start3A_154] : memref<2x10000x128xf32, #tpu.memory_space<hbm>> -> memref<1x624x128xf32, #tpu.memory_space<hbm>>
      %dma_start3A_156 = tpu.memref_squeeze %dma_start3A_155 : memref<1x624x128xf32, #tpu.memory_space<hbm>> -> memref<624x128xf32, #tpu.memory_space<hbm>>
      %dma_start3A_157 = arith.constant 0 : i32
      %dma_start3A_158 = tpu.memref_slice %arg10[%mul3A_145, %dma_start3A_157] : memref<10000x128xf32, #tpu.memory_space<vmem_shared>> -> memref<624x128xf32, #tpu.memory_space<vmem_shared>>
      tpu.enqueue_dma source(%dma_start3A_158 : memref<624x128xf32, #tpu.memory_space<vmem_shared>>) target(%dma_start3A_156 : memref<624x128xf32, #tpu.memory_space<hbm>>) target_semaphore(%run_scoped3A_153 : memref<!tpu.dma_semaphore, #tpu.memory_space<semaphore_mem>>)
      %dma_wait3A_159 = arith.constant 0 : i32
      %dma_wait3A_160 = tpu.memref_slice %arg5[%arg0, %mul3A_147, %dma_wait3A_159] : memref<2x10000x128xf32, #tpu.memory_space<hbm>> -> memref<1x624x128xf32, #tpu.memory_space<hbm>>
      %dma_wait3A_161 = tpu.memref_squeeze %dma_wait3A_160 : memref<1x624x128xf32, #tpu.memory_space<hbm>> -> memref<624x128xf32, #tpu.memory_space<hbm>>
      %dma_wait3A_162 = arith.constant 0 : i32
      %dma_wait3A_163 = tpu.memref_slice %arg10[%mul3A_145, %dma_wait3A_162] : memref<10000x128xf32, #tpu.memory_space<vmem_shared>> -> memref<624x128xf32, #tpu.memory_space<vmem_shared>>
      tpu.wait_dma2 semaphore(%run_scoped3A_153 : memref<!tpu.dma_semaphore, #tpu.memory_space<semaphore_mem>>) src(%dma_wait3A_163 : memref<624x128xf32, #tpu.memory_space<vmem_shared>>) dst(%dma_wait3A_161 : memref<624x128xf32, #tpu.memory_space<hbm>>)
      tpu.yield
    }) : () -> ()
    %eq3A_148 = arith.constant 15 : i32
    %eq3A_149 = arith.cmpi eq, %arg1, %eq3A_148 : i32
    %convert_element_type3A_150 = arith.extui %eq3A_149 : i1 to i32
    %cond3A_151 = arith.constant 0 : i32
    %cond3A_152 = arith.cmpi ne, %convert_element_type3A_150, %cond3A_151 : i32
    scf.if %cond3A_152 {
      "tpu.region"() ({
        %run_scoped3A_153 = tpu.sem_alloc : memref<!tpu.dma_semaphore, #tpu.memory_space<semaphore_mem>>
        %dma_start3A_154 = arith.constant 9984 : i32
        %dma_start3A_155 = arith.constant 0 : i32
        %dma_start3A_156 = tpu.memref_slice %arg5[%arg0, %dma_start3A_154, %dma_start3A_155] : memref<2x10000x128xf32, #tpu.memory_space<hbm>> -> memref<1x16x128xf32, #tpu.memory_space<hbm>>
        %dma_start3A_157 = tpu.memref_squeeze %dma_start3A_156 : memref<1x16x128xf32, #tpu.memory_space<hbm>> -> memref<16x128xf32, #tpu.memory_space<hbm>>
        %dma_start3A_158 = arith.constant 9984 : i32
        %dma_start3A_159 = arith.constant 0 : i32
        %dma_start3A_160 = tpu.memref_slice %arg10[%dma_start3A_158, %dma_start3A_159] : memref<10000x128xf32, #tpu.memory_space<vmem_shared>> -> memref<16x128xf32, #tpu.memory_space<vmem_shared>>
        tpu.enqueue_dma source(%dma_start3A_160 : memref<16x128xf32, #tpu.memory_space<vmem_shared>>) target(%dma_start3A_157 : memref<16x128xf32, #tpu.memory_space<hbm>>) target_semaphore(%run_scoped3A_153 : memref<!tpu.dma_semaphore, #tpu.memory_space<semaphore_mem>>)
        %dma_wait3A_161 = arith.constant 9984 : i32
        %dma_wait3A_162 = arith.constant 0 : i32
        %dma_wait3A_163 = tpu.memref_slice %arg5[%arg0, %dma_wait3A_161, %dma_wait3A_162] : memref<2x10000x128xf32, #tpu.memory_space<hbm>> -> memref<1x16x128xf32, #tpu.memory_space<hbm>>
        %dma_wait3A_164 = tpu.memref_squeeze %dma_wait3A_163 : memref<1x16x128xf32, #tpu.memory_space<hbm>> -> memref<16x128xf32, #tpu.memory_space<hbm>>
        %dma_wait3A_165 = arith.constant 9984 : i32
        %dma_wait3A_166 = arith.constant 0 : i32
        %dma_wait3A_167 = tpu.memref_slice %arg10[%dma_wait3A_165, %dma_wait3A_166] : memref<10000x128xf32, #tpu.memory_space<vmem_shared>> -> memref<16x128xf32, #tpu.memory_space<vmem_shared>>
        tpu.wait_dma2 semaphore(%run_scoped3A_153 : memref<!tpu.dma_semaphore, #tpu.memory_space<semaphore_mem>>) src(%dma_wait3A_167 : memref<16x128xf32, #tpu.memory_space<vmem_shared>>) dst(%dma_wait3A_164 : memref<16x128xf32, #tpu.memory_space<hbm>>)
        tpu.yield
      }) : () -> ()
    } else {
    }
    return
  }
}

#map = affine_map<(d0, d1) -> (0, 0)>
#map1 = affine_map<(d0, d1) -> (0)>
#map2 = affine_map<(d0, d1) -> (0, 0, 0)>
module attributes {stable_mosaic.version = 14 : i64} {
  func.func @_sc_agg(%arg0: i32, %arg1: i32, %arg2: memref<10000x128xf32, #tpu.memory_space<hbm>>, %arg3: memref<320000xi32, #tpu.memory_space<hbm>>, %arg4: memref<320000xi32, #tpu.memory_space<hbm>>, %arg5: memref<2x10000x128xf32, #tpu.memory_space<hbm>>, %arg6: memref<10000xi32, #tpu.memory_space<vmem>>, %arg7: memref<3x80xi32, #tpu.memory_space<vmem>>, %arg8: memref<3x80x128xf32, #tpu.memory_space<vmem>>, %arg9: memref<8x128xf32, #tpu.memory_space<vmem>>, %arg10: memref<10000x128xf32, #tpu.memory_space<vmem_shared>>, %arg11: memref<!tpu.dma_semaphore, #tpu.memory_space<semaphore_mem>>, %arg12: memref<!tpu.dma_semaphore, #tpu.memory_space<semaphore_mem>>, %arg13: memref<!tpu.dma_semaphore, #tpu.memory_space<semaphore_mem>>, %arg14: memref<!tpu.dma_semaphore, #tpu.memory_space<semaphore_mem>>, %arg15: memref<!tpu.dma_semaphore, #tpu.memory_space<semaphore_mem>>, %arg16: memref<!tpu.dma_semaphore, #tpu.memory_space<semaphore_mem>>, %arg17: memref<!tpu.dma_semaphore, #tpu.memory_space<semaphore_mem>>) attributes {dimension_semantics = [#tpu.dimension_semantics<core_parallel>, #tpu.dimension_semantics<subcore_parallel>], iteration_bounds = array<i64: 2, 16>, scalar_prefetch = 0 : i64, scratch_operands = 12 : i64, tpu.core_type = #tpu.core_type<sc_vector_subcore>, window_params = [{transform_indices = #map}, {transform_indices = #map1}, {transform_indices = #map1}, {transform_indices = #map2}]} {
    %mul3A = arith.constant 2 : i32
    %mul3A_0 = arith.muli %arg1, %mul3A : i32
    %add3A = arith.addi %mul3A_0, %arg0 : i32
    %mul3A_1 = arith.constant 10000 : i32
    %mul3A_2 = arith.muli %add3A, %mul3A_1 : i32
    %multiple_of3A = tpu.assume_multiple %mul3A_2, 8 : i32
    %dma_start3A = tpu.memref_slice %arg3[%multiple_of3A] : memref<320000xi32, #tpu.memory_space<hbm>> -> memref<10000xi32, #tpu.memory_space<hbm>>
    %dma_start3A_3 = tpu.memref_slice %arg3[%multiple_of3A] : memref<320000xi32, #tpu.memory_space<hbm>> -> memref<10000xi32, #tpu.memory_space<hbm>>
    tpu.enqueue_dma source(%dma_start3A_3 : memref<10000xi32, #tpu.memory_space<hbm>>) target(%arg6 : memref<10000xi32, #tpu.memory_space<vmem>>) target_semaphore(%arg11 : memref<!tpu.dma_semaphore, #tpu.memory_space<semaphore_mem>>)
    %broadcast_in_dim3A = arith.constant 0.000000e+00 : f32
    %broadcast_in_dim3A_4 = vector.broadcast %broadcast_in_dim3A : f32 to vector<16xf32>
    %scan3A = arith.constant 0 : i32
    %scan3A_5 = arith.constant 0 : i32
    %scan3A_6 = arith.constant 64 : i32
    %scan3A_7 = arith.addi %scan3A_5, %scan3A_6 : i32
    %scan3A_8 = arith.constant 1 : i32
    scf.for %scan3A_153 = %scan3A_5 to %scan3A_7 step %scan3A_8  : i32 {
      %jit3A = arith.constant 8 : i32
      %div3A = arith.divsi %scan3A_153, %jit3A : i32
      %sign3A = arith.constant 0 : i32
      %sign3A_154 = arith.cmpi sgt, %scan3A_153, %sign3A : i32
      %sign3A_155 = arith.extui %sign3A_154 : i1 to i32
      %sign3A_156 = arith.constant 0 : i32
      %sign3A_157 = arith.cmpi slt, %scan3A_153, %sign3A_156 : i32
      %sign3A_158 = arith.extui %sign3A_157 : i1 to i32
      %sign3A_159 = arith.subi %sign3A_155, %sign3A_158 : i32
      %sign3A_160 = arith.constant 0 : i32
      %sign3A_161 = arith.cmpi sgt, %jit3A, %sign3A_160 : i32
      %sign3A_162 = arith.extui %sign3A_161 : i1 to i32
      %sign3A_163 = arith.constant 0 : i32
      %sign3A_164 = arith.cmpi slt, %jit3A, %sign3A_163 : i32
      %sign3A_165 = arith.extui %sign3A_164 : i1 to i32
      %sign3A_166 = arith.subi %sign3A_162, %sign3A_165 : i32
      %ne3A = arith.cmpi ne, %sign3A_159, %sign3A_166 : i32
      %rem3A = arith.remsi %scan3A_153, %jit3A : i32
      %ne3A_167 = arith.constant 0 : i32
      %ne3A_168 = arith.cmpi ne, %rem3A, %ne3A_167 : i32
      %and3A = arith.andi %ne3A, %ne3A_168 : i1
      %sub3A = arith.constant 1 : i32
      %sub3A_169 = arith.subi %div3A, %sub3A : i32
      %select_n3A = arith.select %and3A, %sub3A_169, %div3A : i32
      %jit3A_170 = arith.constant 8 : i32
      %eq3A_171 = arith.constant 0 : i32
      %eq3A_172 = arith.cmpi eq, %jit3A_170, %eq3A_171 : i32
      %jit3A_173 = arith.constant 1 : i32
      %select_n3A_174 = arith.select %eq3A_172, %jit3A_173, %jit3A_170 : i32
      %rem3A_175 = arith.remsi %scan3A_153, %select_n3A_174 : i32
      %ne3A_176 = arith.constant 0 : i32
      %ne3A_177 = arith.cmpi ne, %rem3A_175, %ne3A_176 : i32
      %lt3A = arith.constant 0 : i32
      %lt3A_178 = arith.cmpi slt, %rem3A_175, %lt3A : i32
      %lt3A_179 = arith.constant 0 : i32
      %lt3A_180 = arith.cmpi slt, %select_n3A_174, %lt3A_179 : i32
      %ne3A_181 = arith.xori %lt3A_178, %lt3A_180 : i1
      %and3A_182 = arith.andi %ne3A_181, %ne3A_177 : i1
      %add3A_183 = arith.addi %rem3A_175, %select_n3A_174 : i32
      %select_n3A_184 = arith.select %and3A_182, %add3A_183, %rem3A_175 : i32
      %mul3A_185 = arith.constant 16 : i32
      %mul3A_186 = arith.muli %select_n3A_184, %mul3A_185 : i32
      %swap3A = arith.index_cast %select_n3A : i32 to index
      %swap3A_187 = arith.index_cast %mul3A_186 : i32 to index
      %swap3A_188 = tpu.vector_load %arg9[%swap3A, %swap3A_187] {strides = array<i32>} : memref<8x128xf32, #tpu.memory_space<vmem>>, vector<1x16xf32>,
      %swap3A_189 = vector.shape_cast %swap3A_188 : vector<1x16xf32> to vector<16xf32>
      %swap3A_190 = vector.shape_cast %broadcast_in_dim3A_4 : vector<16xf32> to vector<1x16xf32>
      tpu.vector_store %arg9[%swap3A, %swap3A_187], %swap3A_190 {strides = array<i32>} : memref<8x128xf32, #tpu.memory_space<vmem>>, vector<1x16xf32>,
    }
    %scan3A_9 = arith.constant 64 : i32
    %scan3A_10 = arith.constant 0 : i32
    %scan3A_11 = arith.constant 0 : i32
    %scan3A_12 = arith.constant 78 : i32
    %scan3A_13 = arith.addi %scan3A_11, %scan3A_12 : i32
    %scan3A_14 = arith.constant 1 : i32
    scf.for %scan3A_153 = %scan3A_11 to %scan3A_13 step %scan3A_14  : i32 {
      %mul3A_154 = arith.constant 624 : i32
      %mul3A_155 = arith.muli %arg1, %mul3A_154 : i32
      %mul3A_156 = arith.constant 8 : i32
      %mul3A_157 = arith.muli %scan3A_153, %mul3A_156 : i32
      %add3A_158 = arith.addi %mul3A_155, %mul3A_157 : i32
      "tpu.region"() ({
        %run_scoped3A_159 = tpu.sem_alloc : memref<!tpu.dma_semaphore, #tpu.memory_space<semaphore_mem>>
        %dma_start3A_160 = arith.constant 0 : i32
        %dma_start3A_161 = tpu.memref_slice %arg10[%add3A_158, %dma_start3A_160] : memref<10000x128xf32, #tpu.memory_space<vmem_shared>> -> memref<8x128xf32, #tpu.memory_space<vmem_shared>>
        %dma_start3A_162 = arith.constant 0 : i32
        %dma_start3A_163 = tpu.memref_slice %arg10[%add3A_158, %dma_start3A_162] : memref<10000x128xf32, #tpu.memory_space<vmem_shared>> -> memref<8x128xf32, #tpu.memory_space<vmem_shared>>
        tpu.enqueue_dma source(%arg9 : memref<8x128xf32, #tpu.memory_space<vmem>>) target(%dma_start3A_163 : memref<8x128xf32, #tpu.memory_space<vmem_shared>>) target_semaphore(%run_scoped3A_159 : memref<!tpu.dma_semaphore, #tpu.memory_space<semaphore_mem>>)
        %dma_wait3A_164 = arith.constant 0 : i32
        %dma_wait3A_165 = tpu.memref_slice %arg10[%add3A_158, %dma_wait3A_164] : memref<10000x128xf32, #tpu.memory_space<vmem_shared>> -> memref<8x128xf32, #tpu.memory_space<vmem_shared>>
        %dma_wait3A_166 = arith.constant 0 : i32
        %dma_wait3A_167 = tpu.memref_slice %arg10[%add3A_158, %dma_wait3A_166] : memref<10000x128xf32, #tpu.memory_space<vmem_shared>> -> memref<8x128xf32, #tpu.memory_space<vmem_shared>>
        tpu.wait_dma2 semaphore(%run_scoped3A_159 : memref<!tpu.dma_semaphore, #tpu.memory_space<semaphore_mem>>) src(%arg9 : memref<8x128xf32, #tpu.memory_space<vmem>>) dst(%dma_wait3A_167 : memref<8x128xf32, #tpu.memory_space<vmem_shared>>)
        tpu.yield
      }) : () -> ()
    }
    %scan3A_15 = arith.constant 78 : i32
    %eq3A = arith.constant 15 : i32
    %eq3A_16 = arith.cmpi eq, %arg1, %eq3A : i32
    %convert_element_type3A = arith.extui %eq3A_16 : i1 to i32
    %cond3A = arith.constant 0 : i32
    %cond3A_17 = arith.cmpi ne, %convert_element_type3A, %cond3A : i32
    scf.if %cond3A_17 {
      "tpu.region"() ({
        %run_scoped3A_153 = tpu.sem_alloc : memref<!tpu.dma_semaphore, #tpu.memory_space<semaphore_mem>>
        %dma_start3A_154 = arith.constant 0 : i32
        %dma_start3A_155 = arith.constant 0 : i32
        %dma_start3A_156 = tpu.memref_slice %arg9[%dma_start3A_154, %dma_start3A_155] : memref<8x128xf32, #tpu.memory_space<vmem>> -> memref<16x128xf32, #tpu.memory_space<vmem>>
        %dma_start3A_157 = arith.constant 9984 : i32
        %dma_start3A_158 = arith.constant 0 : i32
        %dma_start3A_159 = tpu.memref_slice %arg10[%dma_start3A_157, %dma_start3A_158] : memref<10000x128xf32, #tpu.memory_space<vmem_shared>> -> memref<16x128xf32, #tpu.memory_space<vmem_shared>>
        %dma_start3A_160 = arith.constant 9984 : i32
        %dma_start3A_161 = arith.constant 0 : i32
        %dma_start3A_162 = tpu.memref_slice %arg10[%dma_start3A_160, %dma_start3A_161] : memref<10000x128xf32, #tpu.memory_space<vmem_shared>> -> memref<16x128xf32, #tpu.memory_space<vmem_shared>>
        %dma_start3A_163 = arith.constant 0 : i32
        %dma_start3A_164 = arith.constant 0 : i32
        %dma_start3A_165 = tpu.memref_slice %arg9[%dma_start3A_163, %dma_start3A_164] : memref<8x128xf32, #tpu.memory_space<vmem>> -> memref<16x128xf32, #tpu.memory_space<vmem>>
        tpu.enqueue_dma source(%dma_start3A_165 : memref<16x128xf32, #tpu.memory_space<vmem>>) target(%dma_start3A_162 : memref<16x128xf32, #tpu.memory_space<vmem_shared>>) target_semaphore(%run_scoped3A_153 : memref<!tpu.dma_semaphore, #tpu.memory_space<semaphore_mem>>)
        %dma_wait3A_166 = arith.constant 0 : i32
        %dma_wait3A_167 = arith.constant 0 : i32
        %dma_wait3A_168 = tpu.memref_slice %arg9[%dma_wait3A_166, %dma_wait3A_167] : memref<8x128xf32, #tpu.memory_space<vmem>> -> memref<16x128xf32, #tpu.memory_space<vmem>>
        %dma_wait3A_169 = arith.constant 9984 : i32
        %dma_wait3A_170 = arith.constant 0 : i32
        %dma_wait3A_171 = tpu.memref_slice %arg10[%dma_wait3A_169, %dma_wait3A_170] : memref<10000x128xf32, #tpu.memory_space<vmem_shared>> -> memref<16x128xf32, #tpu.memory_space<vmem_shared>>
        %dma_wait3A_172 = arith.constant 9984 : i32
        %dma_wait3A_173 = arith.constant 0 : i32
        %dma_wait3A_174 = tpu.memref_slice %arg10[%dma_wait3A_172, %dma_wait3A_173] : memref<10000x128xf32, #tpu.memory_space<vmem_shared>> -> memref<16x128xf32, #tpu.memory_space<vmem_shared>>
        %dma_wait3A_175 = arith.constant 0 : i32
        %dma_wait3A_176 = arith.constant 0 : i32
        %dma_wait3A_177 = tpu.memref_slice %arg9[%dma_wait3A_175, %dma_wait3A_176] : memref<8x128xf32, #tpu.memory_space<vmem>> -> memref<16x128xf32, #tpu.memory_space<vmem>>
        tpu.wait_dma2 semaphore(%run_scoped3A_153 : memref<!tpu.dma_semaphore, #tpu.memory_space<semaphore_mem>>) src(%dma_wait3A_177 : memref<16x128xf32, #tpu.memory_space<vmem>>) dst(%dma_wait3A_174 : memref<16x128xf32, #tpu.memory_space<vmem_shared>>)
        tpu.yield
      }) : () -> ()
    } else {
    }
    %dma_wait3A = tpu.memref_slice %arg3[%multiple_of3A] : memref<320000xi32, #tpu.memory_space<hbm>> -> memref<10000xi32, #tpu.memory_space<hbm>>
    %dma_wait3A_18 = tpu.memref_slice %arg3[%multiple_of3A] : memref<320000xi32, #tpu.memory_space<hbm>> -> memref<10000xi32, #tpu.memory_space<hbm>>
    tpu.wait_dma2 semaphore(%arg11 : memref<!tpu.dma_semaphore, #tpu.memory_space<semaphore_mem>>) src(%dma_wait3A_18 : memref<10000xi32, #tpu.memory_space<hbm>>) dst(%arg6 : memref<10000xi32, #tpu.memory_space<vmem>>)
    %barrier3A = arith.constant 0 : index
    tpu.barrier barrier_id(%barrier3A)
    %add3A_19 = arith.constant 0 : i32
    %add3A_20 = arith.addi %mul3A_2, %add3A_19 : i32
    %multiple_of3A_21 = tpu.assume_multiple %add3A_20, 8 : i32
    %dma_start3A_22 = arith.constant 0 : i32
    %dma_start3A_23 = arith.constant 0 : i32
    %dma_start3A_24 = tpu.memref_slice %arg7[%dma_start3A_22, %dma_start3A_23] : memref<3x80xi32, #tpu.memory_space<vmem>> -> memref<1x80xi32, #tpu.memory_space<vmem>>
    %dma_start3A_25 = tpu.memref_squeeze %dma_start3A_24 : memref<1x80xi32, #tpu.memory_space<vmem>> -> memref<80xi32, #tpu.memory_space<vmem>>
    %dma_start3A_26 = tpu.memref_slice %arg4[%multiple_of3A_21] : memref<320000xi32, #tpu.memory_space<hbm>> -> memref<80xi32, #tpu.memory_space<hbm>>
    %dma_start3A_27 = arith.constant 0 : i32
    %dma_start3A_28 = tpu.memref_slice %arg7[%dma_start3A_22, %dma_start3A_27] : memref<3x80xi32, #tpu.memory_space<vmem>> -> memref<1x80xi32, #tpu.memory_space<vmem>>
    %dma_start3A_29 = tpu.memref_squeeze %dma_start3A_28 : memref<1x80xi32, #tpu.memory_space<vmem>> -> memref<80xi32, #tpu.memory_space<vmem>>
    %dma_start3A_30 = tpu.memref_slice %arg4[%multiple_of3A_21] : memref<320000xi32, #tpu.memory_space<hbm>> -> memref<80xi32, #tpu.memory_space<hbm>>
    tpu.enqueue_dma source(%dma_start3A_30 : memref<80xi32, #tpu.memory_space<hbm>>) target(%dma_start3A_29 : memref<80xi32, #tpu.memory_space<vmem>>) target_semaphore(%arg15 : memref<!tpu.dma_semaphore, #tpu.memory_space<semaphore_mem>>)
    %multiple_of3A_31 = arith.constant 0 : i32
    %multiple_of3A_32 = tpu.assume_multiple %multiple_of3A_31, 8 : i32
    %dma_start3A_33 = arith.constant 0 : i32
    %dma_start3A_34 = arith.constant 0 : i32
    %dma_start3A_35 = arith.constant 0 : i32
    %dma_start3A_36 = tpu.memref_slice %arg8[%dma_start3A_33, %dma_start3A_34, %dma_start3A_35] : memref<3x80x128xf32, #tpu.memory_space<vmem>> -> memref<1x80x128xf32, #tpu.memory_space<vmem>>
    %dma_start3A_37 = tpu.memref_squeeze %dma_start3A_36 : memref<1x80x128xf32, #tpu.memory_space<vmem>> -> memref<80x128xf32, #tpu.memory_space<vmem>>
    %dma_start3A_38 = tpu.memref_slice %arg6[%multiple_of3A_32] : memref<10000xi32, #tpu.memory_space<vmem>> -> memref<80xi32, #tpu.memory_space<vmem>>
    %dma_start3A_39 = arith.constant 0 : i32
    %dma_start3A_40 = arith.constant 0 : i32
    %dma_start3A_41 = tpu.memref_slice %arg2[%dma_start3A_39, %dma_start3A_40] : memref<10000x128xf32, #tpu.memory_space<hbm>> -> memref<10000x128xf32, #tpu.memory_space<hbm>>
    tpu.enqueue_indirect_dma source(%dma_start3A_41 : memref<10000x128xf32, #tpu.memory_space<hbm>>) target(%dma_start3A_37 : memref<80x128xf32, #tpu.memory_space<vmem>>) offsets(%dma_start3A_38 : memref<80xi32, #tpu.memory_space<vmem>>) semaphore(%arg12 : memref<!tpu.dma_semaphore, #tpu.memory_space<semaphore_mem>>)
    %add3A_42 = arith.constant 80 : i32
    %add3A_43 = arith.addi %mul3A_2, %add3A_42 : i32
    %multiple_of3A_44 = tpu.assume_multiple %add3A_43, 8 : i32
    %dma_start3A_45 = arith.constant 1 : i32
    %dma_start3A_46 = arith.constant 0 : i32
    %dma_start3A_47 = tpu.memref_slice %arg7[%dma_start3A_45, %dma_start3A_46] : memref<3x80xi32, #tpu.memory_space<vmem>> -> memref<1x80xi32, #tpu.memory_space<vmem>>
    %dma_start3A_48 = tpu.memref_squeeze %dma_start3A_47 : memref<1x80xi32, #tpu.memory_space<vmem>> -> memref<80xi32, #tpu.memory_space<vmem>>
    %dma_start3A_49 = tpu.memref_slice %arg4[%multiple_of3A_44] : memref<320000xi32, #tpu.memory_space<hbm>> -> memref<80xi32, #tpu.memory_space<hbm>>
    %dma_start3A_50 = arith.constant 0 : i32
    %dma_start3A_51 = tpu.memref_slice %arg7[%dma_start3A_45, %dma_start3A_50] : memref<3x80xi32, #tpu.memory_space<vmem>> -> memref<1x80xi32, #tpu.memory_space<vmem>>
    %dma_start3A_52 = tpu.memref_squeeze %dma_start3A_51 : memref<1x80xi32, #tpu.memory_space<vmem>> -> memref<80xi32, #tpu.memory_space<vmem>>
    %dma_start3A_53 = tpu.memref_slice %arg4[%multiple_of3A_44] : memref<320000xi32, #tpu.memory_space<hbm>> -> memref<80xi32, #tpu.memory_space<hbm>>
    tpu.enqueue_dma source(%dma_start3A_53 : memref<80xi32, #tpu.memory_space<hbm>>) target(%dma_start3A_52 : memref<80xi32, #tpu.memory_space<vmem>>) target_semaphore(%arg16 : memref<!tpu.dma_semaphore, #tpu.memory_space<semaphore_mem>>)
    %multiple_of3A_54 = arith.constant 80 : i32
    %multiple_of3A_55 = tpu.assume_multiple %multiple_of3A_54, 8 : i32
    %dma_start3A_56 = arith.constant 1 : i32
    %dma_start3A_57 = arith.constant 0 : i32
    %dma_start3A_58 = arith.constant 0 : i32
    %dma_start3A_59 = tpu.memref_slice %arg8[%dma_start3A_56, %dma_start3A_57, %dma_start3A_58] : memref<3x80x128xf32, #tpu.memory_space<vmem>> -> memref<1x80x128xf32, #tpu.memory_space<vmem>>
    %dma_start3A_60 = tpu.memref_squeeze %dma_start3A_59 : memref<1x80x128xf32, #tpu.memory_space<vmem>> -> memref<80x128xf32, #tpu.memory_space<vmem>>
    %dma_start3A_61 = tpu.memref_slice %arg6[%multiple_of3A_55] : memref<10000xi32, #tpu.memory_space<vmem>> -> memref<80xi32, #tpu.memory_space<vmem>>
    %dma_start3A_62 = arith.constant 0 : i32
    %dma_start3A_63 = arith.constant 0 : i32
    %dma_start3A_64 = tpu.memref_slice %arg2[%dma_start3A_62, %dma_start3A_63] : memref<10000x128xf32, #tpu.memory_space<hbm>> -> memref<10000x128xf32, #tpu.memory_space<hbm>>
    tpu.enqueue_indirect_dma source(%dma_start3A_64 : memref<10000x128xf32, #tpu.memory_space<hbm>>) target(%dma_start3A_60 : memref<80x128xf32, #tpu.memory_space<vmem>>) offsets(%dma_start3A_61 : memref<80xi32, #tpu.memory_space<vmem>>) semaphore(%arg13 : memref<!tpu.dma_semaphore, #tpu.memory_space<semaphore_mem>>)
    %add3A_65 = arith.constant 160 : i32
    %add3A_66 = arith.addi %mul3A_2, %add3A_65 : i32
    %multiple_of3A_67 = tpu.assume_multiple %add3A_66, 8 : i32
    %dma_start3A_68 = arith.constant 2 : i32
    %dma_start3A_69 = arith.constant 0 : i32
    %dma_start3A_70 = tpu.memref_slice %arg7[%dma_start3A_68, %dma_start3A_69] : memref<3x80xi32, #tpu.memory_space<vmem>> -> memref<1x80xi32, #tpu.memory_space<vmem>>
    %dma_start3A_71 = tpu.memref_squeeze %dma_start3A_70 : memref<1x80xi32, #tpu.memory_space<vmem>> -> memref<80xi32, #tpu.memory_space<vmem>>
    %dma_start3A_72 = tpu.memref_slice %arg4[%multiple_of3A_67] : memref<320000xi32, #tpu.memory_space<hbm>> -> memref<80xi32, #tpu.memory_space<hbm>>
    %dma_start3A_73 = arith.constant 0 : i32
    %dma_start3A_74 = tpu.memref_slice %arg7[%dma_start3A_68, %dma_start3A_73] : memref<3x80xi32, #tpu.memory_space<vmem>> -> memref<1x80xi32, #tpu.memory_space<vmem>>
    %dma_start3A_75 = tpu.memref_squeeze %dma_start3A_74 : memref<1x80xi32, #tpu.memory_space<vmem>> -> memref<80xi32, #tpu.memory_space<vmem>>
    %dma_start3A_76 = tpu.memref_slice %arg4[%multiple_of3A_67] : memref<320000xi32, #tpu.memory_space<hbm>> -> memref<80xi32, #tpu.memory_space<hbm>>
    tpu.enqueue_dma source(%dma_start3A_76 : memref<80xi32, #tpu.memory_space<hbm>>) target(%dma_start3A_75 : memref<80xi32, #tpu.memory_space<vmem>>) target_semaphore(%arg17 : memref<!tpu.dma_semaphore, #tpu.memory_space<semaphore_mem>>)
    %multiple_of3A_77 = arith.constant 160 : i32
    %multiple_of3A_78 = tpu.assume_multiple %multiple_of3A_77, 8 : i32
    %dma_start3A_79 = arith.constant 2 : i32
    %dma_start3A_80 = arith.constant 0 : i32
    %dma_start3A_81 = arith.constant 0 : i32
    %dma_start3A_82 = tpu.memref_slice %arg8[%dma_start3A_79, %dma_start3A_80, %dma_start3A_81] : memref<3x80x128xf32, #tpu.memory_space<vmem>> -> memref<1x80x128xf32, #tpu.memory_space<vmem>>
    %dma_start3A_83 = tpu.memref_squeeze %dma_start3A_82 : memref<1x80x128xf32, #tpu.memory_space<vmem>> -> memref<80x128xf32, #tpu.memory_space<vmem>>
    %dma_start3A_84 = tpu.memref_slice %arg6[%multiple_of3A_78] : memref<10000xi32, #tpu.memory_space<vmem>> -> memref<80xi32, #tpu.memory_space<vmem>>
    %dma_start3A_85 = arith.constant 0 : i32
    %dma_start3A_86 = arith.constant 0 : i32
    %dma_start3A_87 = tpu.memref_slice %arg2[%dma_start3A_85, %dma_start3A_86] : memref<10000x128xf32, #tpu.memory_space<hbm>> -> memref<10000x128xf32, #tpu.memory_space<hbm>>
    tpu.enqueue_indirect_dma source(%dma_start3A_87 : memref<10000x128xf32, #tpu.memory_space<hbm>>) target(%dma_start3A_83 : memref<80x128xf32, #tpu.memory_space<vmem>>) offsets(%dma_start3A_84 : memref<80xi32, #tpu.memory_space<vmem>>) semaphore(%arg14 : memref<!tpu.dma_semaphore, #tpu.memory_space<semaphore_mem>>)
    %scan3A_88 = arith.constant 0 : i32
    %scan3A_89 = arith.constant 0 : i32
    %scan3A_90 = arith.constant 41 : i32
    %scan3A_91 = arith.addi %scan3A_89, %scan3A_90 : i32
    %scan3A_92 = arith.constant 1 : i32
    scf.for %scan3A_153 = %scan3A_89 to %scan3A_91 step %scan3A_92  : i32 {
      %mul3A_154 = arith.constant 3 : i32
      %mul3A_155 = arith.muli %scan3A_153, %mul3A_154 : i32
      %add3A_156 = arith.constant 0 : i32
      %add3A_157 = arith.addi %mul3A_155, %add3A_156 : i32
      %mul3A_158 = arith.constant 80 : i32
      %mul3A_159 = arith.muli %add3A_157, %mul3A_158 : i32
      %multiple_of3A_160 = tpu.assume_multiple %mul3A_159, 8 : i32
      %dma_wait3A_161 = arith.constant 0 : i32
      %dma_wait3A_162 = arith.constant 0 : i32
      %dma_wait3A_163 = arith.constant 0 : i32
      %dma_wait3A_164 = tpu.memref_slice %arg8[%dma_wait3A_161, %dma_wait3A_162, %dma_wait3A_163] : memref<3x80x128xf32, #tpu.memory_space<vmem>> -> memref<1x80x128xf32, #tpu.memory_space<vmem>>
      %dma_wait3A_165 = tpu.memref_squeeze %dma_wait3A_164 : memref<1x80x128xf32, #tpu.memory_space<vmem>> -> memref<80x128xf32, #tpu.memory_space<vmem>>
      %dma_wait3A_166 = tpu.memref_slice %arg6[%multiple_of3A_160] : memref<10000xi32, #tpu.memory_space<vmem>> -> memref<80xi32, #tpu.memory_space<vmem>>
      %dma_wait3A_167 = arith.constant 0 : i32
      %dma_wait3A_168 = arith.constant 0 : i32
      %dma_wait3A_169 = tpu.memref_slice %arg2[%dma_wait3A_167, %dma_wait3A_168] : memref<10000x128xf32, #tpu.memory_space<hbm>> -> memref<10000x128xf32, #tpu.memory_space<hbm>>
      tpu.wait_indirect_dma semaphore(%arg12 : memref<!tpu.dma_semaphore, #tpu.memory_space<semaphore_mem>>) src(%dma_wait3A_169 : memref<10000x128xf32, #tpu.memory_space<hbm>>) dst(%dma_wait3A_165 : memref<80x128xf32, #tpu.memory_space<vmem>>)
      %mul3A_170 = arith.constant 80 : i32
      %mul3A_171 = arith.muli %add3A_157, %mul3A_170 : i32
      %add3A_172 = arith.addi %mul3A_2, %mul3A_171 : i32
      %multiple_of3A_173 = tpu.assume_multiple %add3A_172, 8 : i32
      %dma_wait3A_174 = arith.constant 0 : i32
      %dma_wait3A_175 = arith.constant 0 : i32
      %dma_wait3A_176 = tpu.memref_slice %arg7[%dma_wait3A_174, %dma_wait3A_175] : memref<3x80xi32, #tpu.memory_space<vmem>> -> memref<1x80xi32, #tpu.memory_space<vmem>>
      %dma_wait3A_177 = tpu.memref_squeeze %dma_wait3A_176 : memref<1x80xi32, #tpu.memory_space<vmem>> -> memref<80xi32, #tpu.memory_space<vmem>>
      %dma_wait3A_178 = tpu.memref_slice %arg4[%multiple_of3A_173] : memref<320000xi32, #tpu.memory_space<hbm>> -> memref<80xi32, #tpu.memory_space<hbm>>
      %dma_wait3A_179 = arith.constant 0 : i32
      %dma_wait3A_180 = tpu.memref_slice %arg7[%dma_wait3A_174, %dma_wait3A_179] : memref<3x80xi32, #tpu.memory_space<vmem>> -> memref<1x80xi32, #tpu.memory_space<vmem>>
      %dma_wait3A_181 = tpu.memref_squeeze %dma_wait3A_180 : memref<1x80xi32, #tpu.memory_space<vmem>> -> memref<80xi32, #tpu.memory_space<vmem>>
      %dma_wait3A_182 = tpu.memref_slice %arg4[%multiple_of3A_173] : memref<320000xi32, #tpu.memory_space<hbm>> -> memref<80xi32, #tpu.memory_space<hbm>>
      tpu.wait_dma2 semaphore(%arg15 : memref<!tpu.dma_semaphore, #tpu.memory_space<semaphore_mem>>) src(%dma_wait3A_182 : memref<80xi32, #tpu.memory_space<hbm>>) dst(%dma_wait3A_181 : memref<80xi32, #tpu.memory_space<vmem>>)
      %run_scoped3A_183 = arith.constant 0 : i32
      %run_scoped3A_184 = arith.constant 0 : i32
      "tpu.region"() ({
        %run_scoped3A_267 = tpu.sem_alloc : memref<!tpu.dma_semaphore, #tpu.memory_space<semaphore_mem>>
        %dma_start3A_268 = arith.constant 0 : i32
        %dma_start3A_269 = arith.constant 0 : i32
        %dma_start3A_270 = tpu.memref_slice %arg8[%run_scoped3A_183, %dma_start3A_268, %dma_start3A_269] : memref<3x80x128xf32, #tpu.memory_space<vmem>> -> memref<1x80x128xf32, #tpu.memory_space<vmem>>
        %dma_start3A_271 = tpu.memref_squeeze %dma_start3A_270 : memref<1x80x128xf32, #tpu.memory_space<vmem>> -> memref<80x128xf32, #tpu.memory_space<vmem>>
        %dma_start3A_272 = arith.constant 0 : i32
        %dma_start3A_273 = tpu.memref_slice %arg7[%run_scoped3A_184, %dma_start3A_272] : memref<3x80xi32, #tpu.memory_space<vmem>> -> memref<1x80xi32, #tpu.memory_space<vmem>>
        %dma_start3A_274 = tpu.memref_squeeze %dma_start3A_273 : memref<1x80xi32, #tpu.memory_space<vmem>> -> memref<80xi32, #tpu.memory_space<vmem>>
        %dma_start3A_275 = arith.constant 0 : i32
        %dma_start3A_276 = arith.constant 0 : i32
        %dma_start3A_277 = tpu.memref_slice %arg10[%dma_start3A_275, %dma_start3A_276] : memref<10000x128xf32, #tpu.memory_space<vmem_shared>> -> memref<10000x128xf32, #tpu.memory_space<vmem_shared>>
        tpu.enqueue_indirect_dma source(%dma_start3A_271 : memref<80x128xf32, #tpu.memory_space<vmem>>) target(%dma_start3A_277 : memref<10000x128xf32, #tpu.memory_space<vmem_shared>>) offsets(%dma_start3A_274 : memref<80xi32, #tpu.memory_space<vmem>>) semaphore(%run_scoped3A_267 : memref<!tpu.dma_semaphore, #tpu.memory_space<semaphore_mem>>) {add = true}
        %dma_wait3A_278 = arith.constant 0 : i32
        %dma_wait3A_279 = arith.constant 0 : i32
        %dma_wait3A_280 = tpu.memref_slice %arg8[%run_scoped3A_183, %dma_wait3A_278, %dma_wait3A_279] : memref<3x80x128xf32, #tpu.memory_space<vmem>> -> memref<1x80x128xf32, #tpu.memory_space<vmem>>
        %dma_wait3A_281 = tpu.memref_squeeze %dma_wait3A_280 : memref<1x80x128xf32, #tpu.memory_space<vmem>> -> memref<80x128xf32, #tpu.memory_space<vmem>>
        %dma_wait3A_282 = arith.constant 0 : i32
        %dma_wait3A_283 = tpu.memref_slice %arg7[%run_scoped3A_184, %dma_wait3A_282] : memref<3x80xi32, #tpu.memory_space<vmem>> -> memref<1x80xi32, #tpu.memory_space<vmem>>
        %dma_wait3A_284 = tpu.memref_squeeze %dma_wait3A_283 : memref<1x80xi32, #tpu.memory_space<vmem>> -> memref<80xi32, #tpu.memory_space<vmem>>
        %dma_wait3A_285 = arith.constant 0 : i32
        %dma_wait3A_286 = arith.constant 0 : i32
        %dma_wait3A_287 = tpu.memref_slice %arg10[%dma_wait3A_285, %dma_wait3A_286] : memref<10000x128xf32, #tpu.memory_space<vmem_shared>> -> memref<10000x128xf32, #tpu.memory_space<vmem_shared>>
        tpu.wait_indirect_dma semaphore(%run_scoped3A_267 : memref<!tpu.dma_semaphore, #tpu.memory_space<semaphore_mem>>) src(%dma_wait3A_281 : memref<80x128xf32, #tpu.memory_space<vmem>>) dst(%dma_wait3A_287 : memref<10000x128xf32, #tpu.memory_space<vmem_shared>>)
        tpu.yield
      }) : () -> ()
      %add3A_185 = arith.constant 3 : i32
      %add3A_186 = arith.addi %add3A_157, %add3A_185 : i32
      %lt3A = arith.constant 125 : i32
      %lt3A_187 = arith.cmpi slt, %add3A_186, %lt3A : i32
      %convert_element_type3A_188 = arith.extui %lt3A_187 : i1 to i32
      %cond3A_189 = arith.constant 0 : i32
      %cond3A_190 = arith.cmpi ne, %convert_element_type3A_188, %cond3A_189 : i32
      scf.if %cond3A_190 {
        %add3A_267 = arith.constant 3 : i32
        %add3A_268 = arith.addi %add3A_157, %add3A_267 : i32
        %mul3A_269 = arith.constant 80 : i32
        %mul3A_270 = arith.muli %add3A_268, %mul3A_269 : i32
        %add3A_271 = arith.addi %mul3A_2, %mul3A_270 : i32
        %multiple_of3A_272 = tpu.assume_multiple %add3A_271, 8 : i32
        %dma_start3A_273 = arith.constant 0 : i32
        %dma_start3A_274 = arith.constant 0 : i32
        %dma_start3A_275 = tpu.memref_slice %arg7[%dma_start3A_273, %dma_start3A_274] : memref<3x80xi32, #tpu.memory_space<vmem>> -> memref<1x80xi32, #tpu.memory_space<vmem>>
        %dma_start3A_276 = tpu.memref_squeeze %dma_start3A_275 : memref<1x80xi32, #tpu.memory_space<vmem>> -> memref<80xi32, #tpu.memory_space<vmem>>
        %dma_start3A_277 = tpu.memref_slice %arg4[%multiple_of3A_272] : memref<320000xi32, #tpu.memory_space<hbm>> -> memref<80xi32, #tpu.memory_space<hbm>>
        %dma_start3A_278 = arith.constant 0 : i32
        %dma_start3A_279 = tpu.memref_slice %arg7[%dma_start3A_273, %dma_start3A_278] : memref<3x80xi32, #tpu.memory_space<vmem>> -> memref<1x80xi32, #tpu.memory_space<vmem>>
        %dma_start3A_280 = tpu.memref_squeeze %dma_start3A_279 : memref<1x80xi32, #tpu.memory_space<vmem>> -> memref<80xi32, #tpu.memory_space<vmem>>
        %dma_start3A_281 = tpu.memref_slice %arg4[%multiple_of3A_272] : memref<320000xi32, #tpu.memory_space<hbm>> -> memref<80xi32, #tpu.memory_space<hbm>>
        tpu.enqueue_dma source(%dma_start3A_281 : memref<80xi32, #tpu.memory_space<hbm>>) target(%dma_start3A_280 : memref<80xi32, #tpu.memory_space<vmem>>) target_semaphore(%arg15 : memref<!tpu.dma_semaphore, #tpu.memory_space<semaphore_mem>>)
        %add3A_282 = arith.constant 3 : i32
        %add3A_283 = arith.addi %add3A_157, %add3A_282 : i32
        %mul3A_284 = arith.constant 80 : i32
        %mul3A_285 = arith.muli %add3A_283, %mul3A_284 : i32
        %multiple_of3A_286 = tpu.assume_multiple %mul3A_285, 8 : i32
        %dma_start3A_287 = arith.constant 0 : i32
        %dma_start3A_288 = arith.constant 0 : i32
        %dma_start3A_289 = arith.constant 0 : i32
        %dma_start3A_290 = tpu.memref_slice %arg8[%dma_start3A_287, %dma_start3A_288, %dma_start3A_289] : memref<3x80x128xf32, #tpu.memory_space<vmem>> -> memref<1x80x128xf32, #tpu.memory_space<vmem>>
        %dma_start3A_291 = tpu.memref_squeeze %dma_start3A_290 : memref<1x80x128xf32, #tpu.memory_space<vmem>> -> memref<80x128xf32, #tpu.memory_space<vmem>>
        %dma_start3A_292 = tpu.memref_slice %arg6[%multiple_of3A_286] : memref<10000xi32, #tpu.memory_space<vmem>> -> memref<80xi32, #tpu.memory_space<vmem>>
        %dma_start3A_293 = arith.constant 0 : i32
        %dma_start3A_294 = arith.constant 0 : i32
        %dma_start3A_295 = tpu.memref_slice %arg2[%dma_start3A_293, %dma_start3A_294] : memref<10000x128xf32, #tpu.memory_space<hbm>> -> memref<10000x128xf32, #tpu.memory_space<hbm>>
        tpu.enqueue_indirect_dma source(%dma_start3A_295 : memref<10000x128xf32, #tpu.memory_space<hbm>>) target(%dma_start3A_291 : memref<80x128xf32, #tpu.memory_space<vmem>>) offsets(%dma_start3A_292 : memref<80xi32, #tpu.memory_space<vmem>>) semaphore(%arg12 : memref<!tpu.dma_semaphore, #tpu.memory_space<semaphore_mem>>)
      } else {
      }
      %mul3A_191 = arith.constant 3 : i32
      %mul3A_192 = arith.muli %scan3A_153, %mul3A_191 : i32
      %add3A_193 = arith.constant 1 : i32
      %add3A_194 = arith.addi %mul3A_192, %add3A_193 : i32
      %mul3A_195 = arith.constant 80 : i32
      %mul3A_196 = arith.muli %add3A_194, %mul3A_195 : i32
      %multiple_of3A_197 = tpu.assume_multiple %mul3A_196, 8 : i32
      %dma_wait3A_198 = arith.constant 1 : i32
      %dma_wait3A_199 = arith.constant 0 : i32
      %dma_wait3A_200 = arith.constant 0 : i32
      %dma_wait3A_201 = tpu.memref_slice %arg8[%dma_wait3A_198, %dma_wait3A_199, %dma_wait3A_200] : memref<3x80x128xf32, #tpu.memory_space<vmem>> -> memref<1x80x128xf32, #tpu.memory_space<vmem>>
      %dma_wait3A_202 = tpu.memref_squeeze %dma_wait3A_201 : memref<1x80x128xf32, #tpu.memory_space<vmem>> -> memref<80x128xf32, #tpu.memory_space<vmem>>
      %dma_wait3A_203 = tpu.memref_slice %arg6[%multiple_of3A_197] : memref<10000xi32, #tpu.memory_space<vmem>> -> memref<80xi32, #tpu.memory_space<vmem>>
      %dma_wait3A_204 = arith.constant 0 : i32
      %dma_wait3A_205 = arith.constant 0 : i32
      %dma_wait3A_206 = tpu.memref_slice %arg2[%dma_wait3A_204, %dma_wait3A_205] : memref<10000x128xf32, #tpu.memory_space<hbm>> -> memref<10000x128xf32, #tpu.memory_space<hbm>>
      tpu.wait_indirect_dma semaphore(%arg13 : memref<!tpu.dma_semaphore, #tpu.memory_space<semaphore_mem>>) src(%dma_wait3A_206 : memref<10000x128xf32, #tpu.memory_space<hbm>>) dst(%dma_wait3A_202 : memref<80x128xf32, #tpu.memory_space<vmem>>)
      %mul3A_207 = arith.constant 80 : i32
      %mul3A_208 = arith.muli %add3A_194, %mul3A_207 : i32
      %add3A_209 = arith.addi %mul3A_2, %mul3A_208 : i32
      %multiple_of3A_210 = tpu.assume_multiple %add3A_209, 8 : i32
      %dma_wait3A_211 = arith.constant 1 : i32
      %dma_wait3A_212 = arith.constant 0 : i32
      %dma_wait3A_213 = tpu.memref_slice %arg7[%dma_wait3A_211, %dma_wait3A_212] : memref<3x80xi32, #tpu.memory_space<vmem>> -> memref<1x80xi32, #tpu.memory_space<vmem>>
      %dma_wait3A_214 = tpu.memref_squeeze %dma_wait3A_213 : memref<1x80xi32, #tpu.memory_space<vmem>> -> memref<80xi32, #tpu.memory_space<vmem>>
      %dma_wait3A_215 = tpu.memref_slice %arg4[%multiple_of3A_210] : memref<320000xi32, #tpu.memory_space<hbm>> -> memref<80xi32, #tpu.memory_space<hbm>>
      %dma_wait3A_216 = arith.constant 0 : i32
      %dma_wait3A_217 = tpu.memref_slice %arg7[%dma_wait3A_211, %dma_wait3A_216] : memref<3x80xi32, #tpu.memory_space<vmem>> -> memref<1x80xi32, #tpu.memory_space<vmem>>
      %dma_wait3A_218 = tpu.memref_squeeze %dma_wait3A_217 : memref<1x80xi32, #tpu.memory_space<vmem>> -> memref<80xi32, #tpu.memory_space<vmem>>
      %dma_wait3A_219 = tpu.memref_slice %arg4[%multiple_of3A_210] : memref<320000xi32, #tpu.memory_space<hbm>> -> memref<80xi32, #tpu.memory_space<hbm>>
      tpu.wait_dma2 semaphore(%arg16 : memref<!tpu.dma_semaphore, #tpu.memory_space<semaphore_mem>>) src(%dma_wait3A_219 : memref<80xi32, #tpu.memory_space<hbm>>) dst(%dma_wait3A_218 : memref<80xi32, #tpu.memory_space<vmem>>)
      %run_scoped3A_220 = arith.constant 1 : i32
      %run_scoped3A_221 = arith.constant 1 : i32
      "tpu.region"() ({
        %run_scoped3A_267 = tpu.sem_alloc : memref<!tpu.dma_semaphore, #tpu.memory_space<semaphore_mem>>
        %dma_start3A_268 = arith.constant 0 : i32
        %dma_start3A_269 = arith.constant 0 : i32
        %dma_start3A_270 = tpu.memref_slice %arg8[%run_scoped3A_220, %dma_start3A_268, %dma_start3A_269] : memref<3x80x128xf32, #tpu.memory_space<vmem>> -> memref<1x80x128xf32, #tpu.memory_space<vmem>>
        %dma_start3A_271 = tpu.memref_squeeze %dma_start3A_270 : memref<1x80x128xf32, #tpu.memory_space<vmem>> -> memref<80x128xf32, #tpu.memory_space<vmem>>
        %dma_start3A_272 = arith.constant 0 : i32
        %dma_start3A_273 = tpu.memref_slice %arg7[%run_scoped3A_221, %dma_start3A_272] : memref<3x80xi32, #tpu.memory_space<vmem>> -> memref<1x80xi32, #tpu.memory_space<vmem>>
        %dma_start3A_274 = tpu.memref_squeeze %dma_start3A_273 : memref<1x80xi32, #tpu.memory_space<vmem>> -> memref<80xi32, #tpu.memory_space<vmem>>
        %dma_start3A_275 = arith.constant 0 : i32
        %dma_start3A_276 = arith.constant 0 : i32
        %dma_start3A_277 = tpu.memref_slice %arg10[%dma_start3A_275, %dma_start3A_276] : memref<10000x128xf32, #tpu.memory_space<vmem_shared>> -> memref<10000x128xf32, #tpu.memory_space<vmem_shared>>
        tpu.enqueue_indirect_dma source(%dma_start3A_271 : memref<80x128xf32, #tpu.memory_space<vmem>>) target(%dma_start3A_277 : memref<10000x128xf32, #tpu.memory_space<vmem_shared>>) offsets(%dma_start3A_274 : memref<80xi32, #tpu.memory_space<vmem>>) semaphore(%run_scoped3A_267 : memref<!tpu.dma_semaphore, #tpu.memory_space<semaphore_mem>>) {add = true}
        %dma_wait3A_278 = arith.constant 0 : i32
        %dma_wait3A_279 = arith.constant 0 : i32
        %dma_wait3A_280 = tpu.memref_slice %arg8[%run_scoped3A_220, %dma_wait3A_278, %dma_wait3A_279] : memref<3x80x128xf32, #tpu.memory_space<vmem>> -> memref<1x80x128xf32, #tpu.memory_space<vmem>>
        %dma_wait3A_281 = tpu.memref_squeeze %dma_wait3A_280 : memref<1x80x128xf32, #tpu.memory_space<vmem>> -> memref<80x128xf32, #tpu.memory_space<vmem>>
        %dma_wait3A_282 = arith.constant 0 : i32
        %dma_wait3A_283 = tpu.memref_slice %arg7[%run_scoped3A_221, %dma_wait3A_282] : memref<3x80xi32, #tpu.memory_space<vmem>> -> memref<1x80xi32, #tpu.memory_space<vmem>>
        %dma_wait3A_284 = tpu.memref_squeeze %dma_wait3A_283 : memref<1x80xi32, #tpu.memory_space<vmem>> -> memref<80xi32, #tpu.memory_space<vmem>>
        %dma_wait3A_285 = arith.constant 0 : i32
        %dma_wait3A_286 = arith.constant 0 : i32
        %dma_wait3A_287 = tpu.memref_slice %arg10[%dma_wait3A_285, %dma_wait3A_286] : memref<10000x128xf32, #tpu.memory_space<vmem_shared>> -> memref<10000x128xf32, #tpu.memory_space<vmem_shared>>
        tpu.wait_indirect_dma semaphore(%run_scoped3A_267 : memref<!tpu.dma_semaphore, #tpu.memory_space<semaphore_mem>>) src(%dma_wait3A_281 : memref<80x128xf32, #tpu.memory_space<vmem>>) dst(%dma_wait3A_287 : memref<10000x128xf32, #tpu.memory_space<vmem_shared>>)
        tpu.yield
      }) : () -> ()
      %add3A_222 = arith.constant 3 : i32
      %add3A_223 = arith.addi %add3A_194, %add3A_222 : i32
      %lt3A_224 = arith.constant 125 : i32
      %lt3A_225 = arith.cmpi slt, %add3A_223, %lt3A_224 : i32
      %convert_element_type3A_226 = arith.extui %lt3A_225 : i1 to i32
      %cond3A_227 = arith.constant 0 : i32
      %cond3A_228 = arith.cmpi ne, %convert_element_type3A_226, %cond3A_227 : i32
      scf.if %cond3A_228 {
        %add3A_267 = arith.constant 3 : i32
        %add3A_268 = arith.addi %add3A_194, %add3A_267 : i32
        %mul3A_269 = arith.constant 80 : i32
        %mul3A_270 = arith.muli %add3A_268, %mul3A_269 : i32
        %add3A_271 = arith.addi %mul3A_2, %mul3A_270 : i32
        %multiple_of3A_272 = tpu.assume_multiple %add3A_271, 8 : i32
        %dma_start3A_273 = arith.constant 1 : i32
        %dma_start3A_274 = arith.constant 0 : i32
        %dma_start3A_275 = tpu.memref_slice %arg7[%dma_start3A_273, %dma_start3A_274] : memref<3x80xi32, #tpu.memory_space<vmem>> -> memref<1x80xi32, #tpu.memory_space<vmem>>
        %dma_start3A_276 = tpu.memref_squeeze %dma_start3A_275 : memref<1x80xi32, #tpu.memory_space<vmem>> -> memref<80xi32, #tpu.memory_space<vmem>>
        %dma_start3A_277 = tpu.memref_slice %arg4[%multiple_of3A_272] : memref<320000xi32, #tpu.memory_space<hbm>> -> memref<80xi32, #tpu.memory_space<hbm>>
        %dma_start3A_278 = arith.constant 0 : i32
        %dma_start3A_279 = tpu.memref_slice %arg7[%dma_start3A_273, %dma_start3A_278] : memref<3x80xi32, #tpu.memory_space<vmem>> -> memref<1x80xi32, #tpu.memory_space<vmem>>
        %dma_start3A_280 = tpu.memref_squeeze %dma_start3A_279 : memref<1x80xi32, #tpu.memory_space<vmem>> -> memref<80xi32, #tpu.memory_space<vmem>>
        %dma_start3A_281 = tpu.memref_slice %arg4[%multiple_of3A_272] : memref<320000xi32, #tpu.memory_space<hbm>> -> memref<80xi32, #tpu.memory_space<hbm>>
        tpu.enqueue_dma source(%dma_start3A_281 : memref<80xi32, #tpu.memory_space<hbm>>) target(%dma_start3A_280 : memref<80xi32, #tpu.memory_space<vmem>>) target_semaphore(%arg16 : memref<!tpu.dma_semaphore, #tpu.memory_space<semaphore_mem>>)
        %add3A_282 = arith.constant 3 : i32
        %add3A_283 = arith.addi %add3A_194, %add3A_282 : i32
        %mul3A_284 = arith.constant 80 : i32
        %mul3A_285 = arith.muli %add3A_283, %mul3A_284 : i32
        %multiple_of3A_286 = tpu.assume_multiple %mul3A_285, 8 : i32
        %dma_start3A_287 = arith.constant 1 : i32
        %dma_start3A_288 = arith.constant 0 : i32
        %dma_start3A_289 = arith.constant 0 : i32
        %dma_start3A_290 = tpu.memref_slice %arg8[%dma_start3A_287, %dma_start3A_288, %dma_start3A_289] : memref<3x80x128xf32, #tpu.memory_space<vmem>> -> memref<1x80x128xf32, #tpu.memory_space<vmem>>
        %dma_start3A_291 = tpu.memref_squeeze %dma_start3A_290 : memref<1x80x128xf32, #tpu.memory_space<vmem>> -> memref<80x128xf32, #tpu.memory_space<vmem>>
        %dma_start3A_292 = tpu.memref_slice %arg6[%multiple_of3A_286] : memref<10000xi32, #tpu.memory_space<vmem>> -> memref<80xi32, #tpu.memory_space<vmem>>
        %dma_start3A_293 = arith.constant 0 : i32
        %dma_start3A_294 = arith.constant 0 : i32
        %dma_start3A_295 = tpu.memref_slice %arg2[%dma_start3A_293, %dma_start3A_294] : memref<10000x128xf32, #tpu.memory_space<hbm>> -> memref<10000x128xf32, #tpu.memory_space<hbm>>
        tpu.enqueue_indirect_dma source(%dma_start3A_295 : memref<10000x128xf32, #tpu.memory_space<hbm>>) target(%dma_start3A_291 : memref<80x128xf32, #tpu.memory_space<vmem>>) offsets(%dma_start3A_292 : memref<80xi32, #tpu.memory_space<vmem>>) semaphore(%arg13 : memref<!tpu.dma_semaphore, #tpu.memory_space<semaphore_mem>>)
      } else {
      }
      %mul3A_229 = arith.constant 3 : i32
      %mul3A_230 = arith.muli %scan3A_153, %mul3A_229 : i32
      %add3A_231 = arith.constant 2 : i32
      %add3A_232 = arith.addi %mul3A_230, %add3A_231 : i32
      %mul3A_233 = arith.constant 80 : i32
      %mul3A_234 = arith.muli %add3A_232, %mul3A_233 : i32
      %multiple_of3A_235 = tpu.assume_multiple %mul3A_234, 8 : i32
      %dma_wait3A_236 = arith.constant 2 : i32
      %dma_wait3A_237 = arith.constant 0 : i32
      %dma_wait3A_238 = arith.constant 0 : i32
      %dma_wait3A_239 = tpu.memref_slice %arg8[%dma_wait3A_236, %dma_wait3A_237, %dma_wait3A_238] : memref<3x80x128xf32, #tpu.memory_space<vmem>> -> memref<1x80x128xf32, #tpu.memory_space<vmem>>
      %dma_wait3A_240 = tpu.memref_squeeze %dma_wait3A_239 : memref<1x80x128xf32, #tpu.memory_space<vmem>> -> memref<80x128xf32, #tpu.memory_space<vmem>>
      %dma_wait3A_241 = tpu.memref_slice %arg6[%multiple_of3A_235] : memref<10000xi32, #tpu.memory_space<vmem>> -> memref<80xi32, #tpu.memory_space<vmem>>
      %dma_wait3A_242 = arith.constant 0 : i32
      %dma_wait3A_243 = arith.constant 0 : i32
      %dma_wait3A_244 = tpu.memref_slice %arg2[%dma_wait3A_242, %dma_wait3A_243] : memref<10000x128xf32, #tpu.memory_space<hbm>> -> memref<10000x128xf32, #tpu.memory_space<hbm>>
      tpu.wait_indirect_dma semaphore(%arg14 : memref<!tpu.dma_semaphore, #tpu.memory_space<semaphore_mem>>) src(%dma_wait3A_244 : memref<10000x128xf32, #tpu.memory_space<hbm>>) dst(%dma_wait3A_240 : memref<80x128xf32, #tpu.memory_space<vmem>>)
      %mul3A_245 = arith.constant 80 : i32
      %mul3A_246 = arith.muli %add3A_232, %mul3A_245 : i32
      %add3A_247 = arith.addi %mul3A_2, %mul3A_246 : i32
      %multiple_of3A_248 = tpu.assume_multiple %add3A_247, 8 : i32
      %dma_wait3A_249 = arith.constant 2 : i32
      %dma_wait3A_250 = arith.constant 0 : i32
      %dma_wait3A_251 = tpu.memref_slice %arg7[%dma_wait3A_249, %dma_wait3A_250] : memref<3x80xi32, #tpu.memory_space<vmem>> -> memref<1x80xi32, #tpu.memory_space<vmem>>
      %dma_wait3A_252 = tpu.memref_squeeze %dma_wait3A_251 : memref<1x80xi32, #tpu.memory_space<vmem>> -> memref<80xi32, #tpu.memory_space<vmem>>
      %dma_wait3A_253 = tpu.memref_slice %arg4[%multiple_of3A_248] : memref<320000xi32, #tpu.memory_space<hbm>> -> memref<80xi32, #tpu.memory_space<hbm>>
      %dma_wait3A_254 = arith.constant 0 : i32
      %dma_wait3A_255 = tpu.memref_slice %arg7[%dma_wait3A_249, %dma_wait3A_254] : memref<3x80xi32, #tpu.memory_space<vmem>> -> memref<1x80xi32, #tpu.memory_space<vmem>>
      %dma_wait3A_256 = tpu.memref_squeeze %dma_wait3A_255 : memref<1x80xi32, #tpu.memory_space<vmem>> -> memref<80xi32, #tpu.memory_space<vmem>>
      %dma_wait3A_257 = tpu.memref_slice %arg4[%multiple_of3A_248] : memref<320000xi32, #tpu.memory_space<hbm>> -> memref<80xi32, #tpu.memory_space<hbm>>
      tpu.wait_dma2 semaphore(%arg17 : memref<!tpu.dma_semaphore, #tpu.memory_space<semaphore_mem>>) src(%dma_wait3A_257 : memref<80xi32, #tpu.memory_space<hbm>>) dst(%dma_wait3A_256 : memref<80xi32, #tpu.memory_space<vmem>>)
      %run_scoped3A_258 = arith.constant 2 : i32
      %run_scoped3A_259 = arith.constant 2 : i32
      "tpu.region"() ({
        %run_scoped3A_267 = tpu.sem_alloc : memref<!tpu.dma_semaphore, #tpu.memory_space<semaphore_mem>>
        %dma_start3A_268 = arith.constant 0 : i32
        %dma_start3A_269 = arith.constant 0 : i32
        %dma_start3A_270 = tpu.memref_slice %arg8[%run_scoped3A_258, %dma_start3A_268, %dma_start3A_269] : memref<3x80x128xf32, #tpu.memory_space<vmem>> -> memref<1x80x128xf32, #tpu.memory_space<vmem>>
        %dma_start3A_271 = tpu.memref_squeeze %dma_start3A_270 : memref<1x80x128xf32, #tpu.memory_space<vmem>> -> memref<80x128xf32, #tpu.memory_space<vmem>>
        %dma_start3A_272 = arith.constant 0 : i32
        %dma_start3A_273 = tpu.memref_slice %arg7[%run_scoped3A_259, %dma_start3A_272] : memref<3x80xi32, #tpu.memory_space<vmem>> -> memref<1x80xi32, #tpu.memory_space<vmem>>
        %dma_start3A_274 = tpu.memref_squeeze %dma_start3A_273 : memref<1x80xi32, #tpu.memory_space<vmem>> -> memref<80xi32, #tpu.memory_space<vmem>>
        %dma_start3A_275 = arith.constant 0 : i32
        %dma_start3A_276 = arith.constant 0 : i32
        %dma_start3A_277 = tpu.memref_slice %arg10[%dma_start3A_275, %dma_start3A_276] : memref<10000x128xf32, #tpu.memory_space<vmem_shared>> -> memref<10000x128xf32, #tpu.memory_space<vmem_shared>>
        tpu.enqueue_indirect_dma source(%dma_start3A_271 : memref<80x128xf32, #tpu.memory_space<vmem>>) target(%dma_start3A_277 : memref<10000x128xf32, #tpu.memory_space<vmem_shared>>) offsets(%dma_start3A_274 : memref<80xi32, #tpu.memory_space<vmem>>) semaphore(%run_scoped3A_267 : memref<!tpu.dma_semaphore, #tpu.memory_space<semaphore_mem>>) {add = true}
        %dma_wait3A_278 = arith.constant 0 : i32
        %dma_wait3A_279 = arith.constant 0 : i32
        %dma_wait3A_280 = tpu.memref_slice %arg8[%run_scoped3A_258, %dma_wait3A_278, %dma_wait3A_279] : memref<3x80x128xf32, #tpu.memory_space<vmem>> -> memref<1x80x128xf32, #tpu.memory_space<vmem>>
        %dma_wait3A_281 = tpu.memref_squeeze %dma_wait3A_280 : memref<1x80x128xf32, #tpu.memory_space<vmem>> -> memref<80x128xf32, #tpu.memory_space<vmem>>
        %dma_wait3A_282 = arith.constant 0 : i32
        %dma_wait3A_283 = tpu.memref_slice %arg7[%run_scoped3A_259, %dma_wait3A_282] : memref<3x80xi32, #tpu.memory_space<vmem>> -> memref<1x80xi32, #tpu.memory_space<vmem>>
        %dma_wait3A_284 = tpu.memref_squeeze %dma_wait3A_283 : memref<1x80xi32, #tpu.memory_space<vmem>> -> memref<80xi32, #tpu.memory_space<vmem>>
        %dma_wait3A_285 = arith.constant 0 : i32
        %dma_wait3A_286 = arith.constant 0 : i32
        %dma_wait3A_287 = tpu.memref_slice %arg10[%dma_wait3A_285, %dma_wait3A_286] : memref<10000x128xf32, #tpu.memory_space<vmem_shared>> -> memref<10000x128xf32, #tpu.memory_space<vmem_shared>>
        tpu.wait_indirect_dma semaphore(%run_scoped3A_267 : memref<!tpu.dma_semaphore, #tpu.memory_space<semaphore_mem>>) src(%dma_wait3A_281 : memref<80x128xf32, #tpu.memory_space<vmem>>) dst(%dma_wait3A_287 : memref<10000x128xf32, #tpu.memory_space<vmem_shared>>)
        tpu.yield
      }) : () -> ()
      %add3A_260 = arith.constant 3 : i32
      %add3A_261 = arith.addi %add3A_232, %add3A_260 : i32
      %lt3A_262 = arith.constant 125 : i32
      %lt3A_263 = arith.cmpi slt, %add3A_261, %lt3A_262 : i32
      %convert_element_type3A_264 = arith.extui %lt3A_263 : i1 to i32
      %cond3A_265 = arith.constant 0 : i32
      %cond3A_266 = arith.cmpi ne, %convert_element_type3A_264, %cond3A_265 : i32
      scf.if %cond3A_266 {
        %add3A_267 = arith.constant 3 : i32
        %add3A_268 = arith.addi %add3A_232, %add3A_267 : i32
        %mul3A_269 = arith.constant 80 : i32
        %mul3A_270 = arith.muli %add3A_268, %mul3A_269 : i32
        %add3A_271 = arith.addi %mul3A_2, %mul3A_270 : i32
        %multiple_of3A_272 = tpu.assume_multiple %add3A_271, 8 : i32
        %dma_start3A_273 = arith.constant 2 : i32
        %dma_start3A_274 = arith.constant 0 : i32
        %dma_start3A_275 = tpu.memref_slice %arg7[%dma_start3A_273, %dma_start3A_274] : memref<3x80xi32, #tpu.memory_space<vmem>> -> memref<1x80xi32, #tpu.memory_space<vmem>>
        %dma_start3A_276 = tpu.memref_squeeze %dma_start3A_275 : memref<1x80xi32, #tpu.memory_space<vmem>> -> memref<80xi32, #tpu.memory_space<vmem>>
        %dma_start3A_277 = tpu.memref_slice %arg4[%multiple_of3A_272] : memref<320000xi32, #tpu.memory_space<hbm>> -> memref<80xi32, #tpu.memory_space<hbm>>
        %dma_start3A_278 = arith.constant 0 : i32
        %dma_start3A_279 = tpu.memref_slice %arg7[%dma_start3A_273, %dma_start3A_278] : memref<3x80xi32, #tpu.memory_space<vmem>> -> memref<1x80xi32, #tpu.memory_space<vmem>>
        %dma_start3A_280 = tpu.memref_squeeze %dma_start3A_279 : memref<1x80xi32, #tpu.memory_space<vmem>> -> memref<80xi32, #tpu.memory_space<vmem>>
        %dma_start3A_281 = tpu.memref_slice %arg4[%multiple_of3A_272] : memref<320000xi32, #tpu.memory_space<hbm>> -> memref<80xi32, #tpu.memory_space<hbm>>
        tpu.enqueue_dma source(%dma_start3A_281 : memref<80xi32, #tpu.memory_space<hbm>>) target(%dma_start3A_280 : memref<80xi32, #tpu.memory_space<vmem>>) target_semaphore(%arg17 : memref<!tpu.dma_semaphore, #tpu.memory_space<semaphore_mem>>)
        %add3A_282 = arith.constant 3 : i32
        %add3A_283 = arith.addi %add3A_232, %add3A_282 : i32
        %mul3A_284 = arith.constant 80 : i32
        %mul3A_285 = arith.muli %add3A_283, %mul3A_284 : i32
        %multiple_of3A_286 = tpu.assume_multiple %mul3A_285, 8 : i32
        %dma_start3A_287 = arith.constant 2 : i32
        %dma_start3A_288 = arith.constant 0 : i32
        %dma_start3A_289 = arith.constant 0 : i32
        %dma_start3A_290 = tpu.memref_slice %arg8[%dma_start3A_287, %dma_start3A_288, %dma_start3A_289] : memref<3x80x128xf32, #tpu.memory_space<vmem>> -> memref<1x80x128xf32, #tpu.memory_space<vmem>>
        %dma_start3A_291 = tpu.memref_squeeze %dma_start3A_290 : memref<1x80x128xf32, #tpu.memory_space<vmem>> -> memref<80x128xf32, #tpu.memory_space<vmem>>
        %dma_start3A_292 = tpu.memref_slice %arg6[%multiple_of3A_286] : memref<10000xi32, #tpu.memory_space<vmem>> -> memref<80xi32, #tpu.memory_space<vmem>>
        %dma_start3A_293 = arith.constant 0 : i32
        %dma_start3A_294 = arith.constant 0 : i32
        %dma_start3A_295 = tpu.memref_slice %arg2[%dma_start3A_293, %dma_start3A_294] : memref<10000x128xf32, #tpu.memory_space<hbm>> -> memref<10000x128xf32, #tpu.memory_space<hbm>>
        tpu.enqueue_indirect_dma source(%dma_start3A_295 : memref<10000x128xf32, #tpu.memory_space<hbm>>) target(%dma_start3A_291 : memref<80x128xf32, #tpu.memory_space<vmem>>) offsets(%dma_start3A_292 : memref<80xi32, #tpu.memory_space<vmem>>) semaphore(%arg14 : memref<!tpu.dma_semaphore, #tpu.memory_space<semaphore_mem>>)
      } else {
      }
    }
    %scan3A_93 = arith.constant 41 : i32
    %multiple_of3A_94 = arith.constant 9840 : i32
    %multiple_of3A_95 = tpu.assume_multiple %multiple_of3A_94, 8 : i32
    %dma_wait3A_96 = arith.constant 0 : i32
    %dma_wait3A_97 = arith.constant 0 : i32
    %dma_wait3A_98 = arith.constant 0 : i32
    %dma_wait3A_99 = tpu.memref_slice %arg8[%dma_wait3A_96, %dma_wait3A_97, %dma_wait3A_98] : memref<3x80x128xf32, #tpu.memory_space<vmem>> -> memref<1x80x128xf32, #tpu.memory_space<vmem>>
    %dma_wait3A_100 = tpu.memref_squeeze %dma_wait3A_99 : memref<1x80x128xf32, #tpu.memory_space<vmem>> -> memref<80x128xf32, #tpu.memory_space<vmem>>
    %dma_wait3A_101 = tpu.memref_slice %arg6[%multiple_of3A_95] : memref<10000xi32, #tpu.memory_space<vmem>> -> memref<80xi32, #tpu.memory_space<vmem>>
    %dma_wait3A_102 = arith.constant 0 : i32
    %dma_wait3A_103 = arith.constant 0 : i32
    %dma_wait3A_104 = tpu.memref_slice %arg2[%dma_wait3A_102, %dma_wait3A_103] : memref<10000x128xf32, #tpu.memory_space<hbm>> -> memref<10000x128xf32, #tpu.memory_space<hbm>>
    tpu.wait_indirect_dma semaphore(%arg12 : memref<!tpu.dma_semaphore, #tpu.memory_space<semaphore_mem>>) src(%dma_wait3A_104 : memref<10000x128xf32, #tpu.memory_space<hbm>>) dst(%dma_wait3A_100 : memref<80x128xf32, #tpu.memory_space<vmem>>)
    %add3A_105 = arith.constant 9840 : i32
    %add3A_106 = arith.addi %mul3A_2, %add3A_105 : i32
    %multiple_of3A_107 = tpu.assume_multiple %add3A_106, 8 : i32
    %dma_wait3A_108 = arith.constant 0 : i32
    %dma_wait3A_109 = arith.constant 0 : i32
    %dma_wait3A_110 = tpu.memref_slice %arg7[%dma_wait3A_108, %dma_wait3A_109] : memref<3x80xi32, #tpu.memory_space<vmem>> -> memref<1x80xi32, #tpu.memory_space<vmem>>
    %dma_wait3A_111 = tpu.memref_squeeze %dma_wait3A_110 : memref<1x80xi32, #tpu.memory_space<vmem>> -> memref<80xi32, #tpu.memory_space<vmem>>
    %dma_wait3A_112 = tpu.memref_slice %arg4[%multiple_of3A_107] : memref<320000xi32, #tpu.memory_space<hbm>> -> memref<80xi32, #tpu.memory_space<hbm>>
    %dma_wait3A_113 = arith.constant 0 : i32
    %dma_wait3A_114 = tpu.memref_slice %arg7[%dma_wait3A_108, %dma_wait3A_113] : memref<3x80xi32, #tpu.memory_space<vmem>> -> memref<1x80xi32, #tpu.memory_space<vmem>>
    %dma_wait3A_115 = tpu.memref_squeeze %dma_wait3A_114 : memref<1x80xi32, #tpu.memory_space<vmem>> -> memref<80xi32, #tpu.memory_space<vmem>>
    %dma_wait3A_116 = tpu.memref_slice %arg4[%multiple_of3A_107] : memref<320000xi32, #tpu.memory_space<hbm>> -> memref<80xi32, #tpu.memory_space<hbm>>
    tpu.wait_dma2 semaphore(%arg15 : memref<!tpu.dma_semaphore, #tpu.memory_space<semaphore_mem>>) src(%dma_wait3A_116 : memref<80xi32, #tpu.memory_space<hbm>>) dst(%dma_wait3A_115 : memref<80xi32, #tpu.memory_space<vmem>>)
    %run_scoped3A = arith.constant 0 : i32
    %run_scoped3A_117 = arith.constant 0 : i32
    "tpu.region"() ({
      %run_scoped3A_153 = tpu.sem_alloc : memref<!tpu.dma_semaphore, #tpu.memory_space<semaphore_mem>>
      %dma_start3A_154 = arith.constant 0 : i32
      %dma_start3A_155 = arith.constant 0 : i32
      %dma_start3A_156 = tpu.memref_slice %arg8[%run_scoped3A, %dma_start3A_154, %dma_start3A_155] : memref<3x80x128xf32, #tpu.memory_space<vmem>> -> memref<1x80x128xf32, #tpu.memory_space<vmem>>
      %dma_start3A_157 = tpu.memref_squeeze %dma_start3A_156 : memref<1x80x128xf32, #tpu.memory_space<vmem>> -> memref<80x128xf32, #tpu.memory_space<vmem>>
      %dma_start3A_158 = arith.constant 0 : i32
      %dma_start3A_159 = tpu.memref_slice %arg7[%run_scoped3A_117, %dma_start3A_158] : memref<3x80xi32, #tpu.memory_space<vmem>> -> memref<1x80xi32, #tpu.memory_space<vmem>>
      %dma_start3A_160 = tpu.memref_squeeze %dma_start3A_159 : memref<1x80xi32, #tpu.memory_space<vmem>> -> memref<80xi32, #tpu.memory_space<vmem>>
      %dma_start3A_161 = arith.constant 0 : i32
      %dma_start3A_162 = arith.constant 0 : i32
      %dma_start3A_163 = tpu.memref_slice %arg10[%dma_start3A_161, %dma_start3A_162] : memref<10000x128xf32, #tpu.memory_space<vmem_shared>> -> memref<10000x128xf32, #tpu.memory_space<vmem_shared>>
      tpu.enqueue_indirect_dma source(%dma_start3A_157 : memref<80x128xf32, #tpu.memory_space<vmem>>) target(%dma_start3A_163 : memref<10000x128xf32, #tpu.memory_space<vmem_shared>>) offsets(%dma_start3A_160 : memref<80xi32, #tpu.memory_space<vmem>>) semaphore(%run_scoped3A_153 : memref<!tpu.dma_semaphore, #tpu.memory_space<semaphore_mem>>) {add = true}
      %dma_wait3A_164 = arith.constant 0 : i32
      %dma_wait3A_165 = arith.constant 0 : i32
      %dma_wait3A_166 = tpu.memref_slice %arg8[%run_scoped3A, %dma_wait3A_164, %dma_wait3A_165] : memref<3x80x128xf32, #tpu.memory_space<vmem>> -> memref<1x80x128xf32, #tpu.memory_space<vmem>>
      %dma_wait3A_167 = tpu.memref_squeeze %dma_wait3A_166 : memref<1x80x128xf32, #tpu.memory_space<vmem>> -> memref<80x128xf32, #tpu.memory_space<vmem>>
      %dma_wait3A_168 = arith.constant 0 : i32
      %dma_wait3A_169 = tpu.memref_slice %arg7[%run_scoped3A_117, %dma_wait3A_168] : memref<3x80xi32, #tpu.memory_space<vmem>> -> memref<1x80xi32, #tpu.memory_space<vmem>>
      %dma_wait3A_170 = tpu.memref_squeeze %dma_wait3A_169 : memref<1x80xi32, #tpu.memory_space<vmem>> -> memref<80xi32, #tpu.memory_space<vmem>>
      %dma_wait3A_171 = arith.constant 0 : i32
      %dma_wait3A_172 = arith.constant 0 : i32
      %dma_wait3A_173 = tpu.memref_slice %arg10[%dma_wait3A_171, %dma_wait3A_172] : memref<10000x128xf32, #tpu.memory_space<vmem_shared>> -> memref<10000x128xf32, #tpu.memory_space<vmem_shared>>
      tpu.wait_indirect_dma semaphore(%run_scoped3A_153 : memref<!tpu.dma_semaphore, #tpu.memory_space<semaphore_mem>>) src(%dma_wait3A_167 : memref<80x128xf32, #tpu.memory_space<vmem>>) dst(%dma_wait3A_173 : memref<10000x128xf32, #tpu.memory_space<vmem_shared>>)
      tpu.yield
    }) : () -> ()
    %multiple_of3A_118 = arith.constant 9920 : i32
    %multiple_of3A_119 = tpu.assume_multiple %multiple_of3A_118, 8 : i32
    %dma_wait3A_120 = arith.constant 1 : i32
    %dma_wait3A_121 = arith.constant 0 : i32
    %dma_wait3A_122 = arith.constant 0 : i32
    %dma_wait3A_123 = tpu.memref_slice %arg8[%dma_wait3A_120, %dma_wait3A_121, %dma_wait3A_122] : memref<3x80x128xf32, #tpu.memory_space<vmem>> -> memref<1x80x128xf32, #tpu.memory_space<vmem>>
    %dma_wait3A_124 = tpu.memref_squeeze %dma_wait3A_123 : memref<1x80x128xf32, #tpu.memory_space<vmem>> -> memref<80x128xf32, #tpu.memory_space<vmem>>
    %dma_wait3A_125 = tpu.memref_slice %arg6[%multiple_of3A_119] : memref<10000xi32, #tpu.memory_space<vmem>> -> memref<80xi32, #tpu.memory_space<vmem>>
    %dma_wait3A_126 = arith.constant 0 : i32
    %dma_wait3A_127 = arith.constant 0 : i32
    %dma_wait3A_128 = tpu.memref_slice %arg2[%dma_wait3A_126, %dma_wait3A_127] : memref<10000x128xf32, #tpu.memory_space<hbm>> -> memref<10000x128xf32, #tpu.memory_space<hbm>>
    tpu.wait_indirect_dma semaphore(%arg13 : memref<!tpu.dma_semaphore, #tpu.memory_space<semaphore_mem>>) src(%dma_wait3A_128 : memref<10000x128xf32, #tpu.memory_space<hbm>>) dst(%dma_wait3A_124 : memref<80x128xf32, #tpu.memory_space<vmem>>)
    %add3A_129 = arith.constant 9920 : i32
    %add3A_130 = arith.addi %mul3A_2, %add3A_129 : i32
    %multiple_of3A_131 = tpu.assume_multiple %add3A_130, 8 : i32
    %dma_wait3A_132 = arith.constant 1 : i32
    %dma_wait3A_133 = arith.constant 0 : i32
    %dma_wait3A_134 = tpu.memref_slice %arg7[%dma_wait3A_132, %dma_wait3A_133] : memref<3x80xi32, #tpu.memory_space<vmem>> -> memref<1x80xi32, #tpu.memory_space<vmem>>
    %dma_wait3A_135 = tpu.memref_squeeze %dma_wait3A_134 : memref<1x80xi32, #tpu.memory_space<vmem>> -> memref<80xi32, #tpu.memory_space<vmem>>
    %dma_wait3A_136 = tpu.memref_slice %arg4[%multiple_of3A_131] : memref<320000xi32, #tpu.memory_space<hbm>> -> memref<80xi32, #tpu.memory_space<hbm>>
    %dma_wait3A_137 = arith.constant 0 : i32
    %dma_wait3A_138 = tpu.memref_slice %arg7[%dma_wait3A_132, %dma_wait3A_137] : memref<3x80xi32, #tpu.memory_space<vmem>> -> memref<1x80xi32, #tpu.memory_space<vmem>>
    %dma_wait3A_139 = tpu.memref_squeeze %dma_wait3A_138 : memref<1x80xi32, #tpu.memory_space<vmem>> -> memref<80xi32, #tpu.memory_space<vmem>>
    %dma_wait3A_140 = tpu.memref_slice %arg4[%multiple_of3A_131] : memref<320000xi32, #tpu.memory_space<hbm>> -> memref<80xi32, #tpu.memory_space<hbm>>
    tpu.wait_dma2 semaphore(%arg16 : memref<!tpu.dma_semaphore, #tpu.memory_space<semaphore_mem>>) src(%dma_wait3A_140 : memref<80xi32, #tpu.memory_space<hbm>>) dst(%dma_wait3A_139 : memref<80xi32, #tpu.memory_space<vmem>>)
    %run_scoped3A_141 = arith.constant 1 : i32
    %run_scoped3A_142 = arith.constant 1 : i32
    "tpu.region"() ({
      %run_scoped3A_153 = tpu.sem_alloc : memref<!tpu.dma_semaphore, #tpu.memory_space<semaphore_mem>>
      %dma_start3A_154 = arith.constant 0 : i32
      %dma_start3A_155 = arith.constant 0 : i32
      %dma_start3A_156 = tpu.memref_slice %arg8[%run_scoped3A_141, %dma_start3A_154, %dma_start3A_155] : memref<3x80x128xf32, #tpu.memory_space<vmem>> -> memref<1x80x128xf32, #tpu.memory_space<vmem>>
      %dma_start3A_157 = tpu.memref_squeeze %dma_start3A_156 : memref<1x80x128xf32, #tpu.memory_space<vmem>> -> memref<80x128xf32, #tpu.memory_space<vmem>>
      %dma_start3A_158 = arith.constant 0 : i32
      %dma_start3A_159 = tpu.memref_slice %arg7[%run_scoped3A_142, %dma_start3A_158] : memref<3x80xi32, #tpu.memory_space<vmem>> -> memref<1x80xi32, #tpu.memory_space<vmem>>
      %dma_start3A_160 = tpu.memref_squeeze %dma_start3A_159 : memref<1x80xi32, #tpu.memory_space<vmem>> -> memref<80xi32, #tpu.memory_space<vmem>>
      %dma_start3A_161 = arith.constant 0 : i32
      %dma_start3A_162 = arith.constant 0 : i32
      %dma_start3A_163 = tpu.memref_slice %arg10[%dma_start3A_161, %dma_start3A_162] : memref<10000x128xf32, #tpu.memory_space<vmem_shared>> -> memref<10000x128xf32, #tpu.memory_space<vmem_shared>>
      tpu.enqueue_indirect_dma source(%dma_start3A_157 : memref<80x128xf32, #tpu.memory_space<vmem>>) target(%dma_start3A_163 : memref<10000x128xf32, #tpu.memory_space<vmem_shared>>) offsets(%dma_start3A_160 : memref<80xi32, #tpu.memory_space<vmem>>) semaphore(%run_scoped3A_153 : memref<!tpu.dma_semaphore, #tpu.memory_space<semaphore_mem>>) {add = true}
      %dma_wait3A_164 = arith.constant 0 : i32
      %dma_wait3A_165 = arith.constant 0 : i32
      %dma_wait3A_166 = tpu.memref_slice %arg8[%run_scoped3A_141, %dma_wait3A_164, %dma_wait3A_165] : memref<3x80x128xf32, #tpu.memory_space<vmem>> -> memref<1x80x128xf32, #tpu.memory_space<vmem>>
      %dma_wait3A_167 = tpu.memref_squeeze %dma_wait3A_166 : memref<1x80x128xf32, #tpu.memory_space<vmem>> -> memref<80x128xf32, #tpu.memory_space<vmem>>
      %dma_wait3A_168 = arith.constant 0 : i32
      %dma_wait3A_169 = tpu.memref_slice %arg7[%run_scoped3A_142, %dma_wait3A_168] : memref<3x80xi32, #tpu.memory_space<vmem>> -> memref<1x80xi32, #tpu.memory_space<vmem>>
      %dma_wait3A_170 = tpu.memref_squeeze %dma_wait3A_169 : memref<1x80xi32, #tpu.memory_space<vmem>> -> memref<80xi32, #tpu.memory_space<vmem>>
      %dma_wait3A_171 = arith.constant 0 : i32
      %dma_wait3A_172 = arith.constant 0 : i32
      %dma_wait3A_173 = tpu.memref_slice %arg10[%dma_wait3A_171, %dma_wait3A_172] : memref<10000x128xf32, #tpu.memory_space<vmem_shared>> -> memref<10000x128xf32, #tpu.memory_space<vmem_shared>>
      tpu.wait_indirect_dma semaphore(%run_scoped3A_153 : memref<!tpu.dma_semaphore, #tpu.memory_space<semaphore_mem>>) src(%dma_wait3A_167 : memref<80x128xf32, #tpu.memory_space<vmem>>) dst(%dma_wait3A_173 : memref<10000x128xf32, #tpu.memory_space<vmem_shared>>)
      tpu.yield
    }) : () -> ()
    %barrier3A_143 = arith.constant 0 : index
    tpu.barrier barrier_id(%barrier3A_143)
    %mul3A_144 = arith.constant 624 : i32
    %mul3A_145 = arith.muli %arg1, %mul3A_144 : i32
    %mul3A_146 = arith.constant 624 : i32
    %mul3A_147 = arith.muli %arg1, %mul3A_146 : i32
    "tpu.region"() ({
      %run_scoped3A_153 = tpu.sem_alloc : memref<!tpu.dma_semaphore, #tpu.memory_space<semaphore_mem>>
      %dma_start3A_154 = arith.constant 0 : i32
      %dma_start3A_155 = tpu.memref_slice %arg5[%arg0, %mul3A_147, %dma_start3A_154] : memref<2x10000x128xf32, #tpu.memory_space<hbm>> -> memref<1x624x128xf32, #tpu.memory_space<hbm>>
      %dma_start3A_156 = tpu.memref_squeeze %dma_start3A_155 : memref<1x624x128xf32, #tpu.memory_space<hbm>> -> memref<624x128xf32, #tpu.memory_space<hbm>>
      %dma_start3A_157 = arith.constant 0 : i32
      %dma_start3A_158 = tpu.memref_slice %arg10[%mul3A_145, %dma_start3A_157] : memref<10000x128xf32, #tpu.memory_space<vmem_shared>> -> memref<624x128xf32, #tpu.memory_space<vmem_shared>>
      tpu.enqueue_dma source(%dma_start3A_158 : memref<624x128xf32, #tpu.memory_space<vmem_shared>>) target(%dma_start3A_156 : memref<624x128xf32, #tpu.memory_space<hbm>>) target_semaphore(%run_scoped3A_153 : memref<!tpu.dma_semaphore, #tpu.memory_space<semaphore_mem>>)
      %dma_wait3A_159 = arith.constant 0 : i32
      %dma_wait3A_160 = tpu.memref_slice %arg5[%arg0, %mul3A_147, %dma_wait3A_159] : memref<2x10000x128xf32, #tpu.memory_space<hbm>> -> memref<1x624x128xf32, #tpu.memory_space<hbm>>
      %dma_wait3A_161 = tpu.memref_squeeze %dma_wait3A_160 : memref<1x624x128xf32, #tpu.memory_space<hbm>> -> memref<624x128xf32, #tpu.memory_space<hbm>>
      %dma_wait3A_162 = arith.constant 0 : i32
      %dma_wait3A_163 = tpu.memref_slice %arg10[%mul3A_145, %dma_wait3A_162] : memref<10000x128xf32, #tpu.memory_space<vmem_shared>> -> memref<624x128xf32, #tpu.memory_space<vmem_shared>>
      tpu.wait_dma2 semaphore(%run_scoped3A_153 : memref<!tpu.dma_semaphore, #tpu.memory_space<semaphore_mem>>) src(%dma_wait3A_163 : memref<624x128xf32, #tpu.memory_space<vmem_shared>>) dst(%dma_wait3A_161 : memref<624x128xf32, #tpu.memory_space<hbm>>)
      tpu.yield
    }) : () -> ()
    %eq3A_148 = arith.constant 15 : i32
    %eq3A_149 = arith.cmpi eq, %arg1, %eq3A_148 : i32
    %convert_element_type3A_150 = arith.extui %eq3A_149 : i1 to i32
    %cond3A_151 = arith.constant 0 : i32
    %cond3A_152 = arith.cmpi ne, %convert_element_type3A_150, %cond3A_151 : i32
    scf.if %cond3A_152 {
      "tpu.region"() ({
        %run_scoped3A_153 = tpu.sem_alloc : memref<!tpu.dma_semaphore, #tpu.memory_space<semaphore_mem>>
        %dma_start3A_154 = arith.constant 9984 : i32
        %dma_start3A_155 = arith.constant 0 : i32
        %dma_start3A_156 = tpu.memref_slice %arg5[%arg0, %dma_start3A_154, %dma_start3A_155] : memref<2x10000x128xf32, #tpu.memory_space<hbm>> -> memref<1x16x128xf32, #tpu.memory_space<hbm>>
        %dma_start3A_157 = tpu.memref_squeeze %dma_start3A_156 : memref<1x16x128xf32, #tpu.memory_space<hbm>> -> memref<16x128xf32, #tpu.memory_space<hbm>>
        %dma_start3A_158 = arith.constant 9984 : i32
        %dma_start3A_159 = arith.constant 0 : i32
        %dma_start3A_160 = tpu.memref_slice %arg10[%dma_start3A_158, %dma_start3A_159] : memref<10000x128xf32, #tpu.memory_space<vmem_shared>> -> memref<16x128xf32, #tpu.memory_space<vmem_shared>>
        tpu.enqueue_dma source(%dma_start3A_160 : memref<16x128xf32, #tpu.memory_space<vmem_shared>>) target(%dma_start3A_157 : memref<16x128xf32, #tpu.memory_space<hbm>>) target_semaphore(%run_scoped3A_153 : memref<!tpu.dma_semaphore, #tpu.memory_space<semaphore_mem>>)
        %dma_wait3A_161 = arith.constant 9984 : i32
        %dma_wait3A_162 = arith.constant 0 : i32
        %dma_wait3A_163 = tpu.memref_slice %arg5[%arg0, %dma_wait3A_161, %dma_wait3A_162] : memref<2x10000x128xf32, #tpu.memory_space<hbm>> -> memref<1x16x128xf32, #tpu.memory_space<hbm>>
        %dma_wait3A_164 = tpu.memref_squeeze %dma_wait3A_163 : memref<1x16x128xf32, #tpu.memory_space<hbm>> -> memref<16x128xf32, #tpu.memory_space<hbm>>
        %dma_wait3A_165 = arith.constant 9984 : i32
        %dma_wait3A_166 = arith.constant 0 : i32
        %dma_wait3A_167 = tpu.memref_slice %arg10[%dma_wait3A_165, %dma_wait3A_166] : memref<10000x128xf32, #tpu.memory_space<vmem_shared>> -> memref<16x128xf32, #tpu.memory_space<vmem_shared>>
        tpu.wait_dma2 semaphore(%run_scoped3A_153 : memref<!tpu.dma_semaphore, #tpu.memory_space<semaphore_mem>>) src(%dma_wait3A_167 : memref<16x128xf32, #tpu.memory_space<vmem_shared>>) dst(%dma_wait3A_164 : memref<16x128xf32, #tpu.memory_space<hbm>>)
        tpu.yield
      }) : () -> ()
    } else {
    }
    return
  }
}

#map = affine_map<(d0, d1) -> (0, 0)>
#map1 = affine_map<(d0, d1) -> (0)>
#map2 = affine_map<(d0, d1) -> (0, 0, 0)>
module attributes {stable_mosaic.version = 14 : i64} {
  func.func @_sc_agg(%arg0: i32, %arg1: i32, %arg2: memref<10000x128xf32, #tpu.memory_space<hbm>>, %arg3: memref<320000xi32, #tpu.memory_space<hbm>>, %arg4: memref<320000xi32, #tpu.memory_space<hbm>>, %arg5: memref<2x10000x128xf32, #tpu.memory_space<hbm>>, %arg6: memref<10000xi32, #tpu.memory_space<vmem>>, %arg7: memref<3x80xi32, #tpu.memory_space<vmem>>, %arg8: memref<3x80x128xf32, #tpu.memory_space<vmem>>, %arg9: memref<8x128xf32, #tpu.memory_space<vmem>>, %arg10: memref<10000x128xf32, #tpu.memory_space<vmem_shared>>, %arg11: memref<!tpu.dma_semaphore, #tpu.memory_space<semaphore_mem>>, %arg12: memref<!tpu.dma_semaphore, #tpu.memory_space<semaphore_mem>>, %arg13: memref<!tpu.dma_semaphore, #tpu.memory_space<semaphore_mem>>, %arg14: memref<!tpu.dma_semaphore, #tpu.memory_space<semaphore_mem>>, %arg15: memref<!tpu.dma_semaphore, #tpu.memory_space<semaphore_mem>>, %arg16: memref<!tpu.dma_semaphore, #tpu.memory_space<semaphore_mem>>, %arg17: memref<!tpu.dma_semaphore, #tpu.memory_space<semaphore_mem>>) attributes {dimension_semantics = [#tpu.dimension_semantics<core_parallel>, #tpu.dimension_semantics<subcore_parallel>], iteration_bounds = array<i64: 2, 16>, scalar_prefetch = 0 : i64, scratch_operands = 12 : i64, tpu.core_type = #tpu.core_type<sc_vector_subcore>, window_params = [{transform_indices = #map}, {transform_indices = #map1}, {transform_indices = #map1}, {transform_indices = #map2}]} {
    %mul3A = arith.constant 2 : i32
    %mul3A_0 = arith.muli %arg1, %mul3A : i32
    %add3A = arith.addi %mul3A_0, %arg0 : i32
    %mul3A_1 = arith.constant 10000 : i32
    %mul3A_2 = arith.muli %add3A, %mul3A_1 : i32
    %multiple_of3A = tpu.assume_multiple %mul3A_2, 8 : i32
    %dma_start3A = tpu.memref_slice %arg3[%multiple_of3A] : memref<320000xi32, #tpu.memory_space<hbm>> -> memref<10000xi32, #tpu.memory_space<hbm>>
    %dma_start3A_3 = tpu.memref_slice %arg3[%multiple_of3A] : memref<320000xi32, #tpu.memory_space<hbm>> -> memref<10000xi32, #tpu.memory_space<hbm>>
    tpu.enqueue_dma source(%dma_start3A_3 : memref<10000xi32, #tpu.memory_space<hbm>>) target(%arg6 : memref<10000xi32, #tpu.memory_space<vmem>>) target_semaphore(%arg11 : memref<!tpu.dma_semaphore, #tpu.memory_space<semaphore_mem>>)
    %broadcast_in_dim3A = arith.constant 0.000000e+00 : f32
    %broadcast_in_dim3A_4 = vector.broadcast %broadcast_in_dim3A : f32 to vector<16xf32>
    %scan3A = arith.constant 0 : i32
    %scan3A_5 = arith.constant 0 : i32
    %scan3A_6 = arith.constant 64 : i32
    %scan3A_7 = arith.addi %scan3A_5, %scan3A_6 : i32
    %scan3A_8 = arith.constant 1 : i32
    scf.for %scan3A_153 = %scan3A_5 to %scan3A_7 step %scan3A_8  : i32 {
      %jit3A = arith.constant 8 : i32
      %div3A = arith.divsi %scan3A_153, %jit3A : i32
      %sign3A = arith.constant 0 : i32
      %sign3A_154 = arith.cmpi sgt, %scan3A_153, %sign3A : i32
      %sign3A_155 = arith.extui %sign3A_154 : i1 to i32
      %sign3A_156 = arith.constant 0 : i32
      %sign3A_157 = arith.cmpi slt, %scan3A_153, %sign3A_156 : i32
      %sign3A_158 = arith.extui %sign3A_157 : i1 to i32
      %sign3A_159 = arith.subi %sign3A_155, %sign3A_158 : i32
      %sign3A_160 = arith.constant 0 : i32
      %sign3A_161 = arith.cmpi sgt, %jit3A, %sign3A_160 : i32
      %sign3A_162 = arith.extui %sign3A_161 : i1 to i32
      %sign3A_163 = arith.constant 0 : i32
      %sign3A_164 = arith.cmpi slt, %jit3A, %sign3A_163 : i32
      %sign3A_165 = arith.extui %sign3A_164 : i1 to i32
      %sign3A_166 = arith.subi %sign3A_162, %sign3A_165 : i32
      %ne3A = arith.cmpi ne, %sign3A_159, %sign3A_166 : i32
      %rem3A = arith.remsi %scan3A_153, %jit3A : i32
      %ne3A_167 = arith.constant 0 : i32
      %ne3A_168 = arith.cmpi ne, %rem3A, %ne3A_167 : i32
      %and3A = arith.andi %ne3A, %ne3A_168 : i1
      %sub3A = arith.constant 1 : i32
      %sub3A_169 = arith.subi %div3A, %sub3A : i32
      %select_n3A = arith.select %and3A, %sub3A_169, %div3A : i32
      %jit3A_170 = arith.constant 8 : i32
      %eq3A_171 = arith.constant 0 : i32
      %eq3A_172 = arith.cmpi eq, %jit3A_170, %eq3A_171 : i32
      %jit3A_173 = arith.constant 1 : i32
      %select_n3A_174 = arith.select %eq3A_172, %jit3A_173, %jit3A_170 : i32
      %rem3A_175 = arith.remsi %scan3A_153, %select_n3A_174 : i32
      %ne3A_176 = arith.constant 0 : i32
      %ne3A_177 = arith.cmpi ne, %rem3A_175, %ne3A_176 : i32
      %lt3A = arith.constant 0 : i32
      %lt3A_178 = arith.cmpi slt, %rem3A_175, %lt3A : i32
      %lt3A_179 = arith.constant 0 : i32
      %lt3A_180 = arith.cmpi slt, %select_n3A_174, %lt3A_179 : i32
      %ne3A_181 = arith.xori %lt3A_178, %lt3A_180 : i1
      %and3A_182 = arith.andi %ne3A_181, %ne3A_177 : i1
      %add3A_183 = arith.addi %rem3A_175, %select_n3A_174 : i32
      %select_n3A_184 = arith.select %and3A_182, %add3A_183, %rem3A_175 : i32
      %mul3A_185 = arith.constant 16 : i32
      %mul3A_186 = arith.muli %select_n3A_184, %mul3A_185 : i32
      %swap3A = arith.index_cast %select_n3A : i32 to index
      %swap3A_187 = arith.index_cast %mul3A_186 : i32 to index
      %swap3A_188 = tpu.vector_load %arg9[%swap3A, %swap3A_187] {strides = array<i32>} : memref<8x128xf32, #tpu.memory_space<vmem>>, vector<1x16xf32>,
      %swap3A_189 = vector.shape_cast %swap3A_188 : vector<1x16xf32> to vector<16xf32>
      %swap3A_190 = vector.shape_cast %broadcast_in_dim3A_4 : vector<16xf32> to vector<1x16xf32>
      tpu.vector_store %arg9[%swap3A, %swap3A_187], %swap3A_190 {strides = array<i32>} : memref<8x128xf32, #tpu.memory_space<vmem>>, vector<1x16xf32>,
    }
    %scan3A_9 = arith.constant 64 : i32
    %scan3A_10 = arith.constant 0 : i32
    %scan3A_11 = arith.constant 0 : i32
    %scan3A_12 = arith.constant 78 : i32
    %scan3A_13 = arith.addi %scan3A_11, %scan3A_12 : i32
    %scan3A_14 = arith.constant 1 : i32
    scf.for %scan3A_153 = %scan3A_11 to %scan3A_13 step %scan3A_14  : i32 {
      %mul3A_154 = arith.constant 624 : i32
      %mul3A_155 = arith.muli %arg1, %mul3A_154 : i32
      %mul3A_156 = arith.constant 8 : i32
      %mul3A_157 = arith.muli %scan3A_153, %mul3A_156 : i32
      %add3A_158 = arith.addi %mul3A_155, %mul3A_157 : i32
      "tpu.region"() ({
        %run_scoped3A_159 = tpu.sem_alloc : memref<!tpu.dma_semaphore, #tpu.memory_space<semaphore_mem>>
        %dma_start3A_160 = arith.constant 0 : i32
        %dma_start3A_161 = tpu.memref_slice %arg10[%add3A_158, %dma_start3A_160] : memref<10000x128xf32, #tpu.memory_space<vmem_shared>> -> memref<8x128xf32, #tpu.memory_space<vmem_shared>>
        %dma_start3A_162 = arith.constant 0 : i32
        %dma_start3A_163 = tpu.memref_slice %arg10[%add3A_158, %dma_start3A_162] : memref<10000x128xf32, #tpu.memory_space<vmem_shared>> -> memref<8x128xf32, #tpu.memory_space<vmem_shared>>
        tpu.enqueue_dma source(%arg9 : memref<8x128xf32, #tpu.memory_space<vmem>>) target(%dma_start3A_163 : memref<8x128xf32, #tpu.memory_space<vmem_shared>>) target_semaphore(%run_scoped3A_159 : memref<!tpu.dma_semaphore, #tpu.memory_space<semaphore_mem>>)
        %dma_wait3A_164 = arith.constant 0 : i32
        %dma_wait3A_165 = tpu.memref_slice %arg10[%add3A_158, %dma_wait3A_164] : memref<10000x128xf32, #tpu.memory_space<vmem_shared>> -> memref<8x128xf32, #tpu.memory_space<vmem_shared>>
        %dma_wait3A_166 = arith.constant 0 : i32
        %dma_wait3A_167 = tpu.memref_slice %arg10[%add3A_158, %dma_wait3A_166] : memref<10000x128xf32, #tpu.memory_space<vmem_shared>> -> memref<8x128xf32, #tpu.memory_space<vmem_shared>>
        tpu.wait_dma2 semaphore(%run_scoped3A_159 : memref<!tpu.dma_semaphore, #tpu.memory_space<semaphore_mem>>) src(%arg9 : memref<8x128xf32, #tpu.memory_space<vmem>>) dst(%dma_wait3A_167 : memref<8x128xf32, #tpu.memory_space<vmem_shared>>)
        tpu.yield
      }) : () -> ()
    }
    %scan3A_15 = arith.constant 78 : i32
    %eq3A = arith.constant 15 : i32
    %eq3A_16 = arith.cmpi eq, %arg1, %eq3A : i32
    %convert_element_type3A = arith.extui %eq3A_16 : i1 to i32
    %cond3A = arith.constant 0 : i32
    %cond3A_17 = arith.cmpi ne, %convert_element_type3A, %cond3A : i32
    scf.if %cond3A_17 {
      "tpu.region"() ({
        %run_scoped3A_153 = tpu.sem_alloc : memref<!tpu.dma_semaphore, #tpu.memory_space<semaphore_mem>>
        %dma_start3A_154 = arith.constant 0 : i32
        %dma_start3A_155 = arith.constant 0 : i32
        %dma_start3A_156 = tpu.memref_slice %arg9[%dma_start3A_154, %dma_start3A_155] : memref<8x128xf32, #tpu.memory_space<vmem>> -> memref<16x128xf32, #tpu.memory_space<vmem>>
        %dma_start3A_157 = arith.constant 9984 : i32
        %dma_start3A_158 = arith.constant 0 : i32
        %dma_start3A_159 = tpu.memref_slice %arg10[%dma_start3A_157, %dma_start3A_158] : memref<10000x128xf32, #tpu.memory_space<vmem_shared>> -> memref<16x128xf32, #tpu.memory_space<vmem_shared>>
        %dma_start3A_160 = arith.constant 9984 : i32
        %dma_start3A_161 = arith.constant 0 : i32
        %dma_start3A_162 = tpu.memref_slice %arg10[%dma_start3A_160, %dma_start3A_161] : memref<10000x128xf32, #tpu.memory_space<vmem_shared>> -> memref<16x128xf32, #tpu.memory_space<vmem_shared>>
        %dma_start3A_163 = arith.constant 0 : i32
        %dma_start3A_164 = arith.constant 0 : i32
        %dma_start3A_165 = tpu.memref_slice %arg9[%dma_start3A_163, %dma_start3A_164] : memref<8x128xf32, #tpu.memory_space<vmem>> -> memref<16x128xf32, #tpu.memory_space<vmem>>
        tpu.enqueue_dma source(%dma_start3A_165 : memref<16x128xf32, #tpu.memory_space<vmem>>) target(%dma_start3A_162 : memref<16x128xf32, #tpu.memory_space<vmem_shared>>) target_semaphore(%run_scoped3A_153 : memref<!tpu.dma_semaphore, #tpu.memory_space<semaphore_mem>>)
        %dma_wait3A_166 = arith.constant 0 : i32
        %dma_wait3A_167 = arith.constant 0 : i32
        %dma_wait3A_168 = tpu.memref_slice %arg9[%dma_wait3A_166, %dma_wait3A_167] : memref<8x128xf32, #tpu.memory_space<vmem>> -> memref<16x128xf32, #tpu.memory_space<vmem>>
        %dma_wait3A_169 = arith.constant 9984 : i32
        %dma_wait3A_170 = arith.constant 0 : i32
        %dma_wait3A_171 = tpu.memref_slice %arg10[%dma_wait3A_169, %dma_wait3A_170] : memref<10000x128xf32, #tpu.memory_space<vmem_shared>> -> memref<16x128xf32, #tpu.memory_space<vmem_shared>>
        %dma_wait3A_172 = arith.constant 9984 : i32
        %dma_wait3A_173 = arith.constant 0 : i32
        %dma_wait3A_174 = tpu.memref_slice %arg10[%dma_wait3A_172, %dma_wait3A_173] : memref<10000x128xf32, #tpu.memory_space<vmem_shared>> -> memref<16x128xf32, #tpu.memory_space<vmem_shared>>
        %dma_wait3A_175 = arith.constant 0 : i32
        %dma_wait3A_176 = arith.constant 0 : i32
        %dma_wait3A_177 = tpu.memref_slice %arg9[%dma_wait3A_175, %dma_wait3A_176] : memref<8x128xf32, #tpu.memory_space<vmem>> -> memref<16x128xf32, #tpu.memory_space<vmem>>
        tpu.wait_dma2 semaphore(%run_scoped3A_153 : memref<!tpu.dma_semaphore, #tpu.memory_space<semaphore_mem>>) src(%dma_wait3A_177 : memref<16x128xf32, #tpu.memory_space<vmem>>) dst(%dma_wait3A_174 : memref<16x128xf32, #tpu.memory_space<vmem_shared>>)
        tpu.yield
      }) : () -> ()
    } else {
    }
    %dma_wait3A = tpu.memref_slice %arg3[%multiple_of3A] : memref<320000xi32, #tpu.memory_space<hbm>> -> memref<10000xi32, #tpu.memory_space<hbm>>
    %dma_wait3A_18 = tpu.memref_slice %arg3[%multiple_of3A] : memref<320000xi32, #tpu.memory_space<hbm>> -> memref<10000xi32, #tpu.memory_space<hbm>>
    tpu.wait_dma2 semaphore(%arg11 : memref<!tpu.dma_semaphore, #tpu.memory_space<semaphore_mem>>) src(%dma_wait3A_18 : memref<10000xi32, #tpu.memory_space<hbm>>) dst(%arg6 : memref<10000xi32, #tpu.memory_space<vmem>>)
    %barrier3A = arith.constant 0 : index
    tpu.barrier barrier_id(%barrier3A)
    %add3A_19 = arith.constant 0 : i32
    %add3A_20 = arith.addi %mul3A_2, %add3A_19 : i32
    %multiple_of3A_21 = tpu.assume_multiple %add3A_20, 8 : i32
    %dma_start3A_22 = arith.constant 0 : i32
    %dma_start3A_23 = arith.constant 0 : i32
    %dma_start3A_24 = tpu.memref_slice %arg7[%dma_start3A_22, %dma_start3A_23] : memref<3x80xi32, #tpu.memory_space<vmem>> -> memref<1x80xi32, #tpu.memory_space<vmem>>
    %dma_start3A_25 = tpu.memref_squeeze %dma_start3A_24 : memref<1x80xi32, #tpu.memory_space<vmem>> -> memref<80xi32, #tpu.memory_space<vmem>>
    %dma_start3A_26 = tpu.memref_slice %arg4[%multiple_of3A_21] : memref<320000xi32, #tpu.memory_space<hbm>> -> memref<80xi32, #tpu.memory_space<hbm>>
    %dma_start3A_27 = arith.constant 0 : i32
    %dma_start3A_28 = tpu.memref_slice %arg7[%dma_start3A_22, %dma_start3A_27] : memref<3x80xi32, #tpu.memory_space<vmem>> -> memref<1x80xi32, #tpu.memory_space<vmem>>
    %dma_start3A_29 = tpu.memref_squeeze %dma_start3A_28 : memref<1x80xi32, #tpu.memory_space<vmem>> -> memref<80xi32, #tpu.memory_space<vmem>>
    %dma_start3A_30 = tpu.memref_slice %arg4[%multiple_of3A_21] : memref<320000xi32, #tpu.memory_space<hbm>> -> memref<80xi32, #tpu.memory_space<hbm>>
    tpu.enqueue_dma source(%dma_start3A_30 : memref<80xi32, #tpu.memory_space<hbm>>) target(%dma_start3A_29 : memref<80xi32, #tpu.memory_space<vmem>>) target_semaphore(%arg15 : memref<!tpu.dma_semaphore, #tpu.memory_space<semaphore_mem>>)
    %multiple_of3A_31 = arith.constant 0 : i32
    %multiple_of3A_32 = tpu.assume_multiple %multiple_of3A_31, 8 : i32
    %dma_start3A_33 = arith.constant 0 : i32
    %dma_start3A_34 = arith.constant 0 : i32
    %dma_start3A_35 = arith.constant 0 : i32
    %dma_start3A_36 = tpu.memref_slice %arg8[%dma_start3A_33, %dma_start3A_34, %dma_start3A_35] : memref<3x80x128xf32, #tpu.memory_space<vmem>> -> memref<1x80x128xf32, #tpu.memory_space<vmem>>
    %dma_start3A_37 = tpu.memref_squeeze %dma_start3A_36 : memref<1x80x128xf32, #tpu.memory_space<vmem>> -> memref<80x128xf32, #tpu.memory_space<vmem>>
    %dma_start3A_38 = tpu.memref_slice %arg6[%multiple_of3A_32] : memref<10000xi32, #tpu.memory_space<vmem>> -> memref<80xi32, #tpu.memory_space<vmem>>
    %dma_start3A_39 = arith.constant 0 : i32
    %dma_start3A_40 = arith.constant 0 : i32
    %dma_start3A_41 = tpu.memref_slice %arg2[%dma_start3A_39, %dma_start3A_40] : memref<10000x128xf32, #tpu.memory_space<hbm>> -> memref<10000x128xf32, #tpu.memory_space<hbm>>
    tpu.enqueue_indirect_dma source(%dma_start3A_41 : memref<10000x128xf32, #tpu.memory_space<hbm>>) target(%dma_start3A_37 : memref<80x128xf32, #tpu.memory_space<vmem>>) offsets(%dma_start3A_38 : memref<80xi32, #tpu.memory_space<vmem>>) semaphore(%arg12 : memref<!tpu.dma_semaphore, #tpu.memory_space<semaphore_mem>>)
    %add3A_42 = arith.constant 80 : i32
    %add3A_43 = arith.addi %mul3A_2, %add3A_42 : i32
    %multiple_of3A_44 = tpu.assume_multiple %add3A_43, 8 : i32
    %dma_start3A_45 = arith.constant 1 : i32
    %dma_start3A_46 = arith.constant 0 : i32
    %dma_start3A_47 = tpu.memref_slice %arg7[%dma_start3A_45, %dma_start3A_46] : memref<3x80xi32, #tpu.memory_space<vmem>> -> memref<1x80xi32, #tpu.memory_space<vmem>>
    %dma_start3A_48 = tpu.memref_squeeze %dma_start3A_47 : memref<1x80xi32, #tpu.memory_space<vmem>> -> memref<80xi32, #tpu.memory_space<vmem>>
    %dma_start3A_49 = tpu.memref_slice %arg4[%multiple_of3A_44] : memref<320000xi32, #tpu.memory_space<hbm>> -> memref<80xi32, #tpu.memory_space<hbm>>
    %dma_start3A_50 = arith.constant 0 : i32
    %dma_start3A_51 = tpu.memref_slice %arg7[%dma_start3A_45, %dma_start3A_50] : memref<3x80xi32, #tpu.memory_space<vmem>> -> memref<1x80xi32, #tpu.memory_space<vmem>>
    %dma_start3A_52 = tpu.memref_squeeze %dma_start3A_51 : memref<1x80xi32, #tpu.memory_space<vmem>> -> memref<80xi32, #tpu.memory_space<vmem>>
    %dma_start3A_53 = tpu.memref_slice %arg4[%multiple_of3A_44] : memref<320000xi32, #tpu.memory_space<hbm>> -> memref<80xi32, #tpu.memory_space<hbm>>
    tpu.enqueue_dma source(%dma_start3A_53 : memref<80xi32, #tpu.memory_space<hbm>>) target(%dma_start3A_52 : memref<80xi32, #tpu.memory_space<vmem>>) target_semaphore(%arg16 : memref<!tpu.dma_semaphore, #tpu.memory_space<semaphore_mem>>)
    %multiple_of3A_54 = arith.constant 80 : i32
    %multiple_of3A_55 = tpu.assume_multiple %multiple_of3A_54, 8 : i32
    %dma_start3A_56 = arith.constant 1 : i32
    %dma_start3A_57 = arith.constant 0 : i32
    %dma_start3A_58 = arith.constant 0 : i32
    %dma_start3A_59 = tpu.memref_slice %arg8[%dma_start3A_56, %dma_start3A_57, %dma_start3A_58] : memref<3x80x128xf32, #tpu.memory_space<vmem>> -> memref<1x80x128xf32, #tpu.memory_space<vmem>>
    %dma_start3A_60 = tpu.memref_squeeze %dma_start3A_59 : memref<1x80x128xf32, #tpu.memory_space<vmem>> -> memref<80x128xf32, #tpu.memory_space<vmem>>
    %dma_start3A_61 = tpu.memref_slice %arg6[%multiple_of3A_55] : memref<10000xi32, #tpu.memory_space<vmem>> -> memref<80xi32, #tpu.memory_space<vmem>>
    %dma_start3A_62 = arith.constant 0 : i32
    %dma_start3A_63 = arith.constant 0 : i32
    %dma_start3A_64 = tpu.memref_slice %arg2[%dma_start3A_62, %dma_start3A_63] : memref<10000x128xf32, #tpu.memory_space<hbm>> -> memref<10000x128xf32, #tpu.memory_space<hbm>>
    tpu.enqueue_indirect_dma source(%dma_start3A_64 : memref<10000x128xf32, #tpu.memory_space<hbm>>) target(%dma_start3A_60 : memref<80x128xf32, #tpu.memory_space<vmem>>) offsets(%dma_start3A_61 : memref<80xi32, #tpu.memory_space<vmem>>) semaphore(%arg13 : memref<!tpu.dma_semaphore, #tpu.memory_space<semaphore_mem>>)
    %add3A_65 = arith.constant 160 : i32
    %add3A_66 = arith.addi %mul3A_2, %add3A_65 : i32
    %multiple_of3A_67 = tpu.assume_multiple %add3A_66, 8 : i32
    %dma_start3A_68 = arith.constant 2 : i32
    %dma_start3A_69 = arith.constant 0 : i32
    %dma_start3A_70 = tpu.memref_slice %arg7[%dma_start3A_68, %dma_start3A_69] : memref<3x80xi32, #tpu.memory_space<vmem>> -> memref<1x80xi32, #tpu.memory_space<vmem>>
    %dma_start3A_71 = tpu.memref_squeeze %dma_start3A_70 : memref<1x80xi32, #tpu.memory_space<vmem>> -> memref<80xi32, #tpu.memory_space<vmem>>
    %dma_start3A_72 = tpu.memref_slice %arg4[%multiple_of3A_67] : memref<320000xi32, #tpu.memory_space<hbm>> -> memref<80xi32, #tpu.memory_space<hbm>>
    %dma_start3A_73 = arith.constant 0 : i32
    %dma_start3A_74 = tpu.memref_slice %arg7[%dma_start3A_68, %dma_start3A_73] : memref<3x80xi32, #tpu.memory_space<vmem>> -> memref<1x80xi32, #tpu.memory_space<vmem>>
    %dma_start3A_75 = tpu.memref_squeeze %dma_start3A_74 : memref<1x80xi32, #tpu.memory_space<vmem>> -> memref<80xi32, #tpu.memory_space<vmem>>
    %dma_start3A_76 = tpu.memref_slice %arg4[%multiple_of3A_67] : memref<320000xi32, #tpu.memory_space<hbm>> -> memref<80xi32, #tpu.memory_space<hbm>>
    tpu.enqueue_dma source(%dma_start3A_76 : memref<80xi32, #tpu.memory_space<hbm>>) target(%dma_start3A_75 : memref<80xi32, #tpu.memory_space<vmem>>) target_semaphore(%arg17 : memref<!tpu.dma_semaphore, #tpu.memory_space<semaphore_mem>>)
    %multiple_of3A_77 = arith.constant 160 : i32
    %multiple_of3A_78 = tpu.assume_multiple %multiple_of3A_77, 8 : i32
    %dma_start3A_79 = arith.constant 2 : i32
    %dma_start3A_80 = arith.constant 0 : i32
    %dma_start3A_81 = arith.constant 0 : i32
    %dma_start3A_82 = tpu.memref_slice %arg8[%dma_start3A_79, %dma_start3A_80, %dma_start3A_81] : memref<3x80x128xf32, #tpu.memory_space<vmem>> -> memref<1x80x128xf32, #tpu.memory_space<vmem>>
    %dma_start3A_83 = tpu.memref_squeeze %dma_start3A_82 : memref<1x80x128xf32, #tpu.memory_space<vmem>> -> memref<80x128xf32, #tpu.memory_space<vmem>>
    %dma_start3A_84 = tpu.memref_slice %arg6[%multiple_of3A_78] : memref<10000xi32, #tpu.memory_space<vmem>> -> memref<80xi32, #tpu.memory_space<vmem>>
    %dma_start3A_85 = arith.constant 0 : i32
    %dma_start3A_86 = arith.constant 0 : i32
    %dma_start3A_87 = tpu.memref_slice %arg2[%dma_start3A_85, %dma_start3A_86] : memref<10000x128xf32, #tpu.memory_space<hbm>> -> memref<10000x128xf32, #tpu.memory_space<hbm>>
    tpu.enqueue_indirect_dma source(%dma_start3A_87 : memref<10000x128xf32, #tpu.memory_space<hbm>>) target(%dma_start3A_83 : memref<80x128xf32, #tpu.memory_space<vmem>>) offsets(%dma_start3A_84 : memref<80xi32, #tpu.memory_space<vmem>>) semaphore(%arg14 : memref<!tpu.dma_semaphore, #tpu.memory_space<semaphore_mem>>)
    %scan3A_88 = arith.constant 0 : i32
    %scan3A_89 = arith.constant 0 : i32
    %scan3A_90 = arith.constant 41 : i32
    %scan3A_91 = arith.addi %scan3A_89, %scan3A_90 : i32
    %scan3A_92 = arith.constant 1 : i32
    scf.for %scan3A_153 = %scan3A_89 to %scan3A_91 step %scan3A_92  : i32 {
      %mul3A_154 = arith.constant 3 : i32
      %mul3A_155 = arith.muli %scan3A_153, %mul3A_154 : i32
      %add3A_156 = arith.constant 0 : i32
      %add3A_157 = arith.addi %mul3A_155, %add3A_156 : i32
      %mul3A_158 = arith.constant 80 : i32
      %mul3A_159 = arith.muli %add3A_157, %mul3A_158 : i32
      %multiple_of3A_160 = tpu.assume_multiple %mul3A_159, 8 : i32
      %dma_wait3A_161 = arith.constant 0 : i32
      %dma_wait3A_162 = arith.constant 0 : i32
      %dma_wait3A_163 = arith.constant 0 : i32
      %dma_wait3A_164 = tpu.memref_slice %arg8[%dma_wait3A_161, %dma_wait3A_162, %dma_wait3A_163] : memref<3x80x128xf32, #tpu.memory_space<vmem>> -> memref<1x80x128xf32, #tpu.memory_space<vmem>>
      %dma_wait3A_165 = tpu.memref_squeeze %dma_wait3A_164 : memref<1x80x128xf32, #tpu.memory_space<vmem>> -> memref<80x128xf32, #tpu.memory_space<vmem>>
      %dma_wait3A_166 = tpu.memref_slice %arg6[%multiple_of3A_160] : memref<10000xi32, #tpu.memory_space<vmem>> -> memref<80xi32, #tpu.memory_space<vmem>>
      %dma_wait3A_167 = arith.constant 0 : i32
      %dma_wait3A_168 = arith.constant 0 : i32
      %dma_wait3A_169 = tpu.memref_slice %arg2[%dma_wait3A_167, %dma_wait3A_168] : memref<10000x128xf32, #tpu.memory_space<hbm>> -> memref<10000x128xf32, #tpu.memory_space<hbm>>
      tpu.wait_indirect_dma semaphore(%arg12 : memref<!tpu.dma_semaphore, #tpu.memory_space<semaphore_mem>>) src(%dma_wait3A_169 : memref<10000x128xf32, #tpu.memory_space<hbm>>) dst(%dma_wait3A_165 : memref<80x128xf32, #tpu.memory_space<vmem>>)
      %mul3A_170 = arith.constant 80 : i32
      %mul3A_171 = arith.muli %add3A_157, %mul3A_170 : i32
      %add3A_172 = arith.addi %mul3A_2, %mul3A_171 : i32
      %multiple_of3A_173 = tpu.assume_multiple %add3A_172, 8 : i32
      %dma_wait3A_174 = arith.constant 0 : i32
      %dma_wait3A_175 = arith.constant 0 : i32
      %dma_wait3A_176 = tpu.memref_slice %arg7[%dma_wait3A_174, %dma_wait3A_175] : memref<3x80xi32, #tpu.memory_space<vmem>> -> memref<1x80xi32, #tpu.memory_space<vmem>>
      %dma_wait3A_177 = tpu.memref_squeeze %dma_wait3A_176 : memref<1x80xi32, #tpu.memory_space<vmem>> -> memref<80xi32, #tpu.memory_space<vmem>>
      %dma_wait3A_178 = tpu.memref_slice %arg4[%multiple_of3A_173] : memref<320000xi32, #tpu.memory_space<hbm>> -> memref<80xi32, #tpu.memory_space<hbm>>
      %dma_wait3A_179 = arith.constant 0 : i32
      %dma_wait3A_180 = tpu.memref_slice %arg7[%dma_wait3A_174, %dma_wait3A_179] : memref<3x80xi32, #tpu.memory_space<vmem>> -> memref<1x80xi32, #tpu.memory_space<vmem>>
      %dma_wait3A_181 = tpu.memref_squeeze %dma_wait3A_180 : memref<1x80xi32, #tpu.memory_space<vmem>> -> memref<80xi32, #tpu.memory_space<vmem>>
      %dma_wait3A_182 = tpu.memref_slice %arg4[%multiple_of3A_173] : memref<320000xi32, #tpu.memory_space<hbm>> -> memref<80xi32, #tpu.memory_space<hbm>>
      tpu.wait_dma2 semaphore(%arg15 : memref<!tpu.dma_semaphore, #tpu.memory_space<semaphore_mem>>) src(%dma_wait3A_182 : memref<80xi32, #tpu.memory_space<hbm>>) dst(%dma_wait3A_181 : memref<80xi32, #tpu.memory_space<vmem>>)
      %run_scoped3A_183 = arith.constant 0 : i32
      %run_scoped3A_184 = arith.constant 0 : i32
      "tpu.region"() ({
        %run_scoped3A_267 = tpu.sem_alloc : memref<!tpu.dma_semaphore, #tpu.memory_space<semaphore_mem>>
        %dma_start3A_268 = arith.constant 0 : i32
        %dma_start3A_269 = arith.constant 0 : i32
        %dma_start3A_270 = tpu.memref_slice %arg8[%run_scoped3A_183, %dma_start3A_268, %dma_start3A_269] : memref<3x80x128xf32, #tpu.memory_space<vmem>> -> memref<1x80x128xf32, #tpu.memory_space<vmem>>
        %dma_start3A_271 = tpu.memref_squeeze %dma_start3A_270 : memref<1x80x128xf32, #tpu.memory_space<vmem>> -> memref<80x128xf32, #tpu.memory_space<vmem>>
        %dma_start3A_272 = arith.constant 0 : i32
        %dma_start3A_273 = tpu.memref_slice %arg7[%run_scoped3A_184, %dma_start3A_272] : memref<3x80xi32, #tpu.memory_space<vmem>> -> memref<1x80xi32, #tpu.memory_space<vmem>>
        %dma_start3A_274 = tpu.memref_squeeze %dma_start3A_273 : memref<1x80xi32, #tpu.memory_space<vmem>> -> memref<80xi32, #tpu.memory_space<vmem>>
        %dma_start3A_275 = arith.constant 0 : i32
        %dma_start3A_276 = arith.constant 0 : i32
        %dma_start3A_277 = tpu.memref_slice %arg10[%dma_start3A_275, %dma_start3A_276] : memref<10000x128xf32, #tpu.memory_space<vmem_shared>> -> memref<10000x128xf32, #tpu.memory_space<vmem_shared>>
        tpu.enqueue_indirect_dma source(%dma_start3A_271 : memref<80x128xf32, #tpu.memory_space<vmem>>) target(%dma_start3A_277 : memref<10000x128xf32, #tpu.memory_space<vmem_shared>>) offsets(%dma_start3A_274 : memref<80xi32, #tpu.memory_space<vmem>>) semaphore(%run_scoped3A_267 : memref<!tpu.dma_semaphore, #tpu.memory_space<semaphore_mem>>) {add = true}
        %dma_wait3A_278 = arith.constant 0 : i32
        %dma_wait3A_279 = arith.constant 0 : i32
        %dma_wait3A_280 = tpu.memref_slice %arg8[%run_scoped3A_183, %dma_wait3A_278, %dma_wait3A_279] : memref<3x80x128xf32, #tpu.memory_space<vmem>> -> memref<1x80x128xf32, #tpu.memory_space<vmem>>
        %dma_wait3A_281 = tpu.memref_squeeze %dma_wait3A_280 : memref<1x80x128xf32, #tpu.memory_space<vmem>> -> memref<80x128xf32, #tpu.memory_space<vmem>>
        %dma_wait3A_282 = arith.constant 0 : i32
        %dma_wait3A_283 = tpu.memref_slice %arg7[%run_scoped3A_184, %dma_wait3A_282] : memref<3x80xi32, #tpu.memory_space<vmem>> -> memref<1x80xi32, #tpu.memory_space<vmem>>
        %dma_wait3A_284 = tpu.memref_squeeze %dma_wait3A_283 : memref<1x80xi32, #tpu.memory_space<vmem>> -> memref<80xi32, #tpu.memory_space<vmem>>
        %dma_wait3A_285 = arith.constant 0 : i32
        %dma_wait3A_286 = arith.constant 0 : i32
        %dma_wait3A_287 = tpu.memref_slice %arg10[%dma_wait3A_285, %dma_wait3A_286] : memref<10000x128xf32, #tpu.memory_space<vmem_shared>> -> memref<10000x128xf32, #tpu.memory_space<vmem_shared>>
        tpu.wait_indirect_dma semaphore(%run_scoped3A_267 : memref<!tpu.dma_semaphore, #tpu.memory_space<semaphore_mem>>) src(%dma_wait3A_281 : memref<80x128xf32, #tpu.memory_space<vmem>>) dst(%dma_wait3A_287 : memref<10000x128xf32, #tpu.memory_space<vmem_shared>>)
        tpu.yield
      }) : () -> ()
      %add3A_185 = arith.constant 3 : i32
      %add3A_186 = arith.addi %add3A_157, %add3A_185 : i32
      %lt3A = arith.constant 125 : i32
      %lt3A_187 = arith.cmpi slt, %add3A_186, %lt3A : i32
      %convert_element_type3A_188 = arith.extui %lt3A_187 : i1 to i32
      %cond3A_189 = arith.constant 0 : i32
      %cond3A_190 = arith.cmpi ne, %convert_element_type3A_188, %cond3A_189 : i32
      scf.if %cond3A_190 {
        %add3A_267 = arith.constant 3 : i32
        %add3A_268 = arith.addi %add3A_157, %add3A_267 : i32
        %mul3A_269 = arith.constant 80 : i32
        %mul3A_270 = arith.muli %add3A_268, %mul3A_269 : i32
        %add3A_271 = arith.addi %mul3A_2, %mul3A_270 : i32
        %multiple_of3A_272 = tpu.assume_multiple %add3A_271, 8 : i32
        %dma_start3A_273 = arith.constant 0 : i32
        %dma_start3A_274 = arith.constant 0 : i32
        %dma_start3A_275 = tpu.memref_slice %arg7[%dma_start3A_273, %dma_start3A_274] : memref<3x80xi32, #tpu.memory_space<vmem>> -> memref<1x80xi32, #tpu.memory_space<vmem>>
        %dma_start3A_276 = tpu.memref_squeeze %dma_start3A_275 : memref<1x80xi32, #tpu.memory_space<vmem>> -> memref<80xi32, #tpu.memory_space<vmem>>
        %dma_start3A_277 = tpu.memref_slice %arg4[%multiple_of3A_272] : memref<320000xi32, #tpu.memory_space<hbm>> -> memref<80xi32, #tpu.memory_space<hbm>>
        %dma_start3A_278 = arith.constant 0 : i32
        %dma_start3A_279 = tpu.memref_slice %arg7[%dma_start3A_273, %dma_start3A_278] : memref<3x80xi32, #tpu.memory_space<vmem>> -> memref<1x80xi32, #tpu.memory_space<vmem>>
        %dma_start3A_280 = tpu.memref_squeeze %dma_start3A_279 : memref<1x80xi32, #tpu.memory_space<vmem>> -> memref<80xi32, #tpu.memory_space<vmem>>
        %dma_start3A_281 = tpu.memref_slice %arg4[%multiple_of3A_272] : memref<320000xi32, #tpu.memory_space<hbm>> -> memref<80xi32, #tpu.memory_space<hbm>>
        tpu.enqueue_dma source(%dma_start3A_281 : memref<80xi32, #tpu.memory_space<hbm>>) target(%dma_start3A_280 : memref<80xi32, #tpu.memory_space<vmem>>) target_semaphore(%arg15 : memref<!tpu.dma_semaphore, #tpu.memory_space<semaphore_mem>>)
        %add3A_282 = arith.constant 3 : i32
        %add3A_283 = arith.addi %add3A_157, %add3A_282 : i32
        %mul3A_284 = arith.constant 80 : i32
        %mul3A_285 = arith.muli %add3A_283, %mul3A_284 : i32
        %multiple_of3A_286 = tpu.assume_multiple %mul3A_285, 8 : i32
        %dma_start3A_287 = arith.constant 0 : i32
        %dma_start3A_288 = arith.constant 0 : i32
        %dma_start3A_289 = arith.constant 0 : i32
        %dma_start3A_290 = tpu.memref_slice %arg8[%dma_start3A_287, %dma_start3A_288, %dma_start3A_289] : memref<3x80x128xf32, #tpu.memory_space<vmem>> -> memref<1x80x128xf32, #tpu.memory_space<vmem>>
        %dma_start3A_291 = tpu.memref_squeeze %dma_start3A_290 : memref<1x80x128xf32, #tpu.memory_space<vmem>> -> memref<80x128xf32, #tpu.memory_space<vmem>>
        %dma_start3A_292 = tpu.memref_slice %arg6[%multiple_of3A_286] : memref<10000xi32, #tpu.memory_space<vmem>> -> memref<80xi32, #tpu.memory_space<vmem>>
        %dma_start3A_293 = arith.constant 0 : i32
        %dma_start3A_294 = arith.constant 0 : i32
        %dma_start3A_295 = tpu.memref_slice %arg2[%dma_start3A_293, %dma_start3A_294] : memref<10000x128xf32, #tpu.memory_space<hbm>> -> memref<10000x128xf32, #tpu.memory_space<hbm>>
        tpu.enqueue_indirect_dma source(%dma_start3A_295 : memref<10000x128xf32, #tpu.memory_space<hbm>>) target(%dma_start3A_291 : memref<80x128xf32, #tpu.memory_space<vmem>>) offsets(%dma_start3A_292 : memref<80xi32, #tpu.memory_space<vmem>>) semaphore(%arg12 : memref<!tpu.dma_semaphore, #tpu.memory_space<semaphore_mem>>)
      } else {
      }
      %mul3A_191 = arith.constant 3 : i32
      %mul3A_192 = arith.muli %scan3A_153, %mul3A_191 : i32
      %add3A_193 = arith.constant 1 : i32
      %add3A_194 = arith.addi %mul3A_192, %add3A_193 : i32
      %mul3A_195 = arith.constant 80 : i32
      %mul3A_196 = arith.muli %add3A_194, %mul3A_195 : i32
      %multiple_of3A_197 = tpu.assume_multiple %mul3A_196, 8 : i32
      %dma_wait3A_198 = arith.constant 1 : i32
      %dma_wait3A_199 = arith.constant 0 : i32
      %dma_wait3A_200 = arith.constant 0 : i32
      %dma_wait3A_201 = tpu.memref_slice %arg8[%dma_wait3A_198, %dma_wait3A_199, %dma_wait3A_200] : memref<3x80x128xf32, #tpu.memory_space<vmem>> -> memref<1x80x128xf32, #tpu.memory_space<vmem>>
      %dma_wait3A_202 = tpu.memref_squeeze %dma_wait3A_201 : memref<1x80x128xf32, #tpu.memory_space<vmem>> -> memref<80x128xf32, #tpu.memory_space<vmem>>
      %dma_wait3A_203 = tpu.memref_slice %arg6[%multiple_of3A_197] : memref<10000xi32, #tpu.memory_space<vmem>> -> memref<80xi32, #tpu.memory_space<vmem>>
      %dma_wait3A_204 = arith.constant 0 : i32
      %dma_wait3A_205 = arith.constant 0 : i32
      %dma_wait3A_206 = tpu.memref_slice %arg2[%dma_wait3A_204, %dma_wait3A_205] : memref<10000x128xf32, #tpu.memory_space<hbm>> -> memref<10000x128xf32, #tpu.memory_space<hbm>>
      tpu.wait_indirect_dma semaphore(%arg13 : memref<!tpu.dma_semaphore, #tpu.memory_space<semaphore_mem>>) src(%dma_wait3A_206 : memref<10000x128xf32, #tpu.memory_space<hbm>>) dst(%dma_wait3A_202 : memref<80x128xf32, #tpu.memory_space<vmem>>)
      %mul3A_207 = arith.constant 80 : i32
      %mul3A_208 = arith.muli %add3A_194, %mul3A_207 : i32
      %add3A_209 = arith.addi %mul3A_2, %mul3A_208 : i32
      %multiple_of3A_210 = tpu.assume_multiple %add3A_209, 8 : i32
      %dma_wait3A_211 = arith.constant 1 : i32
      %dma_wait3A_212 = arith.constant 0 : i32
      %dma_wait3A_213 = tpu.memref_slice %arg7[%dma_wait3A_211, %dma_wait3A_212] : memref<3x80xi32, #tpu.memory_space<vmem>> -> memref<1x80xi32, #tpu.memory_space<vmem>>
      %dma_wait3A_214 = tpu.memref_squeeze %dma_wait3A_213 : memref<1x80xi32, #tpu.memory_space<vmem>> -> memref<80xi32, #tpu.memory_space<vmem>>
      %dma_wait3A_215 = tpu.memref_slice %arg4[%multiple_of3A_210] : memref<320000xi32, #tpu.memory_space<hbm>> -> memref<80xi32, #tpu.memory_space<hbm>>
      %dma_wait3A_216 = arith.constant 0 : i32
      %dma_wait3A_217 = tpu.memref_slice %arg7[%dma_wait3A_211, %dma_wait3A_216] : memref<3x80xi32, #tpu.memory_space<vmem>> -> memref<1x80xi32, #tpu.memory_space<vmem>>
      %dma_wait3A_218 = tpu.memref_squeeze %dma_wait3A_217 : memref<1x80xi32, #tpu.memory_space<vmem>> -> memref<80xi32, #tpu.memory_space<vmem>>
      %dma_wait3A_219 = tpu.memref_slice %arg4[%multiple_of3A_210] : memref<320000xi32, #tpu.memory_space<hbm>> -> memref<80xi32, #tpu.memory_space<hbm>>
      tpu.wait_dma2 semaphore(%arg16 : memref<!tpu.dma_semaphore, #tpu.memory_space<semaphore_mem>>) src(%dma_wait3A_219 : memref<80xi32, #tpu.memory_space<hbm>>) dst(%dma_wait3A_218 : memref<80xi32, #tpu.memory_space<vmem>>)
      %run_scoped3A_220 = arith.constant 1 : i32
      %run_scoped3A_221 = arith.constant 1 : i32
      "tpu.region"() ({
        %run_scoped3A_267 = tpu.sem_alloc : memref<!tpu.dma_semaphore, #tpu.memory_space<semaphore_mem>>
        %dma_start3A_268 = arith.constant 0 : i32
        %dma_start3A_269 = arith.constant 0 : i32
        %dma_start3A_270 = tpu.memref_slice %arg8[%run_scoped3A_220, %dma_start3A_268, %dma_start3A_269] : memref<3x80x128xf32, #tpu.memory_space<vmem>> -> memref<1x80x128xf32, #tpu.memory_space<vmem>>
        %dma_start3A_271 = tpu.memref_squeeze %dma_start3A_270 : memref<1x80x128xf32, #tpu.memory_space<vmem>> -> memref<80x128xf32, #tpu.memory_space<vmem>>
        %dma_start3A_272 = arith.constant 0 : i32
        %dma_start3A_273 = tpu.memref_slice %arg7[%run_scoped3A_221, %dma_start3A_272] : memref<3x80xi32, #tpu.memory_space<vmem>> -> memref<1x80xi32, #tpu.memory_space<vmem>>
        %dma_start3A_274 = tpu.memref_squeeze %dma_start3A_273 : memref<1x80xi32, #tpu.memory_space<vmem>> -> memref<80xi32, #tpu.memory_space<vmem>>
        %dma_start3A_275 = arith.constant 0 : i32
        %dma_start3A_276 = arith.constant 0 : i32
        %dma_start3A_277 = tpu.memref_slice %arg10[%dma_start3A_275, %dma_start3A_276] : memref<10000x128xf32, #tpu.memory_space<vmem_shared>> -> memref<10000x128xf32, #tpu.memory_space<vmem_shared>>
        tpu.enqueue_indirect_dma source(%dma_start3A_271 : memref<80x128xf32, #tpu.memory_space<vmem>>) target(%dma_start3A_277 : memref<10000x128xf32, #tpu.memory_space<vmem_shared>>) offsets(%dma_start3A_274 : memref<80xi32, #tpu.memory_space<vmem>>) semaphore(%run_scoped3A_267 : memref<!tpu.dma_semaphore, #tpu.memory_space<semaphore_mem>>) {add = true}
        %dma_wait3A_278 = arith.constant 0 : i32
        %dma_wait3A_279 = arith.constant 0 : i32
        %dma_wait3A_280 = tpu.memref_slice %arg8[%run_scoped3A_220, %dma_wait3A_278, %dma_wait3A_279] : memref<3x80x128xf32, #tpu.memory_space<vmem>> -> memref<1x80x128xf32, #tpu.memory_space<vmem>>
        %dma_wait3A_281 = tpu.memref_squeeze %dma_wait3A_280 : memref<1x80x128xf32, #tpu.memory_space<vmem>> -> memref<80x128xf32, #tpu.memory_space<vmem>>
        %dma_wait3A_282 = arith.constant 0 : i32
        %dma_wait3A_283 = tpu.memref_slice %arg7[%run_scoped3A_221, %dma_wait3A_282] : memref<3x80xi32, #tpu.memory_space<vmem>> -> memref<1x80xi32, #tpu.memory_space<vmem>>
        %dma_wait3A_284 = tpu.memref_squeeze %dma_wait3A_283 : memref<1x80xi32, #tpu.memory_space<vmem>> -> memref<80xi32, #tpu.memory_space<vmem>>
        %dma_wait3A_285 = arith.constant 0 : i32
        %dma_wait3A_286 = arith.constant 0 : i32
        %dma_wait3A_287 = tpu.memref_slice %arg10[%dma_wait3A_285, %dma_wait3A_286] : memref<10000x128xf32, #tpu.memory_space<vmem_shared>> -> memref<10000x128xf32, #tpu.memory_space<vmem_shared>>
        tpu.wait_indirect_dma semaphore(%run_scoped3A_267 : memref<!tpu.dma_semaphore, #tpu.memory_space<semaphore_mem>>) src(%dma_wait3A_281 : memref<80x128xf32, #tpu.memory_space<vmem>>) dst(%dma_wait3A_287 : memref<10000x128xf32, #tpu.memory_space<vmem_shared>>)
        tpu.yield
      }) : () -> ()
      %add3A_222 = arith.constant 3 : i32
      %add3A_223 = arith.addi %add3A_194, %add3A_222 : i32
      %lt3A_224 = arith.constant 125 : i32
      %lt3A_225 = arith.cmpi slt, %add3A_223, %lt3A_224 : i32
      %convert_element_type3A_226 = arith.extui %lt3A_225 : i1 to i32
      %cond3A_227 = arith.constant 0 : i32
      %cond3A_228 = arith.cmpi ne, %convert_element_type3A_226, %cond3A_227 : i32
      scf.if %cond3A_228 {
        %add3A_267 = arith.constant 3 : i32
        %add3A_268 = arith.addi %add3A_194, %add3A_267 : i32
        %mul3A_269 = arith.constant 80 : i32
        %mul3A_270 = arith.muli %add3A_268, %mul3A_269 : i32
        %add3A_271 = arith.addi %mul3A_2, %mul3A_270 : i32
        %multiple_of3A_272 = tpu.assume_multiple %add3A_271, 8 : i32
        %dma_start3A_273 = arith.constant 1 : i32
        %dma_start3A_274 = arith.constant 0 : i32
        %dma_start3A_275 = tpu.memref_slice %arg7[%dma_start3A_273, %dma_start3A_274] : memref<3x80xi32, #tpu.memory_space<vmem>> -> memref<1x80xi32, #tpu.memory_space<vmem>>
        %dma_start3A_276 = tpu.memref_squeeze %dma_start3A_275 : memref<1x80xi32, #tpu.memory_space<vmem>> -> memref<80xi32, #tpu.memory_space<vmem>>
        %dma_start3A_277 = tpu.memref_slice %arg4[%multiple_of3A_272] : memref<320000xi32, #tpu.memory_space<hbm>> -> memref<80xi32, #tpu.memory_space<hbm>>
        %dma_start3A_278 = arith.constant 0 : i32
        %dma_start3A_279 = tpu.memref_slice %arg7[%dma_start3A_273, %dma_start3A_278] : memref<3x80xi32, #tpu.memory_space<vmem>> -> memref<1x80xi32, #tpu.memory_space<vmem>>
        %dma_start3A_280 = tpu.memref_squeeze %dma_start3A_279 : memref<1x80xi32, #tpu.memory_space<vmem>> -> memref<80xi32, #tpu.memory_space<vmem>>
        %dma_start3A_281 = tpu.memref_slice %arg4[%multiple_of3A_272] : memref<320000xi32, #tpu.memory_space<hbm>> -> memref<80xi32, #tpu.memory_space<hbm>>
        tpu.enqueue_dma source(%dma_start3A_281 : memref<80xi32, #tpu.memory_space<hbm>>) target(%dma_start3A_280 : memref<80xi32, #tpu.memory_space<vmem>>) target_semaphore(%arg16 : memref<!tpu.dma_semaphore, #tpu.memory_space<semaphore_mem>>)
        %add3A_282 = arith.constant 3 : i32
        %add3A_283 = arith.addi %add3A_194, %add3A_282 : i32
        %mul3A_284 = arith.constant 80 : i32
        %mul3A_285 = arith.muli %add3A_283, %mul3A_284 : i32
        %multiple_of3A_286 = tpu.assume_multiple %mul3A_285, 8 : i32
        %dma_start3A_287 = arith.constant 1 : i32
        %dma_start3A_288 = arith.constant 0 : i32
        %dma_start3A_289 = arith.constant 0 : i32
        %dma_start3A_290 = tpu.memref_slice %arg8[%dma_start3A_287, %dma_start3A_288, %dma_start3A_289] : memref<3x80x128xf32, #tpu.memory_space<vmem>> -> memref<1x80x128xf32, #tpu.memory_space<vmem>>
        %dma_start3A_291 = tpu.memref_squeeze %dma_start3A_290 : memref<1x80x128xf32, #tpu.memory_space<vmem>> -> memref<80x128xf32, #tpu.memory_space<vmem>>
        %dma_start3A_292 = tpu.memref_slice %arg6[%multiple_of3A_286] : memref<10000xi32, #tpu.memory_space<vmem>> -> memref<80xi32, #tpu.memory_space<vmem>>
        %dma_start3A_293 = arith.constant 0 : i32
        %dma_start3A_294 = arith.constant 0 : i32
        %dma_start3A_295 = tpu.memref_slice %arg2[%dma_start3A_293, %dma_start3A_294] : memref<10000x128xf32, #tpu.memory_space<hbm>> -> memref<10000x128xf32, #tpu.memory_space<hbm>>
        tpu.enqueue_indirect_dma source(%dma_start3A_295 : memref<10000x128xf32, #tpu.memory_space<hbm>>) target(%dma_start3A_291 : memref<80x128xf32, #tpu.memory_space<vmem>>) offsets(%dma_start3A_292 : memref<80xi32, #tpu.memory_space<vmem>>) semaphore(%arg13 : memref<!tpu.dma_semaphore, #tpu.memory_space<semaphore_mem>>)
      } else {
      }
      %mul3A_229 = arith.constant 3 : i32
      %mul3A_230 = arith.muli %scan3A_153, %mul3A_229 : i32
      %add3A_231 = arith.constant 2 : i32
      %add3A_232 = arith.addi %mul3A_230, %add3A_231 : i32
      %mul3A_233 = arith.constant 80 : i32
      %mul3A_234 = arith.muli %add3A_232, %mul3A_233 : i32
      %multiple_of3A_235 = tpu.assume_multiple %mul3A_234, 8 : i32
      %dma_wait3A_236 = arith.constant 2 : i32
      %dma_wait3A_237 = arith.constant 0 : i32
      %dma_wait3A_238 = arith.constant 0 : i32
      %dma_wait3A_239 = tpu.memref_slice %arg8[%dma_wait3A_236, %dma_wait3A_237, %dma_wait3A_238] : memref<3x80x128xf32, #tpu.memory_space<vmem>> -> memref<1x80x128xf32, #tpu.memory_space<vmem>>
      %dma_wait3A_240 = tpu.memref_squeeze %dma_wait3A_239 : memref<1x80x128xf32, #tpu.memory_space<vmem>> -> memref<80x128xf32, #tpu.memory_space<vmem>>
      %dma_wait3A_241 = tpu.memref_slice %arg6[%multiple_of3A_235] : memref<10000xi32, #tpu.memory_space<vmem>> -> memref<80xi32, #tpu.memory_space<vmem>>
      %dma_wait3A_242 = arith.constant 0 : i32
      %dma_wait3A_243 = arith.constant 0 : i32
      %dma_wait3A_244 = tpu.memref_slice %arg2[%dma_wait3A_242, %dma_wait3A_243] : memref<10000x128xf32, #tpu.memory_space<hbm>> -> memref<10000x128xf32, #tpu.memory_space<hbm>>
      tpu.wait_indirect_dma semaphore(%arg14 : memref<!tpu.dma_semaphore, #tpu.memory_space<semaphore_mem>>) src(%dma_wait3A_244 : memref<10000x128xf32, #tpu.memory_space<hbm>>) dst(%dma_wait3A_240 : memref<80x128xf32, #tpu.memory_space<vmem>>)
      %mul3A_245 = arith.constant 80 : i32
      %mul3A_246 = arith.muli %add3A_232, %mul3A_245 : i32
      %add3A_247 = arith.addi %mul3A_2, %mul3A_246 : i32
      %multiple_of3A_248 = tpu.assume_multiple %add3A_247, 8 : i32
      %dma_wait3A_249 = arith.constant 2 : i32
      %dma_wait3A_250 = arith.constant 0 : i32
      %dma_wait3A_251 = tpu.memref_slice %arg7[%dma_wait3A_249, %dma_wait3A_250] : memref<3x80xi32, #tpu.memory_space<vmem>> -> memref<1x80xi32, #tpu.memory_space<vmem>>
      %dma_wait3A_252 = tpu.memref_squeeze %dma_wait3A_251 : memref<1x80xi32, #tpu.memory_space<vmem>> -> memref<80xi32, #tpu.memory_space<vmem>>
      %dma_wait3A_253 = tpu.memref_slice %arg4[%multiple_of3A_248] : memref<320000xi32, #tpu.memory_space<hbm>> -> memref<80xi32, #tpu.memory_space<hbm>>
      %dma_wait3A_254 = arith.constant 0 : i32
      %dma_wait3A_255 = tpu.memref_slice %arg7[%dma_wait3A_249, %dma_wait3A_254] : memref<3x80xi32, #tpu.memory_space<vmem>> -> memref<1x80xi32, #tpu.memory_space<vmem>>
      %dma_wait3A_256 = tpu.memref_squeeze %dma_wait3A_255 : memref<1x80xi32, #tpu.memory_space<vmem>> -> memref<80xi32, #tpu.memory_space<vmem>>
      %dma_wait3A_257 = tpu.memref_slice %arg4[%multiple_of3A_248] : memref<320000xi32, #tpu.memory_space<hbm>> -> memref<80xi32, #tpu.memory_space<hbm>>
      tpu.wait_dma2 semaphore(%arg17 : memref<!tpu.dma_semaphore, #tpu.memory_space<semaphore_mem>>) src(%dma_wait3A_257 : memref<80xi32, #tpu.memory_space<hbm>>) dst(%dma_wait3A_256 : memref<80xi32, #tpu.memory_space<vmem>>)
      %run_scoped3A_258 = arith.constant 2 : i32
      %run_scoped3A_259 = arith.constant 2 : i32
      "tpu.region"() ({
        %run_scoped3A_267 = tpu.sem_alloc : memref<!tpu.dma_semaphore, #tpu.memory_space<semaphore_mem>>
        %dma_start3A_268 = arith.constant 0 : i32
        %dma_start3A_269 = arith.constant 0 : i32
        %dma_start3A_270 = tpu.memref_slice %arg8[%run_scoped3A_258, %dma_start3A_268, %dma_start3A_269] : memref<3x80x128xf32, #tpu.memory_space<vmem>> -> memref<1x80x128xf32, #tpu.memory_space<vmem>>
        %dma_start3A_271 = tpu.memref_squeeze %dma_start3A_270 : memref<1x80x128xf32, #tpu.memory_space<vmem>> -> memref<80x128xf32, #tpu.memory_space<vmem>>
        %dma_start3A_272 = arith.constant 0 : i32
        %dma_start3A_273 = tpu.memref_slice %arg7[%run_scoped3A_259, %dma_start3A_272] : memref<3x80xi32, #tpu.memory_space<vmem>> -> memref<1x80xi32, #tpu.memory_space<vmem>>
        %dma_start3A_274 = tpu.memref_squeeze %dma_start3A_273 : memref<1x80xi32, #tpu.memory_space<vmem>> -> memref<80xi32, #tpu.memory_space<vmem>>
        %dma_start3A_275 = arith.constant 0 : i32
        %dma_start3A_276 = arith.constant 0 : i32
        %dma_start3A_277 = tpu.memref_slice %arg10[%dma_start3A_275, %dma_start3A_276] : memref<10000x128xf32, #tpu.memory_space<vmem_shared>> -> memref<10000x128xf32, #tpu.memory_space<vmem_shared>>
        tpu.enqueue_indirect_dma source(%dma_start3A_271 : memref<80x128xf32, #tpu.memory_space<vmem>>) target(%dma_start3A_277 : memref<10000x128xf32, #tpu.memory_space<vmem_shared>>) offsets(%dma_start3A_274 : memref<80xi32, #tpu.memory_space<vmem>>) semaphore(%run_scoped3A_267 : memref<!tpu.dma_semaphore, #tpu.memory_space<semaphore_mem>>) {add = true}
        %dma_wait3A_278 = arith.constant 0 : i32
        %dma_wait3A_279 = arith.constant 0 : i32
        %dma_wait3A_280 = tpu.memref_slice %arg8[%run_scoped3A_258, %dma_wait3A_278, %dma_wait3A_279] : memref<3x80x128xf32, #tpu.memory_space<vmem>> -> memref<1x80x128xf32, #tpu.memory_space<vmem>>
        %dma_wait3A_281 = tpu.memref_squeeze %dma_wait3A_280 : memref<1x80x128xf32, #tpu.memory_space<vmem>> -> memref<80x128xf32, #tpu.memory_space<vmem>>
        %dma_wait3A_282 = arith.constant 0 : i32
        %dma_wait3A_283 = tpu.memref_slice %arg7[%run_scoped3A_259, %dma_wait3A_282] : memref<3x80xi32, #tpu.memory_space<vmem>> -> memref<1x80xi32, #tpu.memory_space<vmem>>
        %dma_wait3A_284 = tpu.memref_squeeze %dma_wait3A_283 : memref<1x80xi32, #tpu.memory_space<vmem>> -> memref<80xi32, #tpu.memory_space<vmem>>
        %dma_wait3A_285 = arith.constant 0 : i32
        %dma_wait3A_286 = arith.constant 0 : i32
        %dma_wait3A_287 = tpu.memref_slice %arg10[%dma_wait3A_285, %dma_wait3A_286] : memref<10000x128xf32, #tpu.memory_space<vmem_shared>> -> memref<10000x128xf32, #tpu.memory_space<vmem_shared>>
        tpu.wait_indirect_dma semaphore(%run_scoped3A_267 : memref<!tpu.dma_semaphore, #tpu.memory_space<semaphore_mem>>) src(%dma_wait3A_281 : memref<80x128xf32, #tpu.memory_space<vmem>>) dst(%dma_wait3A_287 : memref<10000x128xf32, #tpu.memory_space<vmem_shared>>)
        tpu.yield
      }) : () -> ()
      %add3A_260 = arith.constant 3 : i32
      %add3A_261 = arith.addi %add3A_232, %add3A_260 : i32
      %lt3A_262 = arith.constant 125 : i32
      %lt3A_263 = arith.cmpi slt, %add3A_261, %lt3A_262 : i32
      %convert_element_type3A_264 = arith.extui %lt3A_263 : i1 to i32
      %cond3A_265 = arith.constant 0 : i32
      %cond3A_266 = arith.cmpi ne, %convert_element_type3A_264, %cond3A_265 : i32
      scf.if %cond3A_266 {
        %add3A_267 = arith.constant 3 : i32
        %add3A_268 = arith.addi %add3A_232, %add3A_267 : i32
        %mul3A_269 = arith.constant 80 : i32
        %mul3A_270 = arith.muli %add3A_268, %mul3A_269 : i32
        %add3A_271 = arith.addi %mul3A_2, %mul3A_270 : i32
        %multiple_of3A_272 = tpu.assume_multiple %add3A_271, 8 : i32
        %dma_start3A_273 = arith.constant 2 : i32
        %dma_start3A_274 = arith.constant 0 : i32
        %dma_start3A_275 = tpu.memref_slice %arg7[%dma_start3A_273, %dma_start3A_274] : memref<3x80xi32, #tpu.memory_space<vmem>> -> memref<1x80xi32, #tpu.memory_space<vmem>>
        %dma_start3A_276 = tpu.memref_squeeze %dma_start3A_275 : memref<1x80xi32, #tpu.memory_space<vmem>> -> memref<80xi32, #tpu.memory_space<vmem>>
        %dma_start3A_277 = tpu.memref_slice %arg4[%multiple_of3A_272] : memref<320000xi32, #tpu.memory_space<hbm>> -> memref<80xi32, #tpu.memory_space<hbm>>
        %dma_start3A_278 = arith.constant 0 : i32
        %dma_start3A_279 = tpu.memref_slice %arg7[%dma_start3A_273, %dma_start3A_278] : memref<3x80xi32, #tpu.memory_space<vmem>> -> memref<1x80xi32, #tpu.memory_space<vmem>>
        %dma_start3A_280 = tpu.memref_squeeze %dma_start3A_279 : memref<1x80xi32, #tpu.memory_space<vmem>> -> memref<80xi32, #tpu.memory_space<vmem>>
        %dma_start3A_281 = tpu.memref_slice %arg4[%multiple_of3A_272] : memref<320000xi32, #tpu.memory_space<hbm>> -> memref<80xi32, #tpu.memory_space<hbm>>
        tpu.enqueue_dma source(%dma_start3A_281 : memref<80xi32, #tpu.memory_space<hbm>>) target(%dma_start3A_280 : memref<80xi32, #tpu.memory_space<vmem>>) target_semaphore(%arg17 : memref<!tpu.dma_semaphore, #tpu.memory_space<semaphore_mem>>)
        %add3A_282 = arith.constant 3 : i32
        %add3A_283 = arith.addi %add3A_232, %add3A_282 : i32
        %mul3A_284 = arith.constant 80 : i32
        %mul3A_285 = arith.muli %add3A_283, %mul3A_284 : i32
        %multiple_of3A_286 = tpu.assume_multiple %mul3A_285, 8 : i32
        %dma_start3A_287 = arith.constant 2 : i32
        %dma_start3A_288 = arith.constant 0 : i32
        %dma_start3A_289 = arith.constant 0 : i32
        %dma_start3A_290 = tpu.memref_slice %arg8[%dma_start3A_287, %dma_start3A_288, %dma_start3A_289] : memref<3x80x128xf32, #tpu.memory_space<vmem>> -> memref<1x80x128xf32, #tpu.memory_space<vmem>>
        %dma_start3A_291 = tpu.memref_squeeze %dma_start3A_290 : memref<1x80x128xf32, #tpu.memory_space<vmem>> -> memref<80x128xf32, #tpu.memory_space<vmem>>
        %dma_start3A_292 = tpu.memref_slice %arg6[%multiple_of3A_286] : memref<10000xi32, #tpu.memory_space<vmem>> -> memref<80xi32, #tpu.memory_space<vmem>>
        %dma_start3A_293 = arith.constant 0 : i32
        %dma_start3A_294 = arith.constant 0 : i32
        %dma_start3A_295 = tpu.memref_slice %arg2[%dma_start3A_293, %dma_start3A_294] : memref<10000x128xf32, #tpu.memory_space<hbm>> -> memref<10000x128xf32, #tpu.memory_space<hbm>>
        tpu.enqueue_indirect_dma source(%dma_start3A_295 : memref<10000x128xf32, #tpu.memory_space<hbm>>) target(%dma_start3A_291 : memref<80x128xf32, #tpu.memory_space<vmem>>) offsets(%dma_start3A_292 : memref<80xi32, #tpu.memory_space<vmem>>) semaphore(%arg14 : memref<!tpu.dma_semaphore, #tpu.memory_space<semaphore_mem>>)
      } else {
      }
    }
    %scan3A_93 = arith.constant 41 : i32
    %multiple_of3A_94 = arith.constant 9840 : i32
    %multiple_of3A_95 = tpu.assume_multiple %multiple_of3A_94, 8 : i32
    %dma_wait3A_96 = arith.constant 0 : i32
    %dma_wait3A_97 = arith.constant 0 : i32
    %dma_wait3A_98 = arith.constant 0 : i32
    %dma_wait3A_99 = tpu.memref_slice %arg8[%dma_wait3A_96, %dma_wait3A_97, %dma_wait3A_98] : memref<3x80x128xf32, #tpu.memory_space<vmem>> -> memref<1x80x128xf32, #tpu.memory_space<vmem>>
    %dma_wait3A_100 = tpu.memref_squeeze %dma_wait3A_99 : memref<1x80x128xf32, #tpu.memory_space<vmem>> -> memref<80x128xf32, #tpu.memory_space<vmem>>
    %dma_wait3A_101 = tpu.memref_slice %arg6[%multiple_of3A_95] : memref<10000xi32, #tpu.memory_space<vmem>> -> memref<80xi32, #tpu.memory_space<vmem>>
    %dma_wait3A_102 = arith.constant 0 : i32
    %dma_wait3A_103 = arith.constant 0 : i32
    %dma_wait3A_104 = tpu.memref_slice %arg2[%dma_wait3A_102, %dma_wait3A_103] : memref<10000x128xf32, #tpu.memory_space<hbm>> -> memref<10000x128xf32, #tpu.memory_space<hbm>>
    tpu.wait_indirect_dma semaphore(%arg12 : memref<!tpu.dma_semaphore, #tpu.memory_space<semaphore_mem>>) src(%dma_wait3A_104 : memref<10000x128xf32, #tpu.memory_space<hbm>>) dst(%dma_wait3A_100 : memref<80x128xf32, #tpu.memory_space<vmem>>)
    %add3A_105 = arith.constant 9840 : i32
    %add3A_106 = arith.addi %mul3A_2, %add3A_105 : i32
    %multiple_of3A_107 = tpu.assume_multiple %add3A_106, 8 : i32
    %dma_wait3A_108 = arith.constant 0 : i32
    %dma_wait3A_109 = arith.constant 0 : i32
    %dma_wait3A_110 = tpu.memref_slice %arg7[%dma_wait3A_108, %dma_wait3A_109] : memref<3x80xi32, #tpu.memory_space<vmem>> -> memref<1x80xi32, #tpu.memory_space<vmem>>
    %dma_wait3A_111 = tpu.memref_squeeze %dma_wait3A_110 : memref<1x80xi32, #tpu.memory_space<vmem>> -> memref<80xi32, #tpu.memory_space<vmem>>
    %dma_wait3A_112 = tpu.memref_slice %arg4[%multiple_of3A_107] : memref<320000xi32, #tpu.memory_space<hbm>> -> memref<80xi32, #tpu.memory_space<hbm>>
    %dma_wait3A_113 = arith.constant 0 : i32
    %dma_wait3A_114 = tpu.memref_slice %arg7[%dma_wait3A_108, %dma_wait3A_113] : memref<3x80xi32, #tpu.memory_space<vmem>> -> memref<1x80xi32, #tpu.memory_space<vmem>>
    %dma_wait3A_115 = tpu.memref_squeeze %dma_wait3A_114 : memref<1x80xi32, #tpu.memory_space<vmem>> -> memref<80xi32, #tpu.memory_space<vmem>>
    %dma_wait3A_116 = tpu.memref_slice %arg4[%multiple_of3A_107] : memref<320000xi32, #tpu.memory_space<hbm>> -> memref<80xi32, #tpu.memory_space<hbm>>
    tpu.wait_dma2 semaphore(%arg15 : memref<!tpu.dma_semaphore, #tpu.memory_space<semaphore_mem>>) src(%dma_wait3A_116 : memref<80xi32, #tpu.memory_space<hbm>>) dst(%dma_wait3A_115 : memref<80xi32, #tpu.memory_space<vmem>>)
    %run_scoped3A = arith.constant 0 : i32
    %run_scoped3A_117 = arith.constant 0 : i32
    "tpu.region"() ({
      %run_scoped3A_153 = tpu.sem_alloc : memref<!tpu.dma_semaphore, #tpu.memory_space<semaphore_mem>>
      %dma_start3A_154 = arith.constant 0 : i32
      %dma_start3A_155 = arith.constant 0 : i32
      %dma_start3A_156 = tpu.memref_slice %arg8[%run_scoped3A, %dma_start3A_154, %dma_start3A_155] : memref<3x80x128xf32, #tpu.memory_space<vmem>> -> memref<1x80x128xf32, #tpu.memory_space<vmem>>
      %dma_start3A_157 = tpu.memref_squeeze %dma_start3A_156 : memref<1x80x128xf32, #tpu.memory_space<vmem>> -> memref<80x128xf32, #tpu.memory_space<vmem>>
      %dma_start3A_158 = arith.constant 0 : i32
      %dma_start3A_159 = tpu.memref_slice %arg7[%run_scoped3A_117, %dma_start3A_158] : memref<3x80xi32, #tpu.memory_space<vmem>> -> memref<1x80xi32, #tpu.memory_space<vmem>>
      %dma_start3A_160 = tpu.memref_squeeze %dma_start3A_159 : memref<1x80xi32, #tpu.memory_space<vmem>> -> memref<80xi32, #tpu.memory_space<vmem>>
      %dma_start3A_161 = arith.constant 0 : i32
      %dma_start3A_162 = arith.constant 0 : i32
      %dma_start3A_163 = tpu.memref_slice %arg10[%dma_start3A_161, %dma_start3A_162] : memref<10000x128xf32, #tpu.memory_space<vmem_shared>> -> memref<10000x128xf32, #tpu.memory_space<vmem_shared>>
      tpu.enqueue_indirect_dma source(%dma_start3A_157 : memref<80x128xf32, #tpu.memory_space<vmem>>) target(%dma_start3A_163 : memref<10000x128xf32, #tpu.memory_space<vmem_shared>>) offsets(%dma_start3A_160 : memref<80xi32, #tpu.memory_space<vmem>>) semaphore(%run_scoped3A_153 : memref<!tpu.dma_semaphore, #tpu.memory_space<semaphore_mem>>) {add = true}
      %dma_wait3A_164 = arith.constant 0 : i32
      %dma_wait3A_165 = arith.constant 0 : i32
      %dma_wait3A_166 = tpu.memref_slice %arg8[%run_scoped3A, %dma_wait3A_164, %dma_wait3A_165] : memref<3x80x128xf32, #tpu.memory_space<vmem>> -> memref<1x80x128xf32, #tpu.memory_space<vmem>>
      %dma_wait3A_167 = tpu.memref_squeeze %dma_wait3A_166 : memref<1x80x128xf32, #tpu.memory_space<vmem>> -> memref<80x128xf32, #tpu.memory_space<vmem>>
      %dma_wait3A_168 = arith.constant 0 : i32
      %dma_wait3A_169 = tpu.memref_slice %arg7[%run_scoped3A_117, %dma_wait3A_168] : memref<3x80xi32, #tpu.memory_space<vmem>> -> memref<1x80xi32, #tpu.memory_space<vmem>>
      %dma_wait3A_170 = tpu.memref_squeeze %dma_wait3A_169 : memref<1x80xi32, #tpu.memory_space<vmem>> -> memref<80xi32, #tpu.memory_space<vmem>>
      %dma_wait3A_171 = arith.constant 0 : i32
      %dma_wait3A_172 = arith.constant 0 : i32
      %dma_wait3A_173 = tpu.memref_slice %arg10[%dma_wait3A_171, %dma_wait3A_172] : memref<10000x128xf32, #tpu.memory_space<vmem_shared>> -> memref<10000x128xf32, #tpu.memory_space<vmem_shared>>
      tpu.wait_indirect_dma semaphore(%run_scoped3A_153 : memref<!tpu.dma_semaphore, #tpu.memory_space<semaphore_mem>>) src(%dma_wait3A_167 : memref<80x128xf32, #tpu.memory_space<vmem>>) dst(%dma_wait3A_173 : memref<10000x128xf32, #tpu.memory_space<vmem_shared>>)
      tpu.yield
    }) : () -> ()
    %multiple_of3A_118 = arith.constant 9920 : i32
    %multiple_of3A_119 = tpu.assume_multiple %multiple_of3A_118, 8 : i32
    %dma_wait3A_120 = arith.constant 1 : i32
    %dma_wait3A_121 = arith.constant 0 : i32
    %dma_wait3A_122 = arith.constant 0 : i32
    %dma_wait3A_123 = tpu.memref_slice %arg8[%dma_wait3A_120, %dma_wait3A_121, %dma_wait3A_122] : memref<3x80x128xf32, #tpu.memory_space<vmem>> -> memref<1x80x128xf32, #tpu.memory_space<vmem>>
    %dma_wait3A_124 = tpu.memref_squeeze %dma_wait3A_123 : memref<1x80x128xf32, #tpu.memory_space<vmem>> -> memref<80x128xf32, #tpu.memory_space<vmem>>
    %dma_wait3A_125 = tpu.memref_slice %arg6[%multiple_of3A_119] : memref<10000xi32, #tpu.memory_space<vmem>> -> memref<80xi32, #tpu.memory_space<vmem>>
    %dma_wait3A_126 = arith.constant 0 : i32
    %dma_wait3A_127 = arith.constant 0 : i32
    %dma_wait3A_128 = tpu.memref_slice %arg2[%dma_wait3A_126, %dma_wait3A_127] : memref<10000x128xf32, #tpu.memory_space<hbm>> -> memref<10000x128xf32, #tpu.memory_space<hbm>>
    tpu.wait_indirect_dma semaphore(%arg13 : memref<!tpu.dma_semaphore, #tpu.memory_space<semaphore_mem>>) src(%dma_wait3A_128 : memref<10000x128xf32, #tpu.memory_space<hbm>>) dst(%dma_wait3A_124 : memref<80x128xf32, #tpu.memory_space<vmem>>)
    %add3A_129 = arith.constant 9920 : i32
    %add3A_130 = arith.addi %mul3A_2, %add3A_129 : i32
    %multiple_of3A_131 = tpu.assume_multiple %add3A_130, 8 : i32
    %dma_wait3A_132 = arith.constant 1 : i32
    %dma_wait3A_133 = arith.constant 0 : i32
    %dma_wait3A_134 = tpu.memref_slice %arg7[%dma_wait3A_132, %dma_wait3A_133] : memref<3x80xi32, #tpu.memory_space<vmem>> -> memref<1x80xi32, #tpu.memory_space<vmem>>
    %dma_wait3A_135 = tpu.memref_squeeze %dma_wait3A_134 : memref<1x80xi32, #tpu.memory_space<vmem>> -> memref<80xi32, #tpu.memory_space<vmem>>
    %dma_wait3A_136 = tpu.memref_slice %arg4[%multiple_of3A_131] : memref<320000xi32, #tpu.memory_space<hbm>> -> memref<80xi32, #tpu.memory_space<hbm>>
    %dma_wait3A_137 = arith.constant 0 : i32
    %dma_wait3A_138 = tpu.memref_slice %arg7[%dma_wait3A_132, %dma_wait3A_137] : memref<3x80xi32, #tpu.memory_space<vmem>> -> memref<1x80xi32, #tpu.memory_space<vmem>>
    %dma_wait3A_139 = tpu.memref_squeeze %dma_wait3A_138 : memref<1x80xi32, #tpu.memory_space<vmem>> -> memref<80xi32, #tpu.memory_space<vmem>>
    %dma_wait3A_140 = tpu.memref_slice %arg4[%multiple_of3A_131] : memref<320000xi32, #tpu.memory_space<hbm>> -> memref<80xi32, #tpu.memory_space<hbm>>
    tpu.wait_dma2 semaphore(%arg16 : memref<!tpu.dma_semaphore, #tpu.memory_space<semaphore_mem>>) src(%dma_wait3A_140 : memref<80xi32, #tpu.memory_space<hbm>>) dst(%dma_wait3A_139 : memref<80xi32, #tpu.memory_space<vmem>>)
    %run_scoped3A_141 = arith.constant 1 : i32
    %run_scoped3A_142 = arith.constant 1 : i32
    "tpu.region"() ({
      %run_scoped3A_153 = tpu.sem_alloc : memref<!tpu.dma_semaphore, #tpu.memory_space<semaphore_mem>>
      %dma_start3A_154 = arith.constant 0 : i32
      %dma_start3A_155 = arith.constant 0 : i32
      %dma_start3A_156 = tpu.memref_slice %arg8[%run_scoped3A_141, %dma_start3A_154, %dma_start3A_155] : memref<3x80x128xf32, #tpu.memory_space<vmem>> -> memref<1x80x128xf32, #tpu.memory_space<vmem>>
      %dma_start3A_157 = tpu.memref_squeeze %dma_start3A_156 : memref<1x80x128xf32, #tpu.memory_space<vmem>> -> memref<80x128xf32, #tpu.memory_space<vmem>>
      %dma_start3A_158 = arith.constant 0 : i32
      %dma_start3A_159 = tpu.memref_slice %arg7[%run_scoped3A_142, %dma_start3A_158] : memref<3x80xi32, #tpu.memory_space<vmem>> -> memref<1x80xi32, #tpu.memory_space<vmem>>
      %dma_start3A_160 = tpu.memref_squeeze %dma_start3A_159 : memref<1x80xi32, #tpu.memory_space<vmem>> -> memref<80xi32, #tpu.memory_space<vmem>>
      %dma_start3A_161 = arith.constant 0 : i32
      %dma_start3A_162 = arith.constant 0 : i32
      %dma_start3A_163 = tpu.memref_slice %arg10[%dma_start3A_161, %dma_start3A_162] : memref<10000x128xf32, #tpu.memory_space<vmem_shared>> -> memref<10000x128xf32, #tpu.memory_space<vmem_shared>>
      tpu.enqueue_indirect_dma source(%dma_start3A_157 : memref<80x128xf32, #tpu.memory_space<vmem>>) target(%dma_start3A_163 : memref<10000x128xf32, #tpu.memory_space<vmem_shared>>) offsets(%dma_start3A_160 : memref<80xi32, #tpu.memory_space<vmem>>) semaphore(%run_scoped3A_153 : memref<!tpu.dma_semaphore, #tpu.memory_space<semaphore_mem>>) {add = true}
      %dma_wait3A_164 = arith.constant 0 : i32
      %dma_wait3A_165 = arith.constant 0 : i32
      %dma_wait3A_166 = tpu.memref_slice %arg8[%run_scoped3A_141, %dma_wait3A_164, %dma_wait3A_165] : memref<3x80x128xf32, #tpu.memory_space<vmem>> -> memref<1x80x128xf32, #tpu.memory_space<vmem>>
      %dma_wait3A_167 = tpu.memref_squeeze %dma_wait3A_166 : memref<1x80x128xf32, #tpu.memory_space<vmem>> -> memref<80x128xf32, #tpu.memory_space<vmem>>
      %dma_wait3A_168 = arith.constant 0 : i32
      %dma_wait3A_169 = tpu.memref_slice %arg7[%run_scoped3A_142, %dma_wait3A_168] : memref<3x80xi32, #tpu.memory_space<vmem>> -> memref<1x80xi32, #tpu.memory_space<vmem>>
      %dma_wait3A_170 = tpu.memref_squeeze %dma_wait3A_169 : memref<1x80xi32, #tpu.memory_space<vmem>> -> memref<80xi32, #tpu.memory_space<vmem>>
      %dma_wait3A_171 = arith.constant 0 : i32
      %dma_wait3A_172 = arith.constant 0 : i32
      %dma_wait3A_173 = tpu.memref_slice %arg10[%dma_wait3A_171, %dma_wait3A_172] : memref<10000x128xf32, #tpu.memory_space<vmem_shared>> -> memref<10000x128xf32, #tpu.memory_space<vmem_shared>>
      tpu.wait_indirect_dma semaphore(%run_scoped3A_153 : memref<!tpu.dma_semaphore, #tpu.memory_space<semaphore_mem>>) src(%dma_wait3A_167 : memref<80x128xf32, #tpu.memory_space<vmem>>) dst(%dma_wait3A_173 : memref<10000x128xf32, #tpu.memory_space<vmem_shared>>)
      tpu.yield
    }) : () -> ()
    %barrier3A_143 = arith.constant 0 : index
    tpu.barrier barrier_id(%barrier3A_143)
    %mul3A_144 = arith.constant 624 : i32
    %mul3A_145 = arith.muli %arg1, %mul3A_144 : i32
    %mul3A_146 = arith.constant 624 : i32
    %mul3A_147 = arith.muli %arg1, %mul3A_146 : i32
    "tpu.region"() ({
      %run_scoped3A_153 = tpu.sem_alloc : memref<!tpu.dma_semaphore, #tpu.memory_space<semaphore_mem>>
      %dma_start3A_154 = arith.constant 0 : i32
      %dma_start3A_155 = tpu.memref_slice %arg5[%arg0, %mul3A_147, %dma_start3A_154] : memref<2x10000x128xf32, #tpu.memory_space<hbm>> -> memref<1x624x128xf32, #tpu.memory_space<hbm>>
      %dma_start3A_156 = tpu.memref_squeeze %dma_start3A_155 : memref<1x624x128xf32, #tpu.memory_space<hbm>> -> memref<624x128xf32, #tpu.memory_space<hbm>>
      %dma_start3A_157 = arith.constant 0 : i32
      %dma_start3A_158 = tpu.memref_slice %arg10[%mul3A_145, %dma_start3A_157] : memref<10000x128xf32, #tpu.memory_space<vmem_shared>> -> memref<624x128xf32, #tpu.memory_space<vmem_shared>>
      tpu.enqueue_dma source(%dma_start3A_158 : memref<624x128xf32, #tpu.memory_space<vmem_shared>>) target(%dma_start3A_156 : memref<624x128xf32, #tpu.memory_space<hbm>>) target_semaphore(%run_scoped3A_153 : memref<!tpu.dma_semaphore, #tpu.memory_space<semaphore_mem>>)
      %dma_wait3A_159 = arith.constant 0 : i32
      %dma_wait3A_160 = tpu.memref_slice %arg5[%arg0, %mul3A_147, %dma_wait3A_159] : memref<2x10000x128xf32, #tpu.memory_space<hbm>> -> memref<1x624x128xf32, #tpu.memory_space<hbm>>
      %dma_wait3A_161 = tpu.memref_squeeze %dma_wait3A_160 : memref<1x624x128xf32, #tpu.memory_space<hbm>> -> memref<624x128xf32, #tpu.memory_space<hbm>>
      %dma_wait3A_162 = arith.constant 0 : i32
      %dma_wait3A_163 = tpu.memref_slice %arg10[%mul3A_145, %dma_wait3A_162] : memref<10000x128xf32, #tpu.memory_space<vmem_shared>> -> memref<624x128xf32, #tpu.memory_space<vmem_shared>>
      tpu.wait_dma2 semaphore(%run_scoped3A_153 : memref<!tpu.dma_semaphore, #tpu.memory_space<semaphore_mem>>) src(%dma_wait3A_163 : memref<624x128xf32, #tpu.memory_space<vmem_shared>>) dst(%dma_wait3A_161 : memref<624x128xf32, #tpu.memory_space<hbm>>)
      tpu.yield
    }) : () -> ()
    %eq3A_148 = arith.constant 15 : i32
    %eq3A_149 = arith.cmpi eq, %arg1, %eq3A_148 : i32
    %convert_element_type3A_150 = arith.extui %eq3A_149 : i1 to i32
    %cond3A_151 = arith.constant 0 : i32
    %cond3A_152 = arith.cmpi ne, %convert_element_type3A_150, %cond3A_151 : i32
    scf.if %cond3A_152 {
      "tpu.region"() ({
        %run_scoped3A_153 = tpu.sem_alloc : memref<!tpu.dma_semaphore, #tpu.memory_space<semaphore_mem>>
        %dma_start3A_154 = arith.constant 9984 : i32
        %dma_start3A_155 = arith.constant 0 : i32
        %dma_start3A_156 = tpu.memref_slice %arg5[%arg0, %dma_start3A_154, %dma_start3A_155] : memref<2x10000x128xf32, #tpu.memory_space<hbm>> -> memref<1x16x128xf32, #tpu.memory_space<hbm>>
        %dma_start3A_157 = tpu.memref_squeeze %dma_start3A_156 : memref<1x16x128xf32, #tpu.memory_space<hbm>> -> memref<16x128xf32, #tpu.memory_space<hbm>>
        %dma_start3A_158 = arith.constant 9984 : i32
        %dma_start3A_159 = arith.constant 0 : i32
        %dma_start3A_160 = tpu.memref_slice %arg10[%dma_start3A_158, %dma_start3A_159] : memref<10000x128xf32, #tpu.memory_space<vmem_shared>> -> memref<16x128xf32, #tpu.memory_space<vmem_shared>>
        tpu.enqueue_dma source(%dma_start3A_160 : memref<16x128xf32, #tpu.memory_space<vmem_shared>>) target(%dma_start3A_157 : memref<16x128xf32, #tpu.memory_space<hbm>>) target_semaphore(%run_scoped3A_153 : memref<!tpu.dma_semaphore, #tpu.memory_space<semaphore_mem>>)
        %dma_wait3A_161 = arith.constant 9984 : i32
        %dma_wait3A_162 = arith.constant 0 : i32
        %dma_wait3A_163 = tpu.memref_slice %arg5[%arg0, %dma_wait3A_161, %dma_wait3A_162] : memref<2x10000x128xf32, #tpu.memory_space<hbm>> -> memref<1x16x128xf32, #tpu.memory_space<hbm>>
        %dma_wait3A_164 = tpu.memref_squeeze %dma_wait3A_163 : memref<1x16x128xf32, #tpu.memory_space<hbm>> -> memref<16x128xf32, #tpu.memory_space<hbm>>
        %dma_wait3A_165 = arith.constant 9984 : i32
        %dma_wait3A_166 = arith.constant 0 : i32
        %dma_wait3A_167 = tpu.memref_slice %arg10[%dma_wait3A_165, %dma_wait3A_166] : memref<10000x128xf32, #tpu.memory_space<vmem_shared>> -> memref<16x128xf32, #tpu.memory_space<vmem_shared>>
        tpu.wait_dma2 semaphore(%run_scoped3A_153 : memref<!tpu.dma_semaphore, #tpu.memory_space<semaphore_mem>>) src(%dma_wait3A_167 : memref<16x128xf32, #tpu.memory_space<vmem_shared>>) dst(%dma_wait3A_164 : memref<16x128xf32, #tpu.memory_space<hbm>>)
        tpu.yield
      }) : () -> ()
    } else {
    }
    return
  }
}

module attributes {stable_mosaic.version = 14 : i64} {
  func.func @_mlp_body(%arg0: i32, %arg1: memref<1000x128xf32, #tpu.memory_space<vmem>>, %arg2: memref<2x1000x128xf32, #tpu.memory_space<vmem>>, %arg3: memref<128x128xf32, #tpu.memory_space<vmem>>, %arg4: memref<1x128xf32, #tpu.memory_space<vmem>>, %arg5: memref<128x128xf32, #tpu.memory_space<vmem>>, %arg6: memref<1x128xf32, #tpu.memory_space<vmem>>, %arg7: memref<1000x128xf32, #tpu.memory_space<vmem>>) attributes {dimension_semantics = [#tpu.dimension_semantics<arbitrary>], iteration_bounds = array<i64: 10>, scalar_prefetch = 0 : i64, scratch_operands = 0 : i64, tpu.core_type = #tpu.core_type<tc>, window_params = [{transform_indices = @transform_0, window_bounds = array<i64: 1000, 128>}, {transform_indices = @transform_1, window_bounds = array<i64: 2, 1000, 128>}, {pipeline_mode = #tpu.pipeline_mode<synchronous>, transform_indices = @transform_2, window_bounds = array<i64: 128, 128>}, {pipeline_mode = #tpu.pipeline_mode<synchronous>, transform_indices = @transform_3, window_bounds = array<i64: 1, 128>}, {pipeline_mode = #tpu.pipeline_mode<synchronous>, transform_indices = @transform_4, window_bounds = array<i64: 128, 128>}, {pipeline_mode = #tpu.pipeline_mode<synchronous>, transform_indices = @transform_5, window_bounds = array<i64: 1, 128>}, {transform_indices = @transform_6, window_bounds = array<i64: 1000, 128>}]} {
    %get3A = arith.constant 0 : index
    %get3A_0 = arith.constant 0 : index
    %get3A_1 = vector.load %arg1[%get3A, %get3A_0] : memref<1000x128xf32, #tpu.memory_space<vmem>>, vector<1000x128xf32>
    %get3A_2 = arith.constant 0 : index
    %get3A_3 = arith.constant 0 : index
    %get3A_4 = arith.constant 0 : index
    %get3A_5 = vector.load %arg2[%get3A_2, %get3A_3, %get3A_4] : memref<2x1000x128xf32, #tpu.memory_space<vmem>>, vector<1x1000x128xf32>
    %get3A_6 = vector.shape_cast %get3A_5 : vector<1x1000x128xf32> to vector<1000x128xf32>
    %add3A = arith.addf %get3A_1, %get3A_6 : vector<1000x128xf32>
    %get3A_7 = arith.constant 1 : index
    %get3A_8 = arith.constant 0 : index
    %get3A_9 = arith.constant 0 : index
    %get3A_10 = vector.load %arg2[%get3A_7, %get3A_8, %get3A_9] : memref<2x1000x128xf32, #tpu.memory_space<vmem>>, vector<1x1000x128xf32>
    %get3A_11 = vector.shape_cast %get3A_10 : vector<1x1000x128xf32> to vector<1000x128xf32>
    %add3A_12 = arith.addf %add3A, %get3A_11 : vector<1000x128xf32>
    %get3A_13 = arith.constant 0 : index
    %get3A_14 = arith.constant 0 : index
    %get3A_15 = vector.load %arg3[%get3A_13, %get3A_14] : memref<128x128xf32, #tpu.memory_space<vmem>>, vector<128x128xf32>
    %dot_general3A = arith.constant dense<0.000000e+00> : vector<1000x128xf32>
    %dot_general3A_16 = tpu.matmul %add3A_12, %get3A_15, %dot_general3A {dimension_numbers = #tpu.dot_dimension_numbers<[1], [0], [0], [1], [0, 0, 1, 1], [], []>, precision = #tpu.contract_precision<fp32>, transpose_lhs_hint = false} : vector<1000x128xf32>, vector<128x128xf32>, vector<1000x128xf32> -> vector<1000x128xf32>
    %get3A_17 = arith.constant 0 : index
    %get3A_18 = arith.constant 0 : index
    %get3A_19 = vector.load %arg4[%get3A_17, %get3A_18] : memref<1x128xf32, #tpu.memory_space<vmem>>, vector<1x128xf32>
    %add3A_20 = vector.broadcast %get3A_19 : vector<1x128xf32> to vector<1000x128xf32>
    %add3A_21 = arith.addf %dot_general3A_16, %add3A_20 : vector<1000x128xf32>
    %max3A = arith.constant 0.000000e+00 : f32
    %max3A_22 = vector.broadcast %max3A : f32 to vector<1000x128xf32>
    %max3A_23 = arith.maximumf %add3A_21, %max3A_22 : vector<1000x128xf32>
    %get3A_24 = arith.constant 0 : index
    %get3A_25 = arith.constant 0 : index
    %get3A_26 = vector.load %arg5[%get3A_24, %get3A_25] : memref<128x128xf32, #tpu.memory_space<vmem>>, vector<128x128xf32>
    %dot_general3A_27 = arith.constant dense<0.000000e+00> : vector<1000x128xf32>
    %dot_general3A_28 = tpu.matmul %max3A_23, %get3A_26, %dot_general3A_27 {dimension_numbers = #tpu.dot_dimension_numbers<[1], [0], [0], [1], [0, 0, 1, 1], [], []>, precision = #tpu.contract_precision<fp32>, transpose_lhs_hint = false} : vector<1000x128xf32>, vector<128x128xf32>, vector<1000x128xf32> -> vector<1000x128xf32>
    %get3A_29 = arith.constant 0 : index
    %get3A_30 = arith.constant 0 : index
    %get3A_31 = vector.load %arg6[%get3A_29, %get3A_30] : memref<1x128xf32, #tpu.memory_space<vmem>>, vector<1x128xf32>
    %add3A_32 = vector.broadcast %get3A_31 : vector<1x128xf32> to vector<1000x128xf32>
    %add3A_33 = arith.addf %dot_general3A_28, %add3A_32 : vector<1000x128xf32>
    %max3A_34 = arith.constant 0.000000e+00 : f32
    %max3A_35 = vector.broadcast %max3A_34 : f32 to vector<1000x128xf32>
    %max3A_36 = arith.maximumf %add3A_33, %max3A_35 : vector<1000x128xf32>
    %swap3A = arith.constant 0 : index
    %swap3A_37 = arith.constant 0 : index
    %swap3A_38 = vector.load %arg7[%swap3A, %swap3A_37] : memref<1000x128xf32, #tpu.memory_space<vmem>>, vector<1000x128xf32>
    tpu.vector_store %arg7[%swap3A, %swap3A_37], %max3A_36 {strides = array<i32>} : memref<1000x128xf32, #tpu.memory_space<vmem>>, vector<1000x128xf32>,
    return
  }
  func.func @transform_0(%arg0: i32) -> (i32, i32) {
    %c0_i32 = arith.constant 0 : i32
    %c0_i32_0 = arith.constant 0 : i32
    return %arg0, %c0_i32 : i32, i32
  }
  func.func @transform_1(%arg0: i32) -> (i32, i32, i32) {
    %c0_i32 = arith.constant 0 : i32
    %c0_i32_0 = arith.constant 0 : i32
    %c0_i32_1 = arith.constant 0 : i32
    return %c0_i32, %arg0, %c0_i32_0 : i32, i32, i32
  }
  func.func @transform_2(%arg0: i32) -> (i32, i32) {
    %c0_i32 = arith.constant 0 : i32
    %c0_i32_0 = arith.constant 0 : i32
    %c0_i32_1 = arith.constant 0 : i32
    return %c0_i32, %c0_i32_0 : i32, i32
  }
  func.func @transform_3(%arg0: i32) -> (i32, i32) {
    %c0_i32 = arith.constant 0 : i32
    %c0_i32_0 = arith.constant 0 : i32
    %c0_i32_1 = arith.constant 0 : i32
    return %c0_i32, %c0_i32_0 : i32, i32
  }
  func.func @transform_4(%arg0: i32) -> (i32, i32) {
    %c0_i32 = arith.constant 0 : i32
    %c0_i32_0 = arith.constant 0 : i32
    %c0_i32_1 = arith.constant 0 : i32
    return %c0_i32, %c0_i32_0 : i32, i32
  }
  func.func @transform_5(%arg0: i32) -> (i32, i32) {
    %c0_i32 = arith.constant 0 : i32
    %c0_i32_0 = arith.constant 0 : i32
    %c0_i32_1 = arith.constant 0 : i32
    return %c0_i32, %c0_i32_0 : i32, i32
  }
  func.func @transform_6(%arg0: i32) -> (i32, i32) {
    %c0_i32 = arith.constant 0 : i32
    %c0_i32_0 = arith.constant 0 : i32
    return %arg0, %c0_i32 : i32, i32
  }
}

module attributes {stable_mosaic.version = 14 : i64} {
  func.func @_final_body(%arg0: i32, %arg1: memref<1000x128xf32, #tpu.memory_space<vmem>>, %arg2: memref<2x1000x128xf32, #tpu.memory_space<vmem>>, %arg3: memref<128x128xf32, #tpu.memory_space<vmem>>, %arg4: memref<1x128xf32, #tpu.memory_space<vmem>>, %arg5: memref<128x128xf32, #tpu.memory_space<vmem>>, %arg6: memref<1x128xf32, #tpu.memory_space<vmem>>, %arg7: memref<1x1x1000xi32, #tpu.memory_space<vmem>>, %arg8: memref<128x128xf32, #tpu.memory_space<vmem>>, %arg9: memref<1x128xf32, #tpu.memory_space<vmem>>, %arg10: memref<128x10xf32, #tpu.memory_space<vmem>>, %arg11: memref<1x10xf32, #tpu.memory_space<vmem>>, %arg12: memref<64x10xf32, #tpu.memory_space<vmem>>, %arg13: memref<64x128xf32, #tpu.memory_space<vmem>>) attributes {dimension_semantics = [#tpu.dimension_semantics<arbitrary>], iteration_bounds = array<i64: 10>, scalar_prefetch = 0 : i64, scratch_operands = 1 : i64, tpu.core_type = #tpu.core_type<tc>, window_params = [{transform_indices = @transform_0, window_bounds = array<i64: 1000, 128>}, {transform_indices = @transform_1, window_bounds = array<i64: 2, 1000, 128>}, {pipeline_mode = #tpu.pipeline_mode<synchronous>, transform_indices = @transform_2, window_bounds = array<i64: 128, 128>}, {pipeline_mode = #tpu.pipeline_mode<synchronous>, transform_indices = @transform_3, window_bounds = array<i64: 1, 128>}, {pipeline_mode = #tpu.pipeline_mode<synchronous>, transform_indices = @transform_4, window_bounds = array<i64: 128, 128>}, {pipeline_mode = #tpu.pipeline_mode<synchronous>, transform_indices = @transform_5, window_bounds = array<i64: 1, 128>}, {transform_indices = @transform_6, window_bounds = array<i64: 1, 1, 1000>}, {pipeline_mode = #tpu.pipeline_mode<synchronous>, transform_indices = @transform_7, window_bounds = array<i64: 128, 128>}, {pipeline_mode = #tpu.pipeline_mode<synchronous>, transform_indices = @transform_8, window_bounds = array<i64: 1, 128>}, {pipeline_mode = #tpu.pipeline_mode<synchronous>, transform_indices = @transform_9, window_bounds = array<i64: 128, 10>}, {pipeline_mode = #tpu.pipeline_mode<synchronous>, transform_indices = @transform_10, window_bounds = array<i64: 1, 10>}, {pipeline_mode = #tpu.pipeline_mode<synchronous>, transform_indices = @transform_11, window_bounds = array<i64: 64, 10>}]} {
    %get3A = arith.constant 0 : index
    %get3A_0 = arith.constant 0 : index
    %get3A_1 = vector.load %arg1[%get3A, %get3A_0] : memref<1000x128xf32, #tpu.memory_space<vmem>>, vector<1000x128xf32>
    %get3A_2 = arith.constant 0 : index
    %get3A_3 = arith.constant 0 : index
    %get3A_4 = arith.constant 0 : index
    %get3A_5 = vector.load %arg2[%get3A_2, %get3A_3, %get3A_4] : memref<2x1000x128xf32, #tpu.memory_space<vmem>>, vector<1x1000x128xf32>
    %get3A_6 = vector.shape_cast %get3A_5 : vector<1x1000x128xf32> to vector<1000x128xf32>
    %add3A = arith.addf %get3A_1, %get3A_6 : vector<1000x128xf32>
    %get3A_7 = arith.constant 1 : index
    %get3A_8 = arith.constant 0 : index
    %get3A_9 = arith.constant 0 : index
    %get3A_10 = vector.load %arg2[%get3A_7, %get3A_8, %get3A_9] : memref<2x1000x128xf32, #tpu.memory_space<vmem>>, vector<1x1000x128xf32>
    %get3A_11 = vector.shape_cast %get3A_10 : vector<1x1000x128xf32> to vector<1000x128xf32>
    %add3A_12 = arith.addf %add3A, %get3A_11 : vector<1000x128xf32>
    %get3A_13 = arith.constant 0 : index
    %get3A_14 = arith.constant 0 : index
    %get3A_15 = vector.load %arg3[%get3A_13, %get3A_14] : memref<128x128xf32, #tpu.memory_space<vmem>>, vector<128x128xf32>
    %dot_general3A = arith.constant dense<0.000000e+00> : vector<1000x128xf32>
    %dot_general3A_16 = tpu.matmul %add3A_12, %get3A_15, %dot_general3A {dimension_numbers = #tpu.dot_dimension_numbers<[1], [0], [0], [1], [0, 0, 1, 1], [], []>, precision = #tpu.contract_precision<fp32>, transpose_lhs_hint = false} : vector<1000x128xf32>, vector<128x128xf32>, vector<1000x128xf32> -> vector<1000x128xf32>
    %get3A_17 = arith.constant 0 : index
    %get3A_18 = arith.constant 0 : index
    %get3A_19 = vector.load %arg4[%get3A_17, %get3A_18] : memref<1x128xf32, #tpu.memory_space<vmem>>, vector<1x128xf32>
    %add3A_20 = vector.broadcast %get3A_19 : vector<1x128xf32> to vector<1000x128xf32>
    %add3A_21 = arith.addf %dot_general3A_16, %add3A_20 : vector<1000x128xf32>
    %max3A = arith.constant 0.000000e+00 : f32
    %max3A_22 = vector.broadcast %max3A : f32 to vector<1000x128xf32>
    %max3A_23 = arith.maximumf %add3A_21, %max3A_22 : vector<1000x128xf32>
    %get3A_24 = arith.constant 0 : index
    %get3A_25 = arith.constant 0 : index
    %get3A_26 = vector.load %arg5[%get3A_24, %get3A_25] : memref<128x128xf32, #tpu.memory_space<vmem>>, vector<128x128xf32>
    %dot_general3A_27 = arith.constant dense<0.000000e+00> : vector<1000x128xf32>
    %dot_general3A_28 = tpu.matmul %max3A_23, %get3A_26, %dot_general3A_27 {dimension_numbers = #tpu.dot_dimension_numbers<[1], [0], [0], [1], [0, 0, 1, 1], [], []>, precision = #tpu.contract_precision<fp32>, transpose_lhs_hint = false} : vector<1000x128xf32>, vector<128x128xf32>, vector<1000x128xf32> -> vector<1000x128xf32>
    %get3A_29 = arith.constant 0 : index
    %get3A_30 = arith.constant 0 : index
    %get3A_31 = vector.load %arg6[%get3A_29, %get3A_30] : memref<1x128xf32, #tpu.memory_space<vmem>>, vector<1x128xf32>
    %add3A_32 = vector.broadcast %get3A_31 : vector<1x128xf32> to vector<1000x128xf32>
    %add3A_33 = arith.addf %dot_general3A_28, %add3A_32 : vector<1000x128xf32>
    %max3A_34 = arith.constant 0.000000e+00 : f32
    %max3A_35 = vector.broadcast %max3A_34 : f32 to vector<1000x128xf32>
    %max3A_36 = arith.maximumf %add3A_33, %max3A_35 : vector<1000x128xf32>
    %get3A_37 = arith.constant 0 : index
    %get3A_38 = arith.constant 0 : index
    %get3A_39 = arith.constant 0 : index
    %get3A_40 = vector.load %arg7[%get3A_37, %get3A_38, %get3A_39] : memref<1x1x1000xi32, #tpu.memory_space<vmem>>, vector<1x1x1000xi32>
    %get3A_41 = vector.shape_cast %get3A_40 : vector<1x1x1000xi32> to vector<1000xi32>
    %broadcast_in_dim3A = vector.shape_cast %get3A_41 : vector<1000xi32> to vector<1000x1xi32>
    %iota3A = tpu.iota {dimensions = array<i32: 1>} : vector<1x64xi32>
    %eq3A = vector.broadcast %broadcast_in_dim3A : vector<1000x1xi32> to vector<1000x64xi32>
    %eq3A_42 = vector.broadcast %iota3A : vector<1x64xi32> to vector<1000x64xi32>
    %eq3A_43 = arith.cmpi eq, %eq3A, %eq3A_42 : vector<1000x64xi32>
    %convert_element_type3A = arith.extui %eq3A_43 : vector<1000x64xi1> to vector<1000x64xi32>
    %convert_element_type3A_44 = arith.sitofp %convert_element_type3A : vector<1000x64xi32> to vector<1000x64xf32>
    %dot_general3A_45 = arith.constant dense<0.000000e+00> : vector<64x128xf32>
    %dot_general3A_46 = tpu.matmul %convert_element_type3A_44, %max3A_36, %dot_general3A_45 {dimension_numbers = #tpu.dot_dimension_numbers<[0], [0], [1], [1], [0, 1, 1, 1], [], []>, precision = #tpu.contract_precision<fp32>, transpose_lhs_hint = false} : vector<1000x64xf32>, vector<1000x128xf32>, vector<64x128xf32> -> vector<64x128xf32>
    %eq3A_47 = arith.constant 0 : i32
    %eq3A_48 = arith.cmpi eq, %arg0, %eq3A_47 : i32
    %convert_element_type3A_49 = arith.extui %eq3A_48 : i1 to i32
    %cond3A = arith.constant 0 : i32
    %cond3A_50 = arith.cmpi ne, %convert_element_type3A_49, %cond3A : i32
    scf.if %cond3A_50 {
      %swap3A = arith.constant 0 : index
      %swap3A_60 = arith.constant 0 : index
      %swap3A_61 = vector.load %arg13[%swap3A, %swap3A_60] : memref<64x128xf32, #tpu.memory_space<vmem>>, vector<64x128xf32>
      tpu.vector_store %arg13[%swap3A, %swap3A_60], %dot_general3A_46 {strides = array<i32>} : memref<64x128xf32, #tpu.memory_space<vmem>>, vector<64x128xf32>,
    } else {
    }
    %gt3A = arith.constant 0 : i32
    %gt3A_51 = arith.cmpi sgt, %arg0, %gt3A : i32
    %convert_element_type3A_52 = arith.extui %gt3A_51 : i1 to i32
    %cond3A_53 = arith.constant 0 : i32
    %cond3A_54 = arith.cmpi ne, %convert_element_type3A_52, %cond3A_53 : i32
    scf.if %cond3A_54 {
      %get3A_60 = arith.constant 0 : index
      %get3A_61 = arith.constant 0 : index
      %get3A_62 = vector.load %arg13[%get3A_60, %get3A_61] : memref<64x128xf32, #tpu.memory_space<vmem>>, vector<64x128xf32>
      %add3A_63 = arith.addf %get3A_62, %dot_general3A_46 : vector<64x128xf32>
      %swap3A = arith.constant 0 : index
      %swap3A_64 = arith.constant 0 : index
      %swap3A_65 = vector.load %arg13[%swap3A, %swap3A_64] : memref<64x128xf32, #tpu.memory_space<vmem>>, vector<64x128xf32>
      tpu.vector_store %arg13[%swap3A, %swap3A_64], %add3A_63 {strides = array<i32>} : memref<64x128xf32, #tpu.memory_space<vmem>>, vector<64x128xf32>,
    } else {
    }
    %eq3A_55 = arith.constant 9 : i32
    %eq3A_56 = arith.cmpi eq, %arg0, %eq3A_55 : i32
    %convert_element_type3A_57 = arith.extui %eq3A_56 : i1 to i32
    %cond3A_58 = arith.constant 0 : i32
    %cond3A_59 = arith.cmpi ne, %convert_element_type3A_57, %cond3A_58 : i32
    scf.if %cond3A_59 {
      %get3A_60 = arith.constant 0 : index
      %get3A_61 = arith.constant 0 : index
      %get3A_62 = vector.load %arg13[%get3A_60, %get3A_61] : memref<64x128xf32, #tpu.memory_space<vmem>>, vector<64x128xf32>
      %get3A_63 = arith.constant 0 : index
      %get3A_64 = arith.constant 0 : index
      %get3A_65 = vector.load %arg8[%get3A_63, %get3A_64] : memref<128x128xf32, #tpu.memory_space<vmem>>, vector<128x128xf32>
      %dot_general3A_66 = arith.constant dense<0.000000e+00> : vector<64x128xf32>
      %dot_general3A_67 = tpu.matmul %get3A_62, %get3A_65, %dot_general3A_66 {dimension_numbers = #tpu.dot_dimension_numbers<[1], [0], [0], [1], [0, 0, 1, 1], [], []>, precision = #tpu.contract_precision<fp32>, transpose_lhs_hint = false} : vector<64x128xf32>, vector<128x128xf32>, vector<64x128xf32> -> vector<64x128xf32>
      %get3A_68 = arith.constant 0 : index
      %get3A_69 = arith.constant 0 : index
      %get3A_70 = vector.load %arg9[%get3A_68, %get3A_69] : memref<1x128xf32, #tpu.memory_space<vmem>>, vector<1x128xf32>
      %add3A_71 = vector.broadcast %get3A_70 : vector<1x128xf32> to vector<64x128xf32>
      %add3A_72 = arith.addf %dot_general3A_67, %add3A_71 : vector<64x128xf32>
      %max3A_73 = arith.constant 0.000000e+00 : f32
      %max3A_74 = vector.broadcast %max3A_73 : f32 to vector<64x128xf32>
      %max3A_75 = arith.maximumf %add3A_72, %max3A_74 : vector<64x128xf32>
      %get3A_76 = arith.constant 0 : index
      %get3A_77 = arith.constant 0 : index
      %get3A_78 = vector.load %arg10[%get3A_76, %get3A_77] : memref<128x10xf32, #tpu.memory_space<vmem>>, vector<128x10xf32>
      %dot_general3A_79 = arith.constant dense<0.000000e+00> : vector<64x10xf32>
      %dot_general3A_80 = tpu.matmul %max3A_75, %get3A_78, %dot_general3A_79 {dimension_numbers = #tpu.dot_dimension_numbers<[1], [0], [0], [1], [0, 0, 1, 1], [], []>, precision = #tpu.contract_precision<fp32>, transpose_lhs_hint = false} : vector<64x128xf32>, vector<128x10xf32>, vector<64x10xf32> -> vector<64x10xf32>
      %get3A_81 = arith.constant 0 : index
      %get3A_82 = arith.constant 0 : index
      %get3A_83 = vector.load %arg11[%get3A_81, %get3A_82] : memref<1x10xf32, #tpu.memory_space<vmem>>, vector<1x10xf32>
      %add3A_84 = vector.broadcast %get3A_83 : vector<1x10xf32> to vector<64x10xf32>
      %add3A_85 = arith.addf %dot_general3A_80, %add3A_84 : vector<64x10xf32>
      %swap3A = arith.constant 0 : index
      %swap3A_86 = arith.constant 0 : index
      %swap3A_87 = vector.load %arg12[%swap3A, %swap3A_86] : memref<64x10xf32, #tpu.memory_space<vmem>>, vector<64x10xf32>
      tpu.vector_store %arg12[%swap3A, %swap3A_86], %add3A_85 {strides = array<i32>} : memref<64x10xf32, #tpu.memory_space<vmem>>, vector<64x10xf32>,
    } else {
    }
    return
  }
  func.func @transform_0(%arg0: i32) -> (i32, i32) {
    %c0_i32 = arith.constant 0 : i32
    %c0_i32_0 = arith.constant 0 : i32
    return %arg0, %c0_i32 : i32, i32
  }
  func.func @transform_1(%arg0: i32) -> (i32, i32, i32) {
    %c0_i32 = arith.constant 0 : i32
    %c0_i32_0 = arith.constant 0 : i32
    %c0_i32_1 = arith.constant 0 : i32
    return %c0_i32, %arg0, %c0_i32_0 : i32, i32, i32
  }
  func.func @transform_2(%arg0: i32) -> (i32, i32) {
    %c0_i32 = arith.constant 0 : i32
    %c0_i32_0 = arith.constant 0 : i32
    %c0_i32_1 = arith.constant 0 : i32
    return %c0_i32, %c0_i32_0 : i32, i32
  }
  func.func @transform_3(%arg0: i32) -> (i32, i32) {
    %c0_i32 = arith.constant 0 : i32
    %c0_i32_0 = arith.constant 0 : i32
    %c0_i32_1 = arith.constant 0 : i32
    return %c0_i32, %c0_i32_0 : i32, i32
  }
  func.func @transform_4(%arg0: i32) -> (i32, i32) {
    %c0_i32 = arith.constant 0 : i32
    %c0_i32_0 = arith.constant 0 : i32
    %c0_i32_1 = arith.constant 0 : i32
    return %c0_i32, %c0_i32_0 : i32, i32
  }
  func.func @transform_5(%arg0: i32) -> (i32, i32) {
    %c0_i32 = arith.constant 0 : i32
    %c0_i32_0 = arith.constant 0 : i32
    %c0_i32_1 = arith.constant 0 : i32
    return %c0_i32, %c0_i32_0 : i32, i32
  }
  func.func @transform_6(%arg0: i32) -> (i32, i32, i32) {
    %c0_i32 = arith.constant 0 : i32
    %c0_i32_0 = arith.constant 0 : i32
    %c0_i32_1 = arith.constant 0 : i32
    return %arg0, %c0_i32, %c0_i32_0 : i32, i32, i32
  }
  func.func @transform_7(%arg0: i32) -> (i32, i32) {
    %c0_i32 = arith.constant 0 : i32
    %c0_i32_0 = arith.constant 0 : i32
    %c0_i32_1 = arith.constant 0 : i32
    return %c0_i32, %c0_i32_0 : i32, i32
  }
  func.func @transform_8(%arg0: i32) -> (i32, i32) {
    %c0_i32 = arith.constant 0 : i32
    %c0_i32_0 = arith.constant 0 : i32
    %c0_i32_1 = arith.constant 0 : i32
    return %c0_i32, %c0_i32_0 : i32, i32
  }
  func.func @transform_9(%arg0: i32) -> (i32, i32) {
    %c0_i32 = arith.constant 0 : i32
    %c0_i32_0 = arith.constant 0 : i32
    %c0_i32_1 = arith.constant 0 : i32
    return %c0_i32, %c0_i32_0 : i32, i32
  }
  func.func @transform_10(%arg0: i32) -> (i32, i32) {
    %c0_i32 = arith.constant 0 : i32
    %c0_i32_0 = arith.constant 0 : i32
    %c0_i32_1 = arith.constant 0 : i32
    return %c0_i32, %c0_i32_0 : i32, i32
  }
  func.func @transform_11(%arg0: i32) -> (i32, i32) {
    %c0_i32 = arith.constant 0 : i32
    %c0_i32_0 = arith.constant 0 : i32
    %c0_i32_1 = arith.constant 0 : i32
    return %c0_i32, %c0_i32_0 : i32, i32
  }
}

</mosaic_0001>

<sc_bundles>
// kernel: kernel.11.cloned.1.call-start
scs
__scs_entry_jumppad:
0x0: {  	(pc) =	sbr.rel $0x88, $3  }
0x1: {  	(tag) =	ssettag $0x0;
	lr =	simm.s32 $0x1  }
0x2: {  	[smem:$0x3F8E] =	sst lr;
	_ =	strace $0xD0000000  }
0x3: {  	_ = 	snop  }
0x4: {  	_ = 	snop  }
0x5: {  	_ = 	snop  }
0x6: {  	_ = 	snop  }
0x7: {  	_ = 	snop  }
__scs_overlays_trampoline_lowered:
0x8: {  	[smem:$0x3F9D] =	sst s0  }
0x9: {  	[smem:$0x3F9E] =	sst s1  }
0xa: {  	[smem:$0x3F9F] =	sst s2  }
0xb: {  	[smem:$0x3FA0] =	sst s3  }
0xc: {  	[smem:$0x3FA1] =	sst s4  }
0xd: {  	[smem:$0x3FA2] =	sst s5  }
0xe: {  	[smem:$0x3FA3] =	sst s6  }
0xf: {  	[smem:$0x3FA4] =	sst s7  }
0x10: {  	[smem:$0x3FA5] =	sst s8  }
0x11: {  	[smem:$0x3FA6] =	sst s9;
	s0 =	simm.s32 @!p0 $0x0  }
0x12: {  	s1 =	sld [smem:$0x3F8C];
	s0 =	simm.s32 @p0 $0x1  }
0x13: {  	[smem:$0x3FA7] =	sst s0;
	s0 =	simm.s32 @!p1 $0x0  }
0x14: {  	s2 =	sld [smem:$0x3F8B];
	s0 =	simm.s32 @p1 $0x1  }
0x15: {  	[smem:$0x3FA8] =	sst s0;
	s0 =	simm.s32 @!p2 $0x0  }
0x16: {  	s3 =	sld [smem:$0x3FDB];
	s0 =	simm.s32 @p2 $0x1  }
0x17: {  	s4 =	simm.s32 $0x1BF5;
	[smem:$0x3FAA] =	sst s0  }
0x18: {  	s0 =	sld [smem:$0x3F8D];
	_ =	swait.ge [sflag:s4], $0x0  }
0x19: {  	s7 =	sld [smem:$0x3F8E]  }
0x1a: {  	s8 =	sadd.s32 $0xFFFFE003, lr  }
0x1b: {  	s9 =	sadd.s32 $0xFFFFFEF7, lr;
	s5 =	simm.s32 $0xFFFFFFFF;
	p2 =	slt.u32 s8, $0xFFFFF086  }
0x1c: {  	p1 =	slt.u32 s9, $0xF7A;
	s5 =	simm.s32 @!p2 $0x0  }
0x1d: {  	s5 =	simm.s32 @p1 $0x1;
	p0 =	seq.s32 s7, s2  }
0x1e: {  	s7 =	smul.u32 @!p0 $0xF7A, s2;
	p2 =	seq.s32 @!p0 s5, $0x0  }
0x1f: {  	s9 =	smul.u32 $0xF7A, s1;
	s8 =	simm.s32 @!p0 $0x1BF5;
	p2 =	por !p2, p0  }
0x20: {  	[sflag:s8] =	ssyncset.s32 @!p0 $0xFFFFF086;
	s6 =	sadd.s32 @!p0 s3, s7;
	s7 =	simm.s32 @!p0 $0x108  }
0x21: {  	s3 =	sadd.s32 s3, s9;
	s6 =	sadd.s32 @!p0 $0x88, s6;
	s7 =	simm.s32 @p2 $0x1082  }
0x22: {  	[simem:s7], [sflag:s8] =	dma.local @!p0 [hbm:s6], $0xF7A  }
0x23: {  	s9 =	sor.u32 $0xD0000000, s2;
	s6 =	simm.s32 $0x108;
	_ =	swait.ge @!p0 [sflag:s8], $0x0  }
0x24: {  	s3 =	sadd.s32 $0x88, s3;
	s6 =	simm.s32 @!p1 $0x1082;
	[sflag:s4] =	ssyncset.s32 $0xFFFFF086  }
0x25: {  	[simem:s6], [sflag:s4] =	dma.local [hbm:s3], $0xF7A  }
0x26: {  	[smem:$0x3F8E] =	sst s1;
	(tag) =	ssettag s2;
	_ =	strace s9  }
0x27: {  	s1 =	sld [smem:$0x3F9E]  }
0x28: {  	s2 =	sld [smem:$0x3F9F]  }
0x29: {  	s4 =	sld [smem:$0x3FA1]  }
0x2a: {  	p0 =	seq.s32 s5, $0x0;
	s5 =	sld [smem:$0x3FA2]  }
0x2b: {  	s6 =	sld [smem:$0x3FA3]  }
0x2c: {  	s7 =	sld [smem:$0x3FA4]  }
0x2d: {  	s3 =	simm.s32 $0x108;
	s8 =	sld [smem:$0x3FA5]  }
0x2e: {  	s3 =	simm.s32 @!p0 $0x1082;
	s9 =	sld [smem:$0x3FA6]  }
0x2f: {  	lr =	sadd.s32 s0, s3;
	s0 =	sld [smem:$0x3F9D]  }
0x30: {  	s3 =	sld [smem:$0x3FA0]  }
0x31: {  	[smem:$0x3FA9] =	sst s10  }
0x32: {  	s10 =	sld [smem:$0x3FA7];
	_ =	sdelay $0x3  }
0x33: {  	p0 =	seq.s32 s10, $0x1;
	s10 =	sld [smem:$0x3FA9];
	_ =	sdelay $0x3  }
0x34: {  	[smem:$0x3FA9] =	sst s10  }
0x35: {  	s10 =	sld [smem:$0x3FA8];
	_ =	sdelay $0x3  }
0x36: {  	p1 =	seq.s32 s10, $0x1;
	s10 =	sld [smem:$0x3FA9];
	_ =	sdelay $0x3  }
0x37: {  	[smem:$0x3FA9] =	sst s10  }
0x38: {  	s10 =	sld [smem:$0x3FAA]  }
0x39: {  	_ = 	snop;
	(pc) =	sbr.ind lr, $3  }
0x3a: {  	_ = 	snop  }
0x3b: {  	_ = 	snop  }
0x3c: {  	p2 =	seq.s32 s10, $0x1;
	s10 =	sld [smem:$0x3FA9]  }
0x3d: {  	_ =	shalt  }
0x3e: {  	_ =	shalt  }
0x3f: {  	_ =	shalt  }
0x40: {  	_ =	shalt  }
0x41: {  	_ =	shalt  }
0x42: {  	_ =	shalt  }
0x43: {  	_ =	shalt  }
0x44: {  	_ =	shalt  }
0x45: {  	_ =	shalt  }
0x46: {  	_ =	shalt  }
0x47: {  	_ =	shalt  }
0x48: {  	_ =	shalt  }
0x49: {  	_ =	shalt  }
0x4a: {  	_ =	shalt  }
0x4b: {  	_ =	shalt  }
0x4c: {  	_ =	shalt  }
0x4d: {  	_ =	shalt  }
0x4e: {  	_ =	shalt  }
0x4f: {  	_ =	shalt  }
0x50: {  	_ =	shalt  }
0x51: {  	_ =	shalt  }
0x52: {  	_ =	shalt  }
0x53: {  	_ =	shalt  }
0x54: {  	_ =	shalt  }
0x55: {  	_ =	shalt  }
0x56: {  	_ =	shalt  }
0x57: {  	_ =	shalt  }
0x58: {  	_ =	shalt  }
0x59: {  	_ =	shalt  }
0x5a: {  	_ =	shalt  }
0x5b: {  	_ =	shalt  }
0x5c: {  	_ =	shalt  }
0x5d: {  	_ =	shalt  }
0x5e: {  	_ =	shalt  }
0x5f: {  	_ =	shalt  }
0x60: {  	_ =	shalt  }
0x61: {  	_ =	shalt  }
0x62: {  	_ =	shalt  }
0x63: {  	_ =	shalt  }
0x64: {  	_ =	shalt  }
0x65: {  	_ =	shalt  }
0x66: {  	_ =	shalt  }
0x67: {  	_ =	shalt  }
0x68: {  	_ =	shalt  }
0x69: {  	_ =	shalt  }
0x6a: {  	_ =	shalt  }
0x6b: {  	_ =	shalt  }
0x6c: {  	_ =	shalt  }
0x6d: {  	_ =	shalt  }
0x6e: {  	_ =	shalt  }
0x6f: {  	_ =	shalt  }
0x70: {  	_ =	shalt  }
0x71: {  	_ =	shalt  }
0x72: {  	_ =	shalt  }
0x73: {  	_ =	shalt  }
0x74: {  	_ =	shalt  }
0x75: {  	_ =	shalt  }
0x76: {  	_ =	shalt  }
0x77: {  	_ =	shalt  }
0x78: {  	_ =	shalt  }
0x79: {  	_ =	shalt  }
0x7a: {  	_ =	shalt  }
0x7b: {  	_ =	shalt  }
0x7c: {  	_ =	shalt  }
0x7d: {  	_ =	shalt  }
0x7e: {  	_ =	shalt  }
0x7f: {  	_ =	shalt  }
0x80: {  	_ =	shalt  }
0x81: {  	_ =	shalt  }
0x82: {  	_ =	shalt  }
0x83: {  	_ =	shalt  }
0x84: {  	_ =	shalt  }
0x85: {  	_ =	shalt  }
0x86: {  	_ =	shalt  }
0x87: {  	_ =	shalt  }
.Lfunc_end0:
.L_simem_size_0:
called_computation.1_lowered:
.L_overlay_start_0:
0x88: {  	s2 =	sld [smem:$0x3FD9]  }
0x89: {  	s3 =	sld [smem:$0x3FFE];
	_ =	sdelay $0x1  }
0x8a: {  	s1 =	srdreg.scid  }
0x8b: {  	s0 =	sand.u32 $0x1, s1  }
0x8c: {  	s16 =	sshll.u32 s0, $0xA;
	s2 =	sadd.s32 s3, s2  }
0x8d: {  	s2 =	sadd.s32 s2, s16  }
0x8e: {  	[smem:$0x3FB5] =	sst s2  }
0x8f: {  	_ = 	snop  }
0x90: {  	(tm) =	ssettm $0x1  }
0x91: {  	s17 =	sld [smem:$0x3FFB];
	_ =	sdelay $0x3  }
0x92: {  	_ =	strace s17  }
0x93: {  	s2 =	sld [smem:$0x3FFC];
	_ =	sdelay $0x3  }
0x94: {  	_ =	strace s2  }
0x95: {  	s2 =	sld [smem:$0x3FFD];
	_ =	sdelay $0x3  }
0x96: {  	_ =	strace s2  }
0x97: {  	_ =	strace $0x8FFFFFFF  }
0x98: {  	s18 =	sld [smem:$0x3FDB];
	_ =	sdelay $0x1  }
0x99: {  	s19 =	simm.s32 $_scs_section_size  }
0x9a: {  	s4 =	simm.s32 $_size__tile_overlayer_lowered;
	s5 =	simm.s32 $_tile_overlayer_lowered  }
0x9b: {  	s22 =	simm.s32 $0x1BFF;
	s21 =	sshll.u32 s5, $0x1;
	s2 =	sadd.s32 s19, s18  }
0x9c: {  	s6 =	simm.s32 $0x0;
	s20 =	sshll.u32 s4, $0x1;
	s4 =	sadd.s32 s21, s2  }
0x9d: {  	[timem:s6], [sflag:s22] =	dma.local [hbm:s4], s20  }
0x9e: {  	_ =	swait.ge [sflag:s22], s20  }
0x9f: {  	s3 =	ssub.s32 $0x0, s20;
	[sflag:s22] =	ssyncset.done $0x0  }
0xa0: {  	[sflag:s22] =	ssyncadd.s32 s3;
	_ =	sdelay $0x1  }
0xa1: {  	s23 =	simm.s32 $0x1B8B  }
0xa2: {  	_ =	swait.ge [sflag:s23], $0x1  }
0xa3: {  	[sflag:s23] =	ssyncset.done $0x0  }
0xa4: {  	s25 =	simm.s32 $0x1B8E;
	s24 =	sld [smem:$0x3FFE];
	[sflag:s23] =	ssyncadd.s32 $0xFFFFFFFF  }
0xa5: {  	s26 =	simm.s32 $execute0_lowered;
	[smem:$0x3FD2] =	sst s25  }
0xa6: {  	s4 =	sshll.u32 s26, $0x1;
	_ =	strace $0x80000049;
	[dreg:$0x1] =	wrdreg $0xFFFFFFFF  }
0xa7: {  	s28 =	simm.s32 $_size_execute0_lowered;
	s2 =	sadd.s32 s2, s4;
	[dreg:$0x0] =	wrdreg $0x0  }
0xa8: {  	s4 =	sshll.u32 s28, $0x1;
	[dreg:$0x2] =	wrdreg s2  }
0xa9: {  	[dreg:$0x3] =	wrdreg s4  }
0xaa: {  	[dreg:$0x4] =	wrdreg $0xC0  }
0xab: {  	_ =	task [dreg:s6], $0x5FFFF  }
0xac: {  	[dreg:$0x1] =	wrdreg $0xFFFFFFFF  }
0xad: {  	[dreg:$0x0] =	wrdreg $0x60  }
0xae: {  	[dreg:$0x2] =	wrdreg s24  }
0xaf: {  	[dreg:$0x3] =	wrdreg $0xA5800  }
0xb0: {  	[dreg:$0x4] =	wrdreg $0x9  }
0xb1: {  	_ =	task.clear_ibuf [dreg:s6], $0x5FFFF;
	_ =	strace $0x90000049  }
0xb2: {  	s29 =	simm.s32 $0x9;
	_ =	strace $0x8000004B  }
0xb3: {  	_ =	swait.ge [sflag:s29], $0x1  }
0xb4: {  	[sflag:s29] =	ssyncadd.s32 $0xFFFFFFFF  }
0xb5: {  	_ =	strace $0x9000004B  }
0xb6: {  	_ =	sfence  }
0xb7: {  	s30 =	sld [smem:$0x0];
	_ =	sdelay $0x2  }
0xb8: {  	s31 =	sshll.u32 s1, $0xD;
	s1 =	sshrl.u32 s1, $0x2  }
0xb9: {  	s3 =	sand.u32 $0x4000, s31;
	s1 =	sadd.s32 s1, s30  }
0xba: {  	s0 =	sor.u32 s3, s0;
	s1 =	sshll.u32 s1, $0x11  }
0xbb: {  	s0 =	sor.u32 s1, s0  }
0xbc: {  	s0 =	sadd.s32 $0x8F2B, s0  }
0xbd: {  	[sflag:s0] =	ssyncadd.remote.s32 $0x1  }
0xbe: {  	_ =	sfence.sel $0xFFFF  }
0xbf: {  	[dreg:$0x0] =	wrdreg $0xFFFFFFFF;
	(pc) =	sbr.abs _section_cstart, $3  }
0xc0: {  	[dreg:$0x1] =	wrdreg $0xFFFFFFFF  }
0xc1: {  	_ =	task.clear_ibuf [dreg:s6], $0x2FFFF;
	_ =	strace $0x9FFFFFFF  }
0xc2: {  	(tm) =	ssettm $0x7FFFFFFF  }
0xc3: {  	_ =	shalt  }
tec
execute0_lowered:
.L_overlay_start_1:
0x0: {  	(tag) =	ssettag $0x1  }
0x1: {  	s0 =	srdreg.scid;
	s1 =	rddreg [dreg:$0x0]  }
0x2: {  	s12 =	stileid.u32;
	s2 =	rddreg [dreg:$0x1];
	s28 =	simm.s32 $0x5180  }
0x3: {  	s29 =	simm.s32 $0x2880;
	s31 =	simm.s32 $0x7980;
	s10 =	smul.u32 $0x4E000, s12  }
0x4: {  	s30 =	simm.s32 $0x3;
	s0 =	sand.u32 $0x1, s0;
	s19 =	smul.u32 $0x13800, s12  }
0x5: {  	s3 =	sshll.u32 s12, $0x1;
	s5 =	sadd.s32 $0x3C00, s1;
	s21 =	smul.u32 $0x4E20, s12  }
0x6: {  	p0 =	sne.s32 s12, $0xF;
	s4 =	sor.u32 s0, s3;
	s11 =	smul.u32 $0x138800, s0  }
0x7: {  	s3 =	simm.s32 $0x0;
	s8 =	ssub.s32 $0x2, s0;
	s0 =	smul.u32 $0x2710, s0  }
0x8: {  	s12 =	simm.s32 $0x0;
	s4 =	smul.u32 $0x2710, s4;
	[smem:$0x7FF] =	sst s3  }
0x9: {  	s9 =	sshrl.u32 s8, $0x1;
	s18 =	sshrl.u32 s10, $0x2;
	s10 =	simm.s32 $0x4  }
0xa: {  	_ =	strace $0x8000004A;
	s9 =	ssub.s32 s8, s9;
	s8 =	sadd.s32 $0x138000, s2  }
0xb: {  	s20 =	sadd.s32 s19, s11;
	s11 =	sshrl.u32 s11, $0x3;
	s0 =	sadd.s32 s0, s21  }
0xc: {  	s21 =	simm.s32 $0x8;
	s6 =	sshrl.u32 s4, $0x3;
	s4 =	sadd.s32 $0x17800, s1  }
0xd: {  	s22 =	smax.u32 s9, $0x1;
	s24 =	sadd.s32 $0x190, s0;
	s25 =	sadd.s32 $0x140, s0  }
0xe: {  	s7 =	sadd.s32 s6, s1;
	s13 =	sadd.s32 s5, s6;
	[dreg:$0x9] =	wrdreg s22  }
0xf: {  	s19 =	sadd.s32 $0xF0, s0;
	s7 =	sadd.s32 $0xDA00, s7;
	[dreg:$0x4] =	wrdreg s13  }
0x10: {  	s0 =	simm.s32 $0x5;
	s6 =	sadd.s32 $0xA, s13;
	[dreg:$0x3] =	wrdreg s7  }
0x11: {  	s1 =	sadd.s32 $0x3EA00, s1;
	s14 =	sadd.s32 $0x14, s13;
	[dreg:$0x5] =	wrdreg s6  }
0x12: {  	s23 =	sadd.s32 $0x4CE, s13;
	s26 =	sadd.s32 $0x4D8, s13;
	[dreg:$0x6] =	wrdreg s14  }
0x13: {  	s7 =	sadd.s32 s18, s2;
	s6 =	sshrl.u32 s20, $0x3;
	[dreg:$0xa] =	wrdreg s23  }
0x14: {  	[dreg:$0xb] =	wrdreg s26;
	s20 =	simm.s32 $0xA180;
	s23 =	simm.s32 $0x2780  }
0x15: {  	s26 =	simm.s32 $0x2800;
	s6 =	sadd.s32 s1, s6;
	s1 =	sadd.s32 s1, s11  }
0x16: {  	s11 =	simm.s32 $0x7;
	[dreg:$0x7] =	wrdreg s6;
	s1 =	sadd.s32 $0x27000, s1  }
0x17: {  	s6 =	sshrl.u32 s25, $0x3;
	s25 =	simm.s32 $0x2980;
	[dreg:$0x8] =	wrdreg s1  }
0x18: {  	s1 =	sshrl.u32 s24, $0x3;
	s18 =	sadd.s32 s6, s5;
	s24 =	simm.s32 $0x50  }
0x19: {  	v0 =	vimm.f32 $0.0e+00;
	s6 =	simm.s32 $0x6;
	s17 =	sadd.s32 s1, s5;
	s1 =	simm.s32 $0x2  }
.LBB2_1:
0x1a: {  	s9 =	rddreg [dreg:$0x3]  }
0x1b: {  	[tilespmem:s3], [sflag:$0x1] =	stream.linear.gather [hbm4b:s9+s3], $0x2710, $0x38;
	[tilespmem:$0x1DE00] =	vst v63  }
0x1c: {  	s13 =	simm.s32 $0x0;
	s9 =	simm.s32 $0x0  }
.LBB2_2:
0x1d: {  	p1 =	sne.s32 s9, $0xFC0  }
.Ltmp0:
0x1e: {  	_ = 	snop;
	(pc) =	sbr.rel @p1 .LBB2_2-.Ltmp0, $4  }
0x1f: {  	s14 =	sand.u32 $0xE00, s9  }
0x20: {  	s15 =	sand.u32 $0x70, s13;
	s14 =	sshrl.u32 s14, $0x2  }
0x21: {  	s14 =	sor.u32 s15, s14  }
0x22: {  	s13 =	sadd.s32 $0x10, s13;
	s9 =	sadd.s32 $0x40, s9;
	[tilespmem:s14+$0xA180] =	vst v0  }
0x23: {  	s9 =	sadd.s32 $0x0, s7  }
0x24: {  	[spmem:s9] =	stream.linear.scatter [tilespmem:s20], [sflag:$0x8], $0x400, $0x38;
	[tilespmem:$0x1DE00] =	vst v63  }
0x25: {  	s13 =	simm.s32 $0x1000;
	_ =	swait.ge [sflag:s21], $0x400  }
.LBB2_4:
0x26: {  	s9 =	sshra.s32 s13, $0x2;
	[sflag:s21] =	ssyncset.done $0x0;
	p1 =	sne.s32 s13, $0x4D000  }
.Ltmp1:
0x27: {  	s9 =	sadd.s32 s9, s7;
	[sflag:s21] =	ssyncadd.s32 $0xFFFFFC00;
	(pc) =	sbr.rel @p1 .LBB2_4-.Ltmp1, $3  }
0x28: {  	[spmem:s9] =	stream.linear.scatter [tilespmem:s20], [sflag:$0x8], $0x400, $0x38;
	[tilespmem:$0x1DE00] =	vst v63  }
0x29: {  	s13 =	sadd.s32 $0x1000, s13;
	_ =	sdelay $0x1  }
0x2a: {  	_ =	swait.ge [sflag:s21], $0x400  }
0x2b: {  	[sflag:s21] =	ssyncset.done $0x0  }
0x2c: {  	s9 =	simm.s32 @!p0 $0xA180;
	[sflag:s21] =	ssyncadd.s32 $0xFFFFFC00  }
0x2d: {  	[spmem:s8] =	stream.linear.scatter @!p0 [tilespmem:s9], [sflag:$0x8], $0x800, $0x38;
	[tilespmem:$0x1DE00] =	vst v63  }
0x2e: {  	s9 =	simm.s32 @!p0 $0x8  }
0x2f: {  	_ =	swait.ge @!p0 [sflag:s9], $0x800  }
0x30: {  	[sflag:s9] =	ssyncset.done @!p0 $0x0  }
0x31: {  	s14 =	simm.s32 $0x1;
	[sflag:s9] =	ssyncadd.s32 @!p0 $0xFFFFF800  }
0x32: {  	_ =	swait.ge [sflag:s14], $0x2710  }
0x33: {  	[sflag:s14] =	ssyncset.done $0x0  }
0x34: {  	[sflag:s14] =	ssyncadd.s32 $0xFFFFD8F0  }
0x35: {  	[bflag:$0x0] =	sbarrier.arrive $0xFFFF  }
0x36: {  	s15 =	simm.s32 $0x0;
	s13 =	rddreg [dreg:$0x4]  }
0x37: {  	[tilespmem:s23], [sflag:$0x5] =	stream.linear.gather [hbm4b:s13+s15], $0x50, $0x38;
	[tilespmem:$0x1DE00] =	vst v63  }
0x38: {  	_ = 	snop  }
0x39: {  	[tilespmem:s25], [sflag:$0x2] =	stream.indirect.gather [hbm4b:s4+s24], $0x80, s15, s24, $0xb8;
	[tilespmem:$0x1DE00] =	vst v63  }
0x3a: {  	s16 =	rddreg [dreg:$0x5]  }
0x3b: {  	[tilespmem:s26], [sflag:$0x6] =	stream.linear.gather [hbm4b:s16+s15], $0x50, $0x38;
	[tilespmem:$0x1DE00] =	vst v63  }
0x3c: {  	_ = 	snop  }
0x3d: {  	[tilespmem:s28], [sflag:$0x3] =	stream.indirect.gather [hbm4b:s4+s24], $0x80, s24, s24, $0xb8;
	[tilespmem:$0x1DE00] =	vst v63  }
0x3e: {  	s22 =	rddreg [dreg:$0x6]  }
0x3f: {  	[tilespmem:s29], [sflag:$0x7] =	stream.linear.gather [hbm4b:s22+s15], $0x50, $0x38;
	[tilespmem:$0x1DE00] =	vst v63  }
0x40: {  	s14 =	simm.s32 $0xA0  }
0x41: {  	[tilespmem:s31], [sflag:$0x4] =	stream.indirect.gather [hbm4b:s4+s24], $0x80, s14, s24, $0xb8;
	[tilespmem:$0x1DE00] =	vst v63  }
0x42: {  	_ =	swait.ge [sflag:s1], $0x2800  }
0x43: {  	[sflag:s1] =	ssyncset.done $0x0  }
0x44: {  	[sflag:s1] =	ssyncadd.s32 $0xFFFFD800  }
0x45: {  	_ =	swait.ge [sflag:s0], $0x50  }
0x46: {  	[sflag:s0] =	ssyncset.done $0x0  }
0x47: {  	[sflag:s0] =	ssyncadd.s32 $0xFFFFFFB0  }
0x48: {  	[spmem:s2] =	stream.indirect.scatter.add.f32 [tilespmem:s25], [sflag:$0x8], $0x80, s23, s24, $0xb8;
	[tilespmem:$0x1DE00] =	vst v63  }
0x49: {  	_ =	swait.ge [sflag:s21], $0x2800  }
0x4a: {  	s15 =	sshrl.u32 s19, $0x3;
	[sflag:s21] =	ssyncset.done $0x0  }
0x4b: {  	s9 =	sadd.s32 s5, s15;
	[sflag:s21] =	ssyncadd.s32 $0xFFFFD800  }
0x4c: {  	[tilespmem:s23], [sflag:$0x5] =	stream.linear.gather [hbm4b:s9+s3], $0x50, $0x38;
	[tilespmem:$0x1DE00] =	vst v63  }
0x4d: {  	s16 =	simm.s32 $0xF0  }
0x4e: {  	[tilespmem:s25], [sflag:$0x2] =	stream.indirect.gather [hbm4b:s4+s24], $0x80, s16, s24, $0xb8;
	[tilespmem:$0x1DE00] =	vst v63  }
0x4f: {  	_ =	swait.ge [sflag:s30], $0x2800  }
0x50: {  	[sflag:s30] =	ssyncset.done $0x0  }
0x51: {  	[sflag:s30] =	ssyncadd.s32 $0xFFFFD800  }
0x52: {  	_ =	swait.ge [sflag:s6], $0x50  }
0x53: {  	[sflag:s6] =	ssyncset.done $0x0  }
0x54: {  	[sflag:s6] =	ssyncadd.s32 $0xFFFFFFB0  }
0x55: {  	[spmem:s2] =	stream.indirect.scatter.add.f32 [tilespmem:s28], [sflag:$0x8], $0x80, s26, s24, $0xb8;
	[tilespmem:$0x1DE00] =	vst v63  }
0x56: {  	_ =	swait.ge [sflag:s21], $0x2800  }
0x57: {  	[sflag:s21] =	ssyncset.done $0x0  }
0x58: {  	[sflag:s21] =	ssyncadd.s32 $0xFFFFD800  }
0x59: {  	[tilespmem:s26], [sflag:$0x6] =	stream.linear.gather [hbm4b:s18+s3], $0x50, $0x38;
	[tilespmem:$0x1DE00] =	vst v63  }
0x5a: {  	s22 =	simm.s32 $0x140  }
0x5b: {  	[tilespmem:s28], [sflag:$0x3] =	stream.indirect.gather [hbm4b:s4+s24], $0x80, s22, s24, $0xb8;
	[tilespmem:$0x1DE00] =	vst v63  }
0x5c: {  	_ =	swait.ge [sflag:s10], $0x2800  }
0x5d: {  	[sflag:s10] =	ssyncset.done $0x0  }
0x5e: {  	[sflag:s10] =	ssyncadd.s32 $0xFFFFD800  }
0x5f: {  	_ =	swait.ge [sflag:s11], $0x50  }
0x60: {  	[sflag:s11] =	ssyncset.done $0x0  }
0x61: {  	[sflag:s11] =	ssyncadd.s32 $0xFFFFFFB0  }
0x62: {  	[spmem:s2] =	stream.indirect.scatter.add.f32 [tilespmem:s31], [sflag:$0x8], $0x80, s29, s24, $0xb8;
	[tilespmem:$0x1DE00] =	vst v63  }
0x63: {  	s13 =	simm.s32 $0x3C0;
	_ =	swait.ge [sflag:s21], $0x2800  }
0x64: {  	s15 =	sadd.s32 $0x1E, s17;
	s14 =	sadd.s32 $0xF0, s19;
	[sflag:s21] =	ssyncset.done $0x0  }
0x65: {  	s9 =	simm.s32 $0x190;
	s16 =	sadd.s32 $0x1E, s18;
	[sflag:s21] =	ssyncadd.s32 $0xFFFFD800  }
0x66: {  	[tilespmem:s29], [sflag:$0x7] =	stream.linear.gather [hbm4b:s17+s3], $0x50, $0x38;
	[tilespmem:$0x1DE00] =	vst v63  }
.LBB2_6:
0x67: {  	[tilespmem:s31], [sflag:$0x4] =	stream.indirect.gather [hbm4b:s4+s24], $0x80, s9, s24, $0xb8;
	[tilespmem:$0x1DE00] =	vst v63  }
0x68: {  	s9 =	smov.u32 s13  }
0x69: {  	p1 =	sne.s32 s13, $0x9240;
	s13 =	sadd.s32 $0x3C0, s13;
	_ =	swait.ge [sflag:s1], $0x2800  }
0x6a: {  	[sflag:s1] =	ssyncset.done $0x0  }
0x6b: {  	[sflag:s1] =	ssyncadd.s32 $0xFFFFD800  }
0x6c: {  	_ =	swait.ge [sflag:s0], $0x50  }
0x6d: {  	[sflag:s0] =	ssyncset.done $0x0  }
0x6e: {  	[sflag:s0] =	ssyncadd.s32 $0xFFFFFFB0  }
0x6f: {  	[spmem:s2] =	stream.indirect.scatter.add.f32 [tilespmem:s25], [sflag:$0x8], $0x80, s23, s24, $0xb8;
	[tilespmem:$0x1DE00] =	vst v63  }
0x70: {  	_ =	swait.ge [sflag:s21], $0x2800  }
0x71: {  	s22 =	sshrl.u32 s14, $0x3;
	[sflag:s21] =	ssyncset.done $0x0  }
0x72: {  	s22 =	sadd.s32 s5, s22;
	s9 =	sshra.s32 s9, $0x2;
	[sflag:s21] =	ssyncadd.s32 $0xFFFFD800  }
0x73: {  	[tilespmem:s23], [sflag:$0x5] =	stream.linear.gather [hbm4b:s22+s3], $0x50, $0x38;
	[tilespmem:$0x1DE00] =	vst v63  }
0x74: {  	s22 =	sadd.s32 $0xF0, s9  }
0x75: {  	[tilespmem:s25], [sflag:$0x2] =	stream.indirect.gather [hbm4b:s4+s24], $0x80, s22, s24, $0xb8;
	[tilespmem:$0x1DE00] =	vst v63  }
0x76: {  	_ =	swait.ge [sflag:s30], $0x2800  }
0x77: {  	[sflag:s30] =	ssyncset.done $0x0  }
0x78: {  	[sflag:s30] =	ssyncadd.s32 $0xFFFFD800  }
0x79: {  	_ =	swait.ge [sflag:s6], $0x50  }
0x7a: {  	[sflag:s6] =	ssyncset.done $0x0  }
0x7b: {  	[sflag:s6] =	ssyncadd.s32 $0xFFFFFFB0  }
0x7c: {  	[spmem:s2] =	stream.indirect.scatter.add.f32 [tilespmem:s28], [sflag:$0x8], $0x80, s26, s24, $0xb8;
	[tilespmem:$0x1DE00] =	vst v63  }
0x7d: {  	_ =	swait.ge [sflag:s21], $0x2800  }
0x7e: {  	[sflag:s21] =	ssyncset.done $0x0  }
0x7f: {  	[sflag:s21] =	ssyncadd.s32 $0xFFFFD800  }
0x80: {  	[tilespmem:s26], [sflag:$0x6] =	stream.linear.gather [hbm4b:s16+s3], $0x50, $0x38;
	[tilespmem:$0x1DE00] =	vst v63  }
0x81: {  	s22 =	sadd.s32 $0x140, s9  }
0x82: {  	[tilespmem:s28], [sflag:$0x3] =	stream.indirect.gather [hbm4b:s4+s24], $0x80, s22, s24, $0xb8;
	[tilespmem:$0x1DE00] =	vst v63  }
0x83: {  	_ =	swait.ge [sflag:s10], $0x2800  }
0x84: {  	[sflag:s10] =	ssyncset.done $0x0  }
0x85: {  	[sflag:s10] =	ssyncadd.s32 $0xFFFFD800  }
0x86: {  	_ =	swait.ge [sflag:s11], $0x50  }
0x87: {  	[sflag:s11] =	ssyncset.done $0x0  }
0x88: {  	[sflag:s11] =	ssyncadd.s32 $0xFFFFFFB0  }
0x89: {  	[spmem:s2] =	stream.indirect.scatter.add.f32 [tilespmem:s31], [sflag:$0x8], $0x80, s29, s24, $0xb8;
	[tilespmem:$0x1DE00] =	vst v63  }
.Ltmp2:
0x8a: {  	_ =	swait.ge [sflag:s21], $0x2800;
	(pc) =	sbr.rel @p1 .LBB2_6-.Ltmp2, $4  }
0x8b: {  	[sflag:s21] =	ssyncset.done $0x0  }
0x8c: {  	s14 =	sadd.s32 $0xF0, s14;
	[sflag:s21] =	ssyncadd.s32 $0xFFFFD800  }
0x8d: {  	[tilespmem:s29], [sflag:$0x7] =	stream.linear.gather [hbm4b:s15+s3], $0x50, $0x38;
	[tilespmem:$0x1DE00] =	vst v63  }
0x8e: {  	s9 =	sadd.s32 $0x190, s9;
	s16 =	sadd.s32 $0x1E, s16;
	s15 =	sadd.s32 $0x1E, s15  }
0x8f: {  	[tilespmem:s31], [sflag:$0x4] =	stream.indirect.gather [hbm4b:s4+s24], $0x80, s9, s24, $0xb8;
	[tilespmem:$0x1DE00] =	vst v63  }
0x90: {  	_ =	swait.ge [sflag:s1], $0x2800  }
0x91: {  	[sflag:s1] =	ssyncset.done $0x0  }
0x92: {  	[sflag:s1] =	ssyncadd.s32 $0xFFFFD800  }
0x93: {  	_ =	swait.ge [sflag:s0], $0x50  }
0x94: {  	[sflag:s0] =	ssyncset.done $0x0  }
0x95: {  	[sflag:s0] =	ssyncadd.s32 $0xFFFFFFB0  }
0x96: {  	[spmem:s2] =	stream.indirect.scatter.add.f32 [tilespmem:s25], [sflag:$0x8], $0x80, s23, s24, $0xb8;
	[tilespmem:$0x1DE00] =	vst v63  }
0x97: {  	_ =	swait.ge [sflag:s21], $0x2800  }
0x98: {  	[sflag:s21] =	ssyncset.done $0x0  }
0x99: {  	s22 =	rddreg [dreg:$0xa];
	[sflag:s21] =	ssyncadd.s32 $0xFFFFD800  }
0x9a: {  	[tilespmem:s23], [sflag:$0x5] =	stream.linear.gather [hbm4b:s22+s3], $0x50, $0x38;
	[tilespmem:$0x1DE00] =	vst v63  }
0x9b: {  	s13 =	simm.s32 $0x2670  }
0x9c: {  	[tilespmem:s25], [sflag:$0x2] =	stream.indirect.gather [hbm4b:s4+s24], $0x80, s13, s24, $0xb8;
	[tilespmem:$0x1DE00] =	vst v63  }
0x9d: {  	_ =	swait.ge [sflag:s30], $0x2800  }
0x9e: {  	[sflag:s30] =	ssyncset.done $0x0  }
0x9f: {  	[sflag:s30] =	ssyncadd.s32 $0xFFFFD800  }
0xa0: {  	_ =	swait.ge [sflag:s6], $0x50  }
0xa1: {  	[sflag:s6] =	ssyncset.done $0x0  }
0xa2: {  	[sflag:s6] =	ssyncadd.s32 $0xFFFFFFB0  }
0xa3: {  	[spmem:s2] =	stream.indirect.scatter.add.f32 [tilespmem:s28], [sflag:$0x8], $0x80, s26, s24, $0xb8;
	[tilespmem:$0x1DE00] =	vst v63  }
0xa4: {  	_ =	swait.ge [sflag:s21], $0x2800  }
0xa5: {  	[sflag:s21] =	ssyncset.done $0x0  }
0xa6: {  	s14 =	rddreg [dreg:$0xb];
	[sflag:s21] =	ssyncadd.s32 $0xFFFFD800  }
0xa7: {  	[tilespmem:s26], [sflag:$0x6] =	stream.linear.gather [hbm4b:s14+s3], $0x50, $0x38;
	[tilespmem:$0x1DE00] =	vst v63  }
0xa8: {  	s15 =	simm.s32 $0x26C0  }
0xa9: {  	[tilespmem:s28], [sflag:$0x3] =	stream.indirect.gather [hbm4b:s4+s24], $0x80, s15, s24, $0xb8;
	[tilespmem:$0x1DE00] =	vst v63  }
0xaa: {  	_ =	swait.ge [sflag:s10], $0x2800  }
0xab: {  	[sflag:s10] =	ssyncset.done $0x0  }
0xac: {  	[sflag:s10] =	ssyncadd.s32 $0xFFFFD800  }
0xad: {  	_ =	swait.ge [sflag:s11], $0x50  }
0xae: {  	[sflag:s11] =	ssyncset.done $0x0  }
0xaf: {  	[sflag:s11] =	ssyncadd.s32 $0xFFFFFFB0  }
0xb0: {  	[spmem:s2] =	stream.indirect.scatter.add.f32 [tilespmem:s31], [sflag:$0x8], $0x80, s29, s24, $0xb8;
	[tilespmem:$0x1DE00] =	vst v63  }
0xb1: {  	_ =	swait.ge [sflag:s21], $0x2800  }
0xb2: {  	[sflag:s21] =	ssyncset.done $0x0  }
0xb3: {  	[sflag:s21] =	ssyncadd.s32 $0xFFFFD800  }
0xb4: {  	_ =	swait.ge [sflag:s1], $0x2800  }
0xb5: {  	[sflag:s1] =	ssyncset.done $0x0  }
0xb6: {  	[sflag:s1] =	ssyncadd.s32 $0xFFFFD800  }
0xb7: {  	_ =	swait.ge [sflag:s0], $0x50  }
0xb8: {  	[sflag:s0] =	ssyncset.done $0x0  }
0xb9: {  	[sflag:s0] =	ssyncadd.s32 $0xFFFFFFB0  }
0xba: {  	[spmem:s2] =	stream.indirect.scatter.add.f32 [tilespmem:s25], [sflag:$0x8], $0x80, s23, s24, $0xb8;
	[tilespmem:$0x1DE00] =	vst v63  }
0xbb: {  	_ =	swait.ge [sflag:s21], $0x2800  }
0xbc: {  	[sflag:s21] =	ssyncset.done $0x0  }
0xbd: {  	[sflag:s21] =	ssyncadd.s32 $0xFFFFD800  }
0xbe: {  	_ =	swait.ge [sflag:s30], $0x2800  }
0xbf: {  	[sflag:s30] =	ssyncset.done $0x0  }
0xc0: {  	[sflag:s30] =	ssyncadd.s32 $0xFFFFD800  }
0xc1: {  	_ =	swait.ge [sflag:s6], $0x50  }
0xc2: {  	[sflag:s6] =	ssyncset.done $0x0  }
0xc3: {  	[sflag:s6] =	ssyncadd.s32 $0xFFFFFFB0  }
0xc4: {  	[spmem:s2] =	stream.indirect.scatter.add.f32 [tilespmem:s28], [sflag:$0x8], $0x80, s26, s24, $0xb8;
	[tilespmem:$0x1DE00] =	vst v63  }
0xc5: {  	_ =	swait.ge [sflag:s21], $0x2800  }
0xc6: {  	[sflag:s21] =	ssyncset.done $0x0  }
0xc7: {  	s16 =	stileid.u32;
	[sflag:s21] =	ssyncadd.s32 $0xFFFFD800  }
0xc8: {  	s9 =	sshll.u32 s16, $0x6;
	[bflag:$0x0] =	sbarrier.arrive $0xFFFF  }
0xc9: {  	s9 =	sor.u32 $0x1C08, s9;
	s13 =	sshrl.u32 s7, $0x3;
	s14 =	rddreg [dreg:$0x7]  }
0xca: {  	[hbm:s14], [sflag:s9] =	dma.local [spmem:s13], $0x2700  }
0xcb: {  	_ =	swait.ge [sflag:s21], $0x2700  }
0xcc: {  	[sflag:s21] =	ssyncset.done $0x0  }
0xcd: {  	s13 =	sshrl.u32 @!p0 s8, $0x3;
	s14 =	rddreg [dreg:$0x8];
	[sflag:s21] =	ssyncadd.s32 $0xFFFFD900  }
0xce: {  	[hbm:s14], [sflag:s9] =	dma.local @!p0 [spmem:s13], $0x100  }
0xcf: {  	s9 =	simm.s32 @!p0 $0x8  }
0xd0: {  	_ =	swait.ge @!p0 [sflag:s9], $0x100  }
0xd1: {  	s12 =	sadd.s32 $0x1, s12;
	s22 =	rddreg [dreg:$0x9]  }
0xd2: {  	p1 =	sne.s32 s12, s22  }
.Ltmp3:
0xd3: {  	_ = 	snop;
	(pc) =	sbr.rel @p1 .LBB2_1-.Ltmp3, $3  }
0xd4: {  	_ =	sdelay $0x1  }
0xd5: {  	[sflag:s9] =	ssyncset.done @!p0 $0x0  }
0xd6: {  	[sflag:s9] =	ssyncadd.s32 @!p0 $0xFFFFFF00  }
0xd7: {  	_ =	sfence.sel $0x180000  }
0xd8: {  	[bflag:$0x0] =	sbarrier.arrive $0xFFFF  }
0xd9: {  	_ =	strace $0x9000004A  }
0xda: {  	s0 =	stileid.u32;
	[bflag:$0x2] =	sbarrier.arrive $0xFFFF  }
0xdb: {  	p0 =	sne.s32 s0, $0x0;
	s0 =	rddreg [dreg:$0x2]  }
0xdc: {  	s0 =	sadd.s32 @!p0 $0x100000, s0  }
0xdd: {  	[sflag:s0] =	ssyncadd.tile.s32 @!p0 $0x1;
	_ =	shalt  }
.Lfunc_end2:
_tile_overlayer_lowered:
.L_overlay_start_2:
0xde: {  	(tag) =	ssettag $0x2  }
0xdf: {  	s0 =	rddreg [dreg:$0x0];
	s2 =	stileid.u32  }
0xe0: {  	s1 =	rddreg [dreg:$0x1];
	p0 =	sne.s32 s2, $0x0  }
0xe1: {  	s3 =	rddreg [dreg:$0x2];
	[bflag:$0x3] =	sbarrier.arrive $0xFFFF;
	s2 =	simm.s32 @!p0 $0x1C08  }
0xe2: {  	[timem:s3], [sflag:s2] =	dma.local @!p0 [hbm:s0], s1  }
0xe3: {  	s0 =	simm.s32 @!p0 $0x8  }
0xe4: {  	_ =	swait.ge @!p0 [sflag:s0], s1  }
0xe5: {  	s1 =	ssub.s32 @!p0 $0x0, s1;
	[sflag:s0] =	ssyncset.done @!p0 $0x0  }
0xe6: {  	[sflag:s0] =	ssyncadd.s32 @!p0 s1  }
0xe7: {  	[bflag:$0x3] =	sbarrier.arrive $0xFFFF  }
0xe8: {  	_ =	shalt  }

// kernel: kernel.14.cloned.1.call-start
scs
__scs_entry_jumppad:
0x0: {  	(pc) =	sbr.rel $0x88, $3  }
0x1: {  	(tag) =	ssettag $0x0;
	lr =	simm.s32 $0x1  }
0x2: {  	[smem:$0x3F8E] =	sst lr;
	_ =	strace $0xD0000000  }
0x3: {  	_ = 	snop  }
0x4: {  	_ = 	snop  }
0x5: {  	_ = 	snop  }
0x6: {  	_ = 	snop  }
0x7: {  	_ = 	snop  }
__scs_overlays_trampoline_lowered:
0x8: {  	[smem:$0x3F9D] =	sst s0  }
0x9: {  	[smem:$0x3F9E] =	sst s1  }
0xa: {  	[smem:$0x3F9F] =	sst s2  }
0xb: {  	[smem:$0x3FA0] =	sst s3  }
0xc: {  	[smem:$0x3FA1] =	sst s4  }
0xd: {  	[smem:$0x3FA2] =	sst s5  }
0xe: {  	[smem:$0x3FA3] =	sst s6  }
0xf: {  	[smem:$0x3FA4] =	sst s7  }
0x10: {  	[smem:$0x3FA5] =	sst s8  }
0x11: {  	[smem:$0x3FA6] =	sst s9;
	s0 =	simm.s32 @!p0 $0x0  }
0x12: {  	s1 =	sld [smem:$0x3F8C];
	s0 =	simm.s32 @p0 $0x1  }
0x13: {  	[smem:$0x3FA7] =	sst s0;
	s0 =	simm.s32 @!p1 $0x0  }
0x14: {  	s2 =	sld [smem:$0x3F8B];
	s0 =	simm.s32 @p1 $0x1  }
0x15: {  	[smem:$0x3FA8] =	sst s0;
	s0 =	simm.s32 @!p2 $0x0  }
0x16: {  	s3 =	sld [smem:$0x3FDB];
	s0 =	simm.s32 @p2 $0x1  }
0x17: {  	s4 =	simm.s32 $0x1BF5;
	[smem:$0x3FAA] =	sst s0  }
0x18: {  	s0 =	sld [smem:$0x3F8D];
	_ =	swait.ge [sflag:s4], $0x0  }
0x19: {  	s7 =	sld [smem:$0x3F8E]  }
0x1a: {  	s8 =	sadd.s32 $0xFFFFE003, lr  }
0x1b: {  	s9 =	sadd.s32 $0xFFFFFEF7, lr;
	s5 =	simm.s32 $0xFFFFFFFF;
	p2 =	slt.u32 s8, $0xFFFFF086  }
0x1c: {  	p1 =	slt.u32 s9, $0xF7A;
	s5 =	simm.s32 @!p2 $0x0  }
0x1d: {  	s5 =	simm.s32 @p1 $0x1;
	p0 =	seq.s32 s7, s2  }
0x1e: {  	s7 =	smul.u32 @!p0 $0xF7A, s2;
	p2 =	seq.s32 @!p0 s5, $0x0  }
0x1f: {  	s9 =	smul.u32 $0xF7A, s1;
	s8 =	simm.s32 @!p0 $0x1BF5;
	p2 =	por !p2, p0  }
0x20: {  	[sflag:s8] =	ssyncset.s32 @!p0 $0xFFFFF086;
	s6 =	sadd.s32 @!p0 s3, s7;
	s7 =	simm.s32 @!p0 $0x108  }
0x21: {  	s3 =	sadd.s32 s3, s9;
	s6 =	sadd.s32 @!p0 $0x88, s6;
	s7 =	simm.s32 @p2 $0x1082  }
0x22: {  	[simem:s7], [sflag:s8] =	dma.local @!p0 [hbm:s6], $0xF7A  }
0x23: {  	s9 =	sor.u32 $0xD0000000, s2;
	s6 =	simm.s32 $0x108;
	_ =	swait.ge @!p0 [sflag:s8], $0x0  }
0x24: {  	s3 =	sadd.s32 $0x88, s3;
	s6 =	simm.s32 @!p1 $0x1082;
	[sflag:s4] =	ssyncset.s32 $0xFFFFF086  }
0x25: {  	[simem:s6], [sflag:s4] =	dma.local [hbm:s3], $0xF7A  }
0x26: {  	[smem:$0x3F8E] =	sst s1;
	(tag) =	ssettag s2;
	_ =	strace s9  }
0x27: {  	s1 =	sld [smem:$0x3F9E]  }
0x28: {  	s2 =	sld [smem:$0x3F9F]  }
0x29: {  	s4 =	sld [smem:$0x3FA1]  }
0x2a: {  	p0 =	seq.s32 s5, $0x0;
	s5 =	sld [smem:$0x3FA2]  }
0x2b: {  	s6 =	sld [smem:$0x3FA3]  }
0x2c: {  	s7 =	sld [smem:$0x3FA4]  }
0x2d: {  	s3 =	simm.s32 $0x108;
	s8 =	sld [smem:$0x3FA5]  }
0x2e: {  	s3 =	simm.s32 @!p0 $0x1082;
	s9 =	sld [smem:$0x3FA6]  }
0x2f: {  	lr =	sadd.s32 s0, s3;
	s0 =	sld [smem:$0x3F9D]  }
0x30: {  	s3 =	sld [smem:$0x3FA0]  }
0x31: {  	[smem:$0x3FA9] =	sst s10  }
0x32: {  	s10 =	sld [smem:$0x3FA7];
	_ =	sdelay $0x3  }
0x33: {  	p0 =	seq.s32 s10, $0x1;
	s10 =	sld [smem:$0x3FA9];
	_ =	sdelay $0x3  }
0x34: {  	[smem:$0x3FA9] =	sst s10  }
0x35: {  	s10 =	sld [smem:$0x3FA8];
	_ =	sdelay $0x3  }
0x36: {  	p1 =	seq.s32 s10, $0x1;
	s10 =	sld [smem:$0x3FA9];
	_ =	sdelay $0x3  }
0x37: {  	[smem:$0x3FA9] =	sst s10  }
0x38: {  	s10 =	sld [smem:$0x3FAA]  }
0x39: {  	_ = 	snop;
	(pc) =	sbr.ind lr, $3  }
0x3a: {  	_ = 	snop  }
0x3b: {  	_ = 	snop  }
0x3c: {  	p2 =	seq.s32 s10, $0x1;
	s10 =	sld [smem:$0x3FA9]  }
0x3d: {  	_ =	shalt  }
0x3e: {  	_ =	shalt  }
0x3f: {  	_ =	shalt  }
0x40: {  	_ =	shalt  }
0x41: {  	_ =	shalt  }
0x42: {  	_ =	shalt  }
0x43: {  	_ =	shalt  }
0x44: {  	_ =	shalt  }
0x45: {  	_ =	shalt  }
0x46: {  	_ =	shalt  }
0x47: {  	_ =	shalt  }
0x48: {  	_ =	shalt  }
0x49: {  	_ =	shalt  }
0x4a: {  	_ =	shalt  }
0x4b: {  	_ =	shalt  }
0x4c: {  	_ =	shalt  }
0x4d: {  	_ =	shalt  }
0x4e: {  	_ =	shalt  }
0x4f: {  	_ =	shalt  }
0x50: {  	_ =	shalt  }
0x51: {  	_ =	shalt  }
0x52: {  	_ =	shalt  }
0x53: {  	_ =	shalt  }
0x54: {  	_ =	shalt  }
0x55: {  	_ =	shalt  }
0x56: {  	_ =	shalt  }
0x57: {  	_ =	shalt  }
0x58: {  	_ =	shalt  }
0x59: {  	_ =	shalt  }
0x5a: {  	_ =	shalt  }
0x5b: {  	_ =	shalt  }
0x5c: {  	_ =	shalt  }
0x5d: {  	_ =	shalt  }
0x5e: {  	_ =	shalt  }
0x5f: {  	_ =	shalt  }
0x60: {  	_ =	shalt  }
0x61: {  	_ =	shalt  }
0x62: {  	_ =	shalt  }
0x63: {  	_ =	shalt  }
0x64: {  	_ =	shalt  }
0x65: {  	_ =	shalt  }
0x66: {  	_ =	shalt  }
0x67: {  	_ =	shalt  }
0x68: {  	_ =	shalt  }
0x69: {  	_ =	shalt  }
0x6a: {  	_ =	shalt  }
0x6b: {  	_ =	shalt  }
0x6c: {  	_ =	shalt  }
0x6d: {  	_ =	shalt  }
0x6e: {  	_ =	shalt  }
0x6f: {  	_ =	shalt  }
0x70: {  	_ =	shalt  }
0x71: {  	_ =	shalt  }
0x72: {  	_ =	shalt  }
0x73: {  	_ =	shalt  }
0x74: {  	_ =	shalt  }
0x75: {  	_ =	shalt  }
0x76: {  	_ =	shalt  }
0x77: {  	_ =	shalt  }
0x78: {  	_ =	shalt  }
0x79: {  	_ =	shalt  }
0x7a: {  	_ =	shalt  }
0x7b: {  	_ =	shalt  }
0x7c: {  	_ =	shalt  }
0x7d: {  	_ =	shalt  }
0x7e: {  	_ =	shalt  }
0x7f: {  	_ =	shalt  }
0x80: {  	_ =	shalt  }
0x81: {  	_ =	shalt  }
0x82: {  	_ =	shalt  }
0x83: {  	_ =	shalt  }
0x84: {  	_ =	shalt  }
0x85: {  	_ =	shalt  }
0x86: {  	_ =	shalt  }
0x87: {  	_ =	shalt  }
.Lfunc_end0:
.L_simem_size_0:
called_computation.2_lowered:
.L_overlay_start_0:
0x88: {  	s2 =	sld [smem:$0x3FD9]  }
0x89: {  	s3 =	sld [smem:$0x3FFE];
	_ =	sdelay $0x1  }
0x8a: {  	s1 =	srdreg.scid  }
0x8b: {  	s0 =	sand.u32 $0x1, s1  }
0x8c: {  	s16 =	sshll.u32 s0, $0xA;
	s2 =	sadd.s32 s3, s2  }
0x8d: {  	s2 =	sadd.s32 s2, s16  }
0x8e: {  	[smem:$0x3FB5] =	sst s2  }
0x8f: {  	_ = 	snop  }
0x90: {  	(tm) =	ssettm $0x1  }
0x91: {  	s17 =	sld [smem:$0x3FFB];
	_ =	sdelay $0x3  }
0x92: {  	_ =	strace s17  }
0x93: {  	s2 =	sld [smem:$0x3FFC];
	_ =	sdelay $0x3  }
0x94: {  	_ =	strace s2  }
0x95: {  	s2 =	sld [smem:$0x3FFD];
	_ =	sdelay $0x3  }
0x96: {  	_ =	strace s2  }
0x97: {  	_ =	strace $0x8FFFFFFF  }
0x98: {  	s18 =	sld [smem:$0x3FDB];
	_ =	sdelay $0x1  }
0x99: {  	s19 =	simm.s32 $_scs_section_size  }
0x9a: {  	s4 =	simm.s32 $_size__tile_overlayer_lowered;
	s5 =	simm.s32 $_tile_overlayer_lowered  }
0x9b: {  	s22 =	simm.s32 $0x1BFF;
	s21 =	sshll.u32 s5, $0x1;
	s2 =	sadd.s32 s19, s18  }
0x9c: {  	s6 =	simm.s32 $0x0;
	s20 =	sshll.u32 s4, $0x1;
	s4 =	sadd.s32 s21, s2  }
0x9d: {  	[timem:s6], [sflag:s22] =	dma.local [hbm:s4], s20  }
0x9e: {  	_ =	swait.ge [sflag:s22], s20  }
0x9f: {  	s3 =	ssub.s32 $0x0, s20;
	[sflag:s22] =	ssyncset.done $0x0  }
0xa0: {  	[sflag:s22] =	ssyncadd.s32 s3;
	_ =	sdelay $0x1  }
0xa1: {  	s23 =	simm.s32 $0x1B8B  }
0xa2: {  	_ =	swait.ge [sflag:s23], $0x1  }
0xa3: {  	[sflag:s23] =	ssyncset.done $0x0  }
0xa4: {  	s25 =	simm.s32 $0x1B8E;
	s24 =	sld [smem:$0x3FFE];
	[sflag:s23] =	ssyncadd.s32 $0xFFFFFFFF  }
0xa5: {  	s26 =	simm.s32 $execute0_lowered;
	[smem:$0x3FD2] =	sst s25  }
0xa6: {  	s4 =	sshll.u32 s26, $0x1;
	_ =	strace $0x8000004C;
	[dreg:$0x1] =	wrdreg $0xFFFFFFFF  }
0xa7: {  	s28 =	simm.s32 $_size_execute0_lowered;
	s2 =	sadd.s32 s2, s4;
	[dreg:$0x0] =	wrdreg $0x0  }
0xa8: {  	s4 =	sshll.u32 s28, $0x1;
	[dreg:$0x2] =	wrdreg s2  }
0xa9: {  	[dreg:$0x3] =	wrdreg s4  }
0xaa: {  	[dreg:$0x4] =	wrdreg $0xC0  }
0xab: {  	_ =	task [dreg:s6], $0x5FFFF  }
0xac: {  	[dreg:$0x1] =	wrdreg $0xFFFFFFFF  }
0xad: {  	[dreg:$0x0] =	wrdreg $0x60  }
0xae: {  	[dreg:$0x2] =	wrdreg s24  }
0xaf: {  	[dreg:$0x3] =	wrdreg $0xA5800  }
0xb0: {  	[dreg:$0x4] =	wrdreg $0x9  }
0xb1: {  	_ =	task.clear_ibuf [dreg:s6], $0x5FFFF;
	_ =	strace $0x9000004C  }
0xb2: {  	s29 =	simm.s32 $0x9;
	_ =	strace $0x8000004E  }
0xb3: {  	_ =	swait.ge [sflag:s29], $0x1  }
0xb4: {  	[sflag:s29] =	ssyncadd.s32 $0xFFFFFFFF  }
0xb5: {  	_ =	strace $0x9000004E  }
0xb6: {  	_ =	sfence  }
0xb7: {  	s30 =	sld [smem:$0x0];
	_ =	sdelay $0x2  }
0xb8: {  	s31 =	sshll.u32 s1, $0xD;
	s1 =	sshrl.u32 s1, $0x2  }
0xb9: {  	s3 =	sand.u32 $0x4000, s31;
	s1 =	sadd.s32 s1, s30  }
0xba: {  	s0 =	sor.u32 s3, s0;
	s1 =	sshll.u32 s1, $0x11  }
0xbb: {  	s0 =	sor.u32 s1, s0  }
0xbc: {  	s0 =	sadd.s32 $0x8F2B, s0  }
0xbd: {  	[sflag:s0] =	ssyncadd.remote.s32 $0x1  }
0xbe: {  	_ =	sfence.sel $0xFFFF  }
0xbf: {  	[dreg:$0x0] =	wrdreg $0xFFFFFFFF;
	(pc) =	sbr.abs _section_cstart, $3  }
0xc0: {  	[dreg:$0x1] =	wrdreg $0xFFFFFFFF  }
0xc1: {  	_ =	task.clear_ibuf [dreg:s6], $0x2FFFF;
	_ =	strace $0x9FFFFFFF  }
0xc2: {  	(tm) =	ssettm $0x7FFFFFFF  }
0xc3: {  	_ =	shalt  }
tec
execute0_lowered:
.L_overlay_start_1:
0x0: {  	(tag) =	ssettag $0x1  }
0x1: {  	s0 =	srdreg.scid;
	s1 =	rddreg [dreg:$0x0]  }
0x2: {  	s12 =	stileid.u32;
	s2 =	rddreg [dreg:$0x1];
	s28 =	simm.s32 $0x5180  }
0x3: {  	s29 =	simm.s32 $0x2880;
	s31 =	simm.s32 $0x7980;
	s10 =	smul.u32 $0x4E000, s12  }
0x4: {  	s30 =	simm.s32 $0x3;
	s0 =	sand.u32 $0x1, s0;
	s19 =	smul.u32 $0x13800, s12  }
0x5: {  	s3 =	sshll.u32 s12, $0x1;
	s5 =	sadd.s32 $0x3C00, s1;
	s21 =	smul.u32 $0x4E20, s12  }
0x6: {  	p0 =	sne.s32 s12, $0xF;
	s4 =	sor.u32 s0, s3;
	s11 =	smul.u32 $0x138800, s0  }
0x7: {  	s3 =	simm.s32 $0x0;
	s8 =	ssub.s32 $0x2, s0;
	s0 =	smul.u32 $0x2710, s0  }
0x8: {  	s12 =	simm.s32 $0x0;
	s4 =	smul.u32 $0x2710, s4;
	[smem:$0x7FF] =	sst s3  }
0x9: {  	s9 =	sshrl.u32 s8, $0x1;
	s18 =	sshrl.u32 s10, $0x2;
	s10 =	simm.s32 $0x4  }
0xa: {  	_ =	strace $0x8000004D;
	s9 =	ssub.s32 s8, s9;
	s8 =	sadd.s32 $0x138000, s2  }
0xb: {  	s20 =	sadd.s32 s19, s11;
	s11 =	sshrl.u32 s11, $0x3;
	s0 =	sadd.s32 s0, s21  }
0xc: {  	s21 =	simm.s32 $0x8;
	s6 =	sshrl.u32 s4, $0x3;
	s4 =	sadd.s32 $0x17800, s1  }
0xd: {  	s22 =	smax.u32 s9, $0x1;
	s24 =	sadd.s32 $0x190, s0;
	s25 =	sadd.s32 $0x140, s0  }
0xe: {  	s7 =	sadd.s32 s6, s1;
	s13 =	sadd.s32 s5, s6;
	[dreg:$0x9] =	wrdreg s22  }
0xf: {  	s19 =	sadd.s32 $0xF0, s0;
	s7 =	sadd.s32 $0xDA00, s7;
	[dreg:$0x4] =	wrdreg s13  }
0x10: {  	s0 =	simm.s32 $0x5;
	s6 =	sadd.s32 $0xA, s13;
	[dreg:$0x3] =	wrdreg s7  }
0x11: {  	s1 =	sadd.s32 $0x3EA00, s1;
	s14 =	sadd.s32 $0x14, s13;
	[dreg:$0x5] =	wrdreg s6  }
0x12: {  	s23 =	sadd.s32 $0x4CE, s13;
	s26 =	sadd.s32 $0x4D8, s13;
	[dreg:$0x6] =	wrdreg s14  }
0x13: {  	s7 =	sadd.s32 s18, s2;
	s6 =	sshrl.u32 s20, $0x3;
	[dreg:$0xa] =	wrdreg s23  }
0x14: {  	[dreg:$0xb] =	wrdreg s26;
	s20 =	simm.s32 $0xA180;
	s23 =	simm.s32 $0x2780  }
0x15: {  	s26 =	simm.s32 $0x2800;
	s6 =	sadd.s32 s1, s6;
	s1 =	sadd.s32 s1, s11  }
0x16: {  	s11 =	simm.s32 $0x7;
	[dreg:$0x7] =	wrdreg s6;
	s1 =	sadd.s32 $0x27000, s1  }
0x17: {  	s6 =	sshrl.u32 s25, $0x3;
	s25 =	simm.s32 $0x2980;
	[dreg:$0x8] =	wrdreg s1  }
0x18: {  	s1 =	sshrl.u32 s24, $0x3;
	s18 =	sadd.s32 s6, s5;
	s24 =	simm.s32 $0x50  }
0x19: {  	v0 =	vimm.f32 $0.0e+00;
	s6 =	simm.s32 $0x6;
	s17 =	sadd.s32 s1, s5;
	s1 =	simm.s32 $0x2  }
.LBB2_1:
0x1a: {  	s9 =	rddreg [dreg:$0x3]  }
0x1b: {  	[tilespmem:s3], [sflag:$0x1] =	stream.linear.gather [hbm4b:s9+s3], $0x2710, $0x38;
	[tilespmem:$0x1DE00] =	vst v63  }
0x1c: {  	s13 =	simm.s32 $0x0;
	s9 =	simm.s32 $0x0  }
.LBB2_2:
0x1d: {  	p1 =	sne.s32 s9, $0xFC0  }
.Ltmp0:
0x1e: {  	_ = 	snop;
	(pc) =	sbr.rel @p1 .LBB2_2-.Ltmp0, $4  }
0x1f: {  	s14 =	sand.u32 $0xE00, s9  }
0x20: {  	s15 =	sand.u32 $0x70, s13;
	s14 =	sshrl.u32 s14, $0x2  }
0x21: {  	s14 =	sor.u32 s15, s14  }
0x22: {  	s13 =	sadd.s32 $0x10, s13;
	s9 =	sadd.s32 $0x40, s9;
	[tilespmem:s14+$0xA180] =	vst v0  }
0x23: {  	s9 =	sadd.s32 $0x0, s7  }
0x24: {  	[spmem:s9] =	stream.linear.scatter [tilespmem:s20], [sflag:$0x8], $0x400, $0x38;
	[tilespmem:$0x1DE00] =	vst v63  }
0x25: {  	s13 =	simm.s32 $0x1000;
	_ =	swait.ge [sflag:s21], $0x400  }
.LBB2_4:
0x26: {  	s9 =	sshra.s32 s13, $0x2;
	[sflag:s21] =	ssyncset.done $0x0;
	p1 =	sne.s32 s13, $0x4D000  }
.Ltmp1:
0x27: {  	s9 =	sadd.s32 s9, s7;
	[sflag:s21] =	ssyncadd.s32 $0xFFFFFC00;
	(pc) =	sbr.rel @p1 .LBB2_4-.Ltmp1, $3  }
0x28: {  	[spmem:s9] =	stream.linear.scatter [tilespmem:s20], [sflag:$0x8], $0x400, $0x38;
	[tilespmem:$0x1DE00] =	vst v63  }
0x29: {  	s13 =	sadd.s32 $0x1000, s13;
	_ =	sdelay $0x1  }
0x2a: {  	_ =	swait.ge [sflag:s21], $0x400  }
0x2b: {  	[sflag:s21] =	ssyncset.done $0x0  }
0x2c: {  	s9 =	simm.s32 @!p0 $0xA180;
	[sflag:s21] =	ssyncadd.s32 $0xFFFFFC00  }
0x2d: {  	[spmem:s8] =	stream.linear.scatter @!p0 [tilespmem:s9], [sflag:$0x8], $0x800, $0x38;
	[tilespmem:$0x1DE00] =	vst v63  }
0x2e: {  	s9 =	simm.s32 @!p0 $0x8  }
0x2f: {  	_ =	swait.ge @!p0 [sflag:s9], $0x800  }
0x30: {  	[sflag:s9] =	ssyncset.done @!p0 $0x0  }
0x31: {  	s14 =	simm.s32 $0x1;
	[sflag:s9] =	ssyncadd.s32 @!p0 $0xFFFFF800  }
0x32: {  	_ =	swait.ge [sflag:s14], $0x2710  }
0x33: {  	[sflag:s14] =	ssyncset.done $0x0  }
0x34: {  	[sflag:s14] =	ssyncadd.s32 $0xFFFFD8F0  }
0x35: {  	[bflag:$0x0] =	sbarrier.arrive $0xFFFF  }
0x36: {  	s15 =	simm.s32 $0x0;
	s13 =	rddreg [dreg:$0x4]  }
0x37: {  	[tilespmem:s23], [sflag:$0x5] =	stream.linear.gather [hbm4b:s13+s15], $0x50, $0x38;
	[tilespmem:$0x1DE00] =	vst v63  }
0x38: {  	_ = 	snop  }
0x39: {  	[tilespmem:s25], [sflag:$0x2] =	stream.indirect.gather [hbm4b:s4+s24], $0x80, s15, s24, $0xb8;
	[tilespmem:$0x1DE00] =	vst v63  }
0x3a: {  	s16 =	rddreg [dreg:$0x5]  }
0x3b: {  	[tilespmem:s26], [sflag:$0x6] =	stream.linear.gather [hbm4b:s16+s15], $0x50, $0x38;
	[tilespmem:$0x1DE00] =	vst v63  }
0x3c: {  	_ = 	snop  }
0x3d: {  	[tilespmem:s28], [sflag:$0x3] =	stream.indirect.gather [hbm4b:s4+s24], $0x80, s24, s24, $0xb8;
	[tilespmem:$0x1DE00] =	vst v63  }
0x3e: {  	s22 =	rddreg [dreg:$0x6]  }
0x3f: {  	[tilespmem:s29], [sflag:$0x7] =	stream.linear.gather [hbm4b:s22+s15], $0x50, $0x38;
	[tilespmem:$0x1DE00] =	vst v63  }
0x40: {  	s14 =	simm.s32 $0xA0  }
0x41: {  	[tilespmem:s31], [sflag:$0x4] =	stream.indirect.gather [hbm4b:s4+s24], $0x80, s14, s24, $0xb8;
	[tilespmem:$0x1DE00] =	vst v63  }
0x42: {  	_ =	swait.ge [sflag:s1], $0x2800  }
0x43: {  	[sflag:s1] =	ssyncset.done $0x0  }
0x44: {  	[sflag:s1] =	ssyncadd.s32 $0xFFFFD800  }
0x45: {  	_ =	swait.ge [sflag:s0], $0x50  }
0x46: {  	[sflag:s0] =	ssyncset.done $0x0  }
0x47: {  	[sflag:s0] =	ssyncadd.s32 $0xFFFFFFB0  }
0x48: {  	[spmem:s2] =	stream.indirect.scatter.add.f32 [tilespmem:s25], [sflag:$0x8], $0x80, s23, s24, $0xb8;
	[tilespmem:$0x1DE00] =	vst v63  }
0x49: {  	_ =	swait.ge [sflag:s21], $0x2800  }
0x4a: {  	s15 =	sshrl.u32 s19, $0x3;
	[sflag:s21] =	ssyncset.done $0x0  }
0x4b: {  	s9 =	sadd.s32 s5, s15;
	[sflag:s21] =	ssyncadd.s32 $0xFFFFD800  }
0x4c: {  	[tilespmem:s23], [sflag:$0x5] =	stream.linear.gather [hbm4b:s9+s3], $0x50, $0x38;
	[tilespmem:$0x1DE00] =	vst v63  }
0x4d: {  	s16 =	simm.s32 $0xF0  }
0x4e: {  	[tilespmem:s25], [sflag:$0x2] =	stream.indirect.gather [hbm4b:s4+s24], $0x80, s16, s24, $0xb8;
	[tilespmem:$0x1DE00] =	vst v63  }
0x4f: {  	_ =	swait.ge [sflag:s30], $0x2800  }
0x50: {  	[sflag:s30] =	ssyncset.done $0x0  }
0x51: {  	[sflag:s30] =	ssyncadd.s32 $0xFFFFD800  }
0x52: {  	_ =	swait.ge [sflag:s6], $0x50  }
0x53: {  	[sflag:s6] =	ssyncset.done $0x0  }
0x54: {  	[sflag:s6] =	ssyncadd.s32 $0xFFFFFFB0  }
0x55: {  	[spmem:s2] =	stream.indirect.scatter.add.f32 [tilespmem:s28], [sflag:$0x8], $0x80, s26, s24, $0xb8;
	[tilespmem:$0x1DE00] =	vst v63  }
0x56: {  	_ =	swait.ge [sflag:s21], $0x2800  }
0x57: {  	[sflag:s21] =	ssyncset.done $0x0  }
0x58: {  	[sflag:s21] =	ssyncadd.s32 $0xFFFFD800  }
0x59: {  	[tilespmem:s26], [sflag:$0x6] =	stream.linear.gather [hbm4b:s18+s3], $0x50, $0x38;
	[tilespmem:$0x1DE00] =	vst v63  }
0x5a: {  	s22 =	simm.s32 $0x140  }
0x5b: {  	[tilespmem:s28], [sflag:$0x3] =	stream.indirect.gather [hbm4b:s4+s24], $0x80, s22, s24, $0xb8;
	[tilespmem:$0x1DE00] =	vst v63  }
0x5c: {  	_ =	swait.ge [sflag:s10], $0x2800  }
0x5d: {  	[sflag:s10] =	ssyncset.done $0x0  }
0x5e: {  	[sflag:s10] =	ssyncadd.s32 $0xFFFFD800  }
0x5f: {  	_ =	swait.ge [sflag:s11], $0x50  }
0x60: {  	[sflag:s11] =	ssyncset.done $0x0  }
0x61: {  	[sflag:s11] =	ssyncadd.s32 $0xFFFFFFB0  }
0x62: {  	[spmem:s2] =	stream.indirect.scatter.add.f32 [tilespmem:s31], [sflag:$0x8], $0x80, s29, s24, $0xb8;
	[tilespmem:$0x1DE00] =	vst v63  }
0x63: {  	s13 =	simm.s32 $0x3C0;
	_ =	swait.ge [sflag:s21], $0x2800  }
0x64: {  	s15 =	sadd.s32 $0x1E, s17;
	s14 =	sadd.s32 $0xF0, s19;
	[sflag:s21] =	ssyncset.done $0x0  }
0x65: {  	s9 =	simm.s32 $0x190;
	s16 =	sadd.s32 $0x1E, s18;
	[sflag:s21] =	ssyncadd.s32 $0xFFFFD800  }
0x66: {  	[tilespmem:s29], [sflag:$0x7] =	stream.linear.gather [hbm4b:s17+s3], $0x50, $0x38;
	[tilespmem:$0x1DE00] =	vst v63  }
.LBB2_6:
0x67: {  	[tilespmem:s31], [sflag:$0x4] =	stream.indirect.gather [hbm4b:s4+s24], $0x80, s9, s24, $0xb8;
	[tilespmem:$0x1DE00] =	vst v63  }
0x68: {  	s9 =	smov.u32 s13  }
0x69: {  	p1 =	sne.s32 s13, $0x9240;
	s13 =	sadd.s32 $0x3C0, s13;
	_ =	swait.ge [sflag:s1], $0x2800  }
0x6a: {  	[sflag:s1] =	ssyncset.done $0x0  }
0x6b: {  	[sflag:s1] =	ssyncadd.s32 $0xFFFFD800  }
0x6c: {  	_ =	swait.ge [sflag:s0], $0x50  }
0x6d: {  	[sflag:s0] =	ssyncset.done $0x0  }
0x6e: {  	[sflag:s0] =	ssyncadd.s32 $0xFFFFFFB0  }
0x6f: {  	[spmem:s2] =	stream.indirect.scatter.add.f32 [tilespmem:s25], [sflag:$0x8], $0x80, s23, s24, $0xb8;
	[tilespmem:$0x1DE00] =	vst v63  }
0x70: {  	_ =	swait.ge [sflag:s21], $0x2800  }
0x71: {  	s22 =	sshrl.u32 s14, $0x3;
	[sflag:s21] =	ssyncset.done $0x0  }
0x72: {  	s22 =	sadd.s32 s5, s22;
	s9 =	sshra.s32 s9, $0x2;
	[sflag:s21] =	ssyncadd.s32 $0xFFFFD800  }
0x73: {  	[tilespmem:s23], [sflag:$0x5] =	stream.linear.gather [hbm4b:s22+s3], $0x50, $0x38;
	[tilespmem:$0x1DE00] =	vst v63  }
0x74: {  	s22 =	sadd.s32 $0xF0, s9  }
0x75: {  	[tilespmem:s25], [sflag:$0x2] =	stream.indirect.gather [hbm4b:s4+s24], $0x80, s22, s24, $0xb8;
	[tilespmem:$0x1DE00] =	vst v63  }
0x76: {  	_ =	swait.ge [sflag:s30], $0x2800  }
0x77: {  	[sflag:s30] =	ssyncset.done $0x0  }
0x78: {  	[sflag:s30] =	ssyncadd.s32 $0xFFFFD800  }
0x79: {  	_ =	swait.ge [sflag:s6], $0x50  }
0x7a: {  	[sflag:s6] =	ssyncset.done $0x0  }
0x7b: {  	[sflag:s6] =	ssyncadd.s32 $0xFFFFFFB0  }
0x7c: {  	[spmem:s2] =	stream.indirect.scatter.add.f32 [tilespmem:s28], [sflag:$0x8], $0x80, s26, s24, $0xb8;
	[tilespmem:$0x1DE00] =	vst v63  }
0x7d: {  	_ =	swait.ge [sflag:s21], $0x2800  }
0x7e: {  	[sflag:s21] =	ssyncset.done $0x0  }
0x7f: {  	[sflag:s21] =	ssyncadd.s32 $0xFFFFD800  }
0x80: {  	[tilespmem:s26], [sflag:$0x6] =	stream.linear.gather [hbm4b:s16+s3], $0x50, $0x38;
	[tilespmem:$0x1DE00] =	vst v63  }
0x81: {  	s22 =	sadd.s32 $0x140, s9  }
0x82: {  	[tilespmem:s28], [sflag:$0x3] =	stream.indirect.gather [hbm4b:s4+s24], $0x80, s22, s24, $0xb8;
	[tilespmem:$0x1DE00] =	vst v63  }
0x83: {  	_ =	swait.ge [sflag:s10], $0x2800  }
0x84: {  	[sflag:s10] =	ssyncset.done $0x0  }
0x85: {  	[sflag:s10] =	ssyncadd.s32 $0xFFFFD800  }
0x86: {  	_ =	swait.ge [sflag:s11], $0x50  }
0x87: {  	[sflag:s11] =	ssyncset.done $0x0  }
0x88: {  	[sflag:s11] =	ssyncadd.s32 $0xFFFFFFB0  }
0x89: {  	[spmem:s2] =	stream.indirect.scatter.add.f32 [tilespmem:s31], [sflag:$0x8], $0x80, s29, s24, $0xb8;
	[tilespmem:$0x1DE00] =	vst v63  }
.Ltmp2:
0x8a: {  	_ =	swait.ge [sflag:s21], $0x2800;
	(pc) =	sbr.rel @p1 .LBB2_6-.Ltmp2, $4  }
0x8b: {  	[sflag:s21] =	ssyncset.done $0x0  }
0x8c: {  	s14 =	sadd.s32 $0xF0, s14;
	[sflag:s21] =	ssyncadd.s32 $0xFFFFD800  }
0x8d: {  	[tilespmem:s29], [sflag:$0x7] =	stream.linear.gather [hbm4b:s15+s3], $0x50, $0x38;
	[tilespmem:$0x1DE00] =	vst v63  }
0x8e: {  	s9 =	sadd.s32 $0x190, s9;
	s16 =	sadd.s32 $0x1E, s16;
	s15 =	sadd.s32 $0x1E, s15  }
0x8f: {  	[tilespmem:s31], [sflag:$0x4] =	stream.indirect.gather [hbm4b:s4+s24], $0x80, s9, s24, $0xb8;
	[tilespmem:$0x1DE00] =	vst v63  }
0x90: {  	_ =	swait.ge [sflag:s1], $0x2800  }
0x91: {  	[sflag:s1] =	ssyncset.done $0x0  }
0x92: {  	[sflag:s1] =	ssyncadd.s32 $0xFFFFD800  }
0x93: {  	_ =	swait.ge [sflag:s0], $0x50  }
0x94: {  	[sflag:s0] =	ssyncset.done $0x0  }
0x95: {  	[sflag:s0] =	ssyncadd.s32 $0xFFFFFFB0  }
0x96: {  	[spmem:s2] =	stream.indirect.scatter.add.f32 [tilespmem:s25], [sflag:$0x8], $0x80, s23, s24, $0xb8;
	[tilespmem:$0x1DE00] =	vst v63  }
0x97: {  	_ =	swait.ge [sflag:s21], $0x2800  }
0x98: {  	[sflag:s21] =	ssyncset.done $0x0  }
0x99: {  	s22 =	rddreg [dreg:$0xa];
	[sflag:s21] =	ssyncadd.s32 $0xFFFFD800  }
0x9a: {  	[tilespmem:s23], [sflag:$0x5] =	stream.linear.gather [hbm4b:s22+s3], $0x50, $0x38;
	[tilespmem:$0x1DE00] =	vst v63  }
0x9b: {  	s13 =	simm.s32 $0x2670  }
0x9c: {  	[tilespmem:s25], [sflag:$0x2] =	stream.indirect.gather [hbm4b:s4+s24], $0x80, s13, s24, $0xb8;
	[tilespmem:$0x1DE00] =	vst v63  }
0x9d: {  	_ =	swait.ge [sflag:s30], $0x2800  }
0x9e: {  	[sflag:s30] =	ssyncset.done $0x0  }
0x9f: {  	[sflag:s30] =	ssyncadd.s32 $0xFFFFD800  }
0xa0: {  	_ =	swait.ge [sflag:s6], $0x50  }
0xa1: {  	[sflag:s6] =	ssyncset.done $0x0  }
0xa2: {  	[sflag:s6] =	ssyncadd.s32 $0xFFFFFFB0  }
0xa3: {  	[spmem:s2] =	stream.indirect.scatter.add.f32 [tilespmem:s28], [sflag:$0x8], $0x80, s26, s24, $0xb8;
	[tilespmem:$0x1DE00] =	vst v63  }
0xa4: {  	_ =	swait.ge [sflag:s21], $0x2800  }
0xa5: {  	[sflag:s21] =	ssyncset.done $0x0  }
0xa6: {  	s14 =	rddreg [dreg:$0xb];
	[sflag:s21] =	ssyncadd.s32 $0xFFFFD800  }
0xa7: {  	[tilespmem:s26], [sflag:$0x6] =	stream.linear.gather [hbm4b:s14+s3], $0x50, $0x38;
	[tilespmem:$0x1DE00] =	vst v63  }
0xa8: {  	s15 =	simm.s32 $0x26C0  }
0xa9: {  	[tilespmem:s28], [sflag:$0x3] =	stream.indirect.gather [hbm4b:s4+s24], $0x80, s15, s24, $0xb8;
	[tilespmem:$0x1DE00] =	vst v63  }
0xaa: {  	_ =	swait.ge [sflag:s10], $0x2800  }
0xab: {  	[sflag:s10] =	ssyncset.done $0x0  }
0xac: {  	[sflag:s10] =	ssyncadd.s32 $0xFFFFD800  }
0xad: {  	_ =	swait.ge [sflag:s11], $0x50  }
0xae: {  	[sflag:s11] =	ssyncset.done $0x0  }
0xaf: {  	[sflag:s11] =	ssyncadd.s32 $0xFFFFFFB0  }
0xb0: {  	[spmem:s2] =	stream.indirect.scatter.add.f32 [tilespmem:s31], [sflag:$0x8], $0x80, s29, s24, $0xb8;
	[tilespmem:$0x1DE00] =	vst v63  }
0xb1: {  	_ =	swait.ge [sflag:s21], $0x2800  }
0xb2: {  	[sflag:s21] =	ssyncset.done $0x0  }
0xb3: {  	[sflag:s21] =	ssyncadd.s32 $0xFFFFD800  }
0xb4: {  	_ =	swait.ge [sflag:s1], $0x2800  }
0xb5: {  	[sflag:s1] =	ssyncset.done $0x0  }
0xb6: {  	[sflag:s1] =	ssyncadd.s32 $0xFFFFD800  }
0xb7: {  	_ =	swait.ge [sflag:s0], $0x50  }
0xb8: {  	[sflag:s0] =	ssyncset.done $0x0  }
0xb9: {  	[sflag:s0] =	ssyncadd.s32 $0xFFFFFFB0  }
0xba: {  	[spmem:s2] =	stream.indirect.scatter.add.f32 [tilespmem:s25], [sflag:$0x8], $0x80, s23, s24, $0xb8;
	[tilespmem:$0x1DE00] =	vst v63  }
0xbb: {  	_ =	swait.ge [sflag:s21], $0x2800  }
0xbc: {  	[sflag:s21] =	ssyncset.done $0x0  }
0xbd: {  	[sflag:s21] =	ssyncadd.s32 $0xFFFFD800  }
0xbe: {  	_ =	swait.ge [sflag:s30], $0x2800  }
0xbf: {  	[sflag:s30] =	ssyncset.done $0x0  }
0xc0: {  	[sflag:s30] =	ssyncadd.s32 $0xFFFFD800  }
0xc1: {  	_ =	swait.ge [sflag:s6], $0x50  }
0xc2: {  	[sflag:s6] =	ssyncset.done $0x0  }
0xc3: {  	[sflag:s6] =	ssyncadd.s32 $0xFFFFFFB0  }
0xc4: {  	[spmem:s2] =	stream.indirect.scatter.add.f32 [tilespmem:s28], [sflag:$0x8], $0x80, s26, s24, $0xb8;
	[tilespmem:$0x1DE00] =	vst v63  }
0xc5: {  	_ =	swait.ge [sflag:s21], $0x2800  }
0xc6: {  	[sflag:s21] =	ssyncset.done $0x0  }
0xc7: {  	s16 =	stileid.u32;
	[sflag:s21] =	ssyncadd.s32 $0xFFFFD800  }
0xc8: {  	s9 =	sshll.u32 s16, $0x6;
	[bflag:$0x0] =	sbarrier.arrive $0xFFFF  }
0xc9: {  	s9 =	sor.u32 $0x1C08, s9;
	s13 =	sshrl.u32 s7, $0x3;
	s14 =	rddreg [dreg:$0x7]  }
0xca: {  	[hbm:s14], [sflag:s9] =	dma.local [spmem:s13], $0x2700  }
0xcb: {  	_ =	swait.ge [sflag:s21], $0x2700  }
0xcc: {  	[sflag:s21] =	ssyncset.done $0x0  }
0xcd: {  	s13 =	sshrl.u32 @!p0 s8, $0x3;
	s14 =	rddreg [dreg:$0x8];
	[sflag:s21] =	ssyncadd.s32 $0xFFFFD900  }
0xce: {  	[hbm:s14], [sflag:s9] =	dma.local @!p0 [spmem:s13], $0x100  }
0xcf: {  	s9 =	simm.s32 @!p0 $0x8  }
0xd0: {  	_ =	swait.ge @!p0 [sflag:s9], $0x100  }
0xd1: {  	s12 =	sadd.s32 $0x1, s12;
	s22 =	rddreg [dreg:$0x9]  }
0xd2: {  	p1 =	sne.s32 s12, s22  }
.Ltmp3:
0xd3: {  	_ = 	snop;
	(pc) =	sbr.rel @p1 .LBB2_1-.Ltmp3, $3  }
0xd4: {  	_ =	sdelay $0x1  }
0xd5: {  	[sflag:s9] =	ssyncset.done @!p0 $0x0  }
0xd6: {  	[sflag:s9] =	ssyncadd.s32 @!p0 $0xFFFFFF00  }
0xd7: {  	_ =	sfence.sel $0x180000  }
0xd8: {  	[bflag:$0x0] =	sbarrier.arrive $0xFFFF  }
0xd9: {  	_ =	strace $0x9000004D  }
0xda: {  	s0 =	stileid.u32;
	[bflag:$0x2] =	sbarrier.arrive $0xFFFF  }
0xdb: {  	p0 =	sne.s32 s0, $0x0;
	s0 =	rddreg [dreg:$0x2]  }
0xdc: {  	s0 =	sadd.s32 @!p0 $0x100000, s0  }
0xdd: {  	[sflag:s0] =	ssyncadd.tile.s32 @!p0 $0x1;
	_ =	shalt  }
.Lfunc_end2:
_tile_overlayer_lowered:
.L_overlay_start_2:
0xde: {  	(tag) =	ssettag $0x2  }
0xdf: {  	s0 =	rddreg [dreg:$0x0];
	s2 =	stileid.u32  }
0xe0: {  	s1 =	rddreg [dreg:$0x1];
	p0 =	sne.s32 s2, $0x0  }
0xe1: {  	s3 =	rddreg [dreg:$0x2];
	[bflag:$0x3] =	sbarrier.arrive $0xFFFF;
	s2 =	simm.s32 @!p0 $0x1C08  }
0xe2: {  	[timem:s3], [sflag:s2] =	dma.local @!p0 [hbm:s0], s1  }
0xe3: {  	s0 =	simm.s32 @!p0 $0x8  }
0xe4: {  	_ =	swait.ge @!p0 [sflag:s0], s1  }
0xe5: {  	s1 =	ssub.s32 @!p0 $0x0, s1;
	[sflag:s0] =	ssyncset.done @!p0 $0x0  }
0xe6: {  	[sflag:s0] =	ssyncadd.s32 @!p0 s1  }
0xe7: {  	[bflag:$0x3] =	sbarrier.arrive $0xFFFF  }
0xe8: {  	_ =	shalt  }

// kernel: kernel.8.cloned.1.call-start
scs
__scs_entry_jumppad:
0x0: {  	(pc) =	sbr.rel $0x88, $3  }
0x1: {  	(tag) =	ssettag $0x0;
	lr =	simm.s32 $0x1  }
0x2: {  	[smem:$0x3F8E] =	sst lr;
	_ =	strace $0xD0000000  }
0x3: {  	_ = 	snop  }
0x4: {  	_ = 	snop  }
0x5: {  	_ = 	snop  }
0x6: {  	_ = 	snop  }
0x7: {  	_ = 	snop  }
__scs_overlays_trampoline_lowered:
0x8: {  	[smem:$0x3F9D] =	sst s0  }
0x9: {  	[smem:$0x3F9E] =	sst s1  }
0xa: {  	[smem:$0x3F9F] =	sst s2  }
0xb: {  	[smem:$0x3FA0] =	sst s3  }
0xc: {  	[smem:$0x3FA1] =	sst s4  }
0xd: {  	[smem:$0x3FA2] =	sst s5  }
0xe: {  	[smem:$0x3FA3] =	sst s6  }
0xf: {  	[smem:$0x3FA4] =	sst s7  }
0x10: {  	[smem:$0x3FA5] =	sst s8  }
0x11: {  	[smem:$0x3FA6] =	sst s9;
	s0 =	simm.s32 @!p0 $0x0  }
0x12: {  	s1 =	sld [smem:$0x3F8C];
	s0 =	simm.s32 @p0 $0x1  }
0x13: {  	[smem:$0x3FA7] =	sst s0;
	s0 =	simm.s32 @!p1 $0x0  }
0x14: {  	s2 =	sld [smem:$0x3F8B];
	s0 =	simm.s32 @p1 $0x1  }
0x15: {  	[smem:$0x3FA8] =	sst s0;
	s0 =	simm.s32 @!p2 $0x0  }
0x16: {  	s3 =	sld [smem:$0x3FDB];
	s0 =	simm.s32 @p2 $0x1  }
0x17: {  	s4 =	simm.s32 $0x1BF5;
	[smem:$0x3FAA] =	sst s0  }
0x18: {  	s0 =	sld [smem:$0x3F8D];
	_ =	swait.ge [sflag:s4], $0x0  }
0x19: {  	s7 =	sld [smem:$0x3F8E]  }
0x1a: {  	s8 =	sadd.s32 $0xFFFFE003, lr  }
0x1b: {  	s9 =	sadd.s32 $0xFFFFFEF7, lr;
	s5 =	simm.s32 $0xFFFFFFFF;
	p2 =	slt.u32 s8, $0xFFFFF086  }
0x1c: {  	p1 =	slt.u32 s9, $0xF7A;
	s5 =	simm.s32 @!p2 $0x0  }
0x1d: {  	s5 =	simm.s32 @p1 $0x1;
	p0 =	seq.s32 s7, s2  }
0x1e: {  	s7 =	smul.u32 @!p0 $0xF7A, s2;
	p2 =	seq.s32 @!p0 s5, $0x0  }
0x1f: {  	s9 =	smul.u32 $0xF7A, s1;
	s8 =	simm.s32 @!p0 $0x1BF5;
	p2 =	por !p2, p0  }
0x20: {  	[sflag:s8] =	ssyncset.s32 @!p0 $0xFFFFF086;
	s6 =	sadd.s32 @!p0 s3, s7;
	s7 =	simm.s32 @!p0 $0x108  }
0x21: {  	s3 =	sadd.s32 s3, s9;
	s6 =	sadd.s32 @!p0 $0x88, s6;
	s7 =	simm.s32 @p2 $0x1082  }
0x22: {  	[simem:s7], [sflag:s8] =	dma.local @!p0 [hbm:s6], $0xF7A  }
0x23: {  	s9 =	sor.u32 $0xD0000000, s2;
	s6 =	simm.s32 $0x108;
	_ =	swait.ge @!p0 [sflag:s8], $0x0  }
0x24: {  	s3 =	sadd.s32 $0x88, s3;
	s6 =	simm.s32 @!p1 $0x1082;
	[sflag:s4] =	ssyncset.s32 $0xFFFFF086  }
0x25: {  	[simem:s6], [sflag:s4] =	dma.local [hbm:s3], $0xF7A  }
0x26: {  	[smem:$0x3F8E] =	sst s1;
	(tag) =	ssettag s2;
	_ =	strace s9  }
0x27: {  	s1 =	sld [smem:$0x3F9E]  }
0x28: {  	s2 =	sld [smem:$0x3F9F]  }
0x29: {  	s4 =	sld [smem:$0x3FA1]  }
0x2a: {  	p0 =	seq.s32 s5, $0x0;
	s5 =	sld [smem:$0x3FA2]  }
0x2b: {  	s6 =	sld [smem:$0x3FA3]  }
0x2c: {  	s7 =	sld [smem:$0x3FA4]  }
0x2d: {  	s3 =	simm.s32 $0x108;
	s8 =	sld [smem:$0x3FA5]  }
0x2e: {  	s3 =	simm.s32 @!p0 $0x1082;
	s9 =	sld [smem:$0x3FA6]  }
0x2f: {  	lr =	sadd.s32 s0, s3;
	s0 =	sld [smem:$0x3F9D]  }
0x30: {  	s3 =	sld [smem:$0x3FA0]  }
0x31: {  	[smem:$0x3FA9] =	sst s10  }
0x32: {  	s10 =	sld [smem:$0x3FA7];
	_ =	sdelay $0x3  }
0x33: {  	p0 =	seq.s32 s10, $0x1;
	s10 =	sld [smem:$0x3FA9];
	_ =	sdelay $0x3  }
0x34: {  	[smem:$0x3FA9] =	sst s10  }
0x35: {  	s10 =	sld [smem:$0x3FA8];
	_ =	sdelay $0x3  }
0x36: {  	p1 =	seq.s32 s10, $0x1;
	s10 =	sld [smem:$0x3FA9];
	_ =	sdelay $0x3  }
0x37: {  	[smem:$0x3FA9] =	sst s10  }
0x38: {  	s10 =	sld [smem:$0x3FAA]  }
0x39: {  	_ = 	snop;
	(pc) =	sbr.ind lr, $3  }
0x3a: {  	_ = 	snop  }
0x3b: {  	_ = 	snop  }
0x3c: {  	p2 =	seq.s32 s10, $0x1;
	s10 =	sld [smem:$0x3FA9]  }
0x3d: {  	_ =	shalt  }
0x3e: {  	_ =	shalt  }
0x3f: {  	_ =	shalt  }
0x40: {  	_ =	shalt  }
0x41: {  	_ =	shalt  }
0x42: {  	_ =	shalt  }
0x43: {  	_ =	shalt  }
0x44: {  	_ =	shalt  }
0x45: {  	_ =	shalt  }
0x46: {  	_ =	shalt  }
0x47: {  	_ =	shalt  }
0x48: {  	_ =	shalt  }
0x49: {  	_ =	shalt  }
0x4a: {  	_ =	shalt  }
0x4b: {  	_ =	shalt  }
0x4c: {  	_ =	shalt  }
0x4d: {  	_ =	shalt  }
0x4e: {  	_ =	shalt  }
0x4f: {  	_ =	shalt  }
0x50: {  	_ =	shalt  }
0x51: {  	_ =	shalt  }
0x52: {  	_ =	shalt  }
0x53: {  	_ =	shalt  }
0x54: {  	_ =	shalt  }
0x55: {  	_ =	shalt  }
0x56: {  	_ =	shalt  }
0x57: {  	_ =	shalt  }
0x58: {  	_ =	shalt  }
0x59: {  	_ =	shalt  }
0x5a: {  	_ =	shalt  }
0x5b: {  	_ =	shalt  }
0x5c: {  	_ =	shalt  }
0x5d: {  	_ =	shalt  }
0x5e: {  	_ =	shalt  }
0x5f: {  	_ =	shalt  }
0x60: {  	_ =	shalt  }
0x61: {  	_ =	shalt  }
0x62: {  	_ =	shalt  }
0x63: {  	_ =	shalt  }
0x64: {  	_ =	shalt  }
0x65: {  	_ =	shalt  }
0x66: {  	_ =	shalt  }
0x67: {  	_ =	shalt  }
0x68: {  	_ =	shalt  }
0x69: {  	_ =	shalt  }
0x6a: {  	_ =	shalt  }
0x6b: {  	_ =	shalt  }
0x6c: {  	_ =	shalt  }
0x6d: {  	_ =	shalt  }
0x6e: {  	_ =	shalt  }
0x6f: {  	_ =	shalt  }
0x70: {  	_ =	shalt  }
0x71: {  	_ =	shalt  }
0x72: {  	_ =	shalt  }
0x73: {  	_ =	shalt  }
0x74: {  	_ =	shalt  }
0x75: {  	_ =	shalt  }
0x76: {  	_ =	shalt  }
0x77: {  	_ =	shalt  }
0x78: {  	_ =	shalt  }
0x79: {  	_ =	shalt  }
0x7a: {  	_ =	shalt  }
0x7b: {  	_ =	shalt  }
0x7c: {  	_ =	shalt  }
0x7d: {  	_ =	shalt  }
0x7e: {  	_ =	shalt  }
0x7f: {  	_ =	shalt  }
0x80: {  	_ =	shalt  }
0x81: {  	_ =	shalt  }
0x82: {  	_ =	shalt  }
0x83: {  	_ =	shalt  }
0x84: {  	_ =	shalt  }
0x85: {  	_ =	shalt  }
0x86: {  	_ =	shalt  }
0x87: {  	_ =	shalt  }
.Lfunc_end0:
.L_simem_size_0:
called_computation_lowered:
.L_overlay_start_0:
0x88: {  	s2 =	sld [smem:$0x3FD9]  }
0x89: {  	s3 =	sld [smem:$0x3FFE];
	_ =	sdelay $0x1  }
0x8a: {  	s1 =	srdreg.scid  }
0x8b: {  	s0 =	sand.u32 $0x1, s1  }
0x8c: {  	s17 =	sshll.u32 s0, $0xA;
	s2 =	sadd.s32 s3, s2  }
0x8d: {  	s2 =	sadd.s32 s2, s17  }
0x8e: {  	[smem:$0x3FB5] =	sst s2  }
0x8f: {  	_ = 	snop  }
0x90: {  	s2 =	sld [smem:$0x3FC9];
	(tm) =	ssettm $0x1  }
0x91: {  	s18 =	sld [smem:$0x3FFB];
	_ =	sdelay $0x3  }
0x92: {  	_ =	strace s18  }
0x93: {  	s3 =	sld [smem:$0x3FFC];
	_ =	sdelay $0x3  }
0x94: {  	_ =	strace s3  }
0x95: {  	s3 =	sld [smem:$0x3FFD];
	_ =	sdelay $0x3  }
0x96: {  	_ =	strace s3  }
0x97: {  	_ =	strace $0x8FFFFFFF  }
0x98: {  	s19 =	sld [smem:$0x3FDB];
	_ =	sdelay $0x1  }
0x99: {  	s4 =	simm.s32 $_scs_section_size  }
0x9a: {  	s5 =	simm.s32 $_size__tile_overlayer_lowered;
	s6 =	simm.s32 $_tile_overlayer_lowered  }
0x9b: {  	s22 =	simm.s32 $0x1BFF;
	s21 =	sshll.u32 s6, $0x1;
	s3 =	sadd.s32 s4, s19  }
0x9c: {  	s7 =	simm.s32 $0x0;
	s20 =	sshll.u32 s5, $0x1;
	s5 =	sadd.s32 s21, s3  }
0x9d: {  	[timem:s7], [sflag:s22] =	dma.local [hbm:s5], s20  }
0x9e: {  	_ =	swait.ge [sflag:s22], s20  }
0x9f: {  	s4 =	ssub.s32 $0x0, s20;
	[sflag:s22] =	ssyncset.done $0x0  }
0xa0: {  	[sflag:s22] =	ssyncadd.s32 s4;
	_ =	sdelay $0x1  }
0xa1: {  	s23 =	simm.s32 $0x1B8B  }
0xa2: {  	_ =	swait.ge [sflag:s23], $0x1  }
0xa3: {  	[sflag:s23] =	ssyncset.done $0x0  }
0xa4: {  	s25 =	simm.s32 $0x1B8E;
	s24 =	sld [smem:$0x3FFE];
	[sflag:s23] =	ssyncadd.s32 $0xFFFFFFFF  }
0xa5: {  	s26 =	simm.s32 $execute0_lowered;
	[smem:$0x3FD2] =	sst s25  }
0xa6: {  	s5 =	sshll.u32 s26, $0x1;
	_ =	strace $0x80000046;
	[dreg:$0x1] =	wrdreg $0xFFFFFFFF  }
0xa7: {  	s28 =	simm.s32 $_size_execute0_lowered;
	s3 =	sadd.s32 s3, s5;
	[dreg:$0x0] =	wrdreg $0x0  }
0xa8: {  	s5 =	sshll.u32 s28, $0x1;
	[dreg:$0x2] =	wrdreg s3  }
0xa9: {  	[dreg:$0x3] =	wrdreg s5  }
0xaa: {  	[dreg:$0x4] =	wrdreg $0xC0  }
0xab: {  	_ =	task [dreg:s7], $0x5FFFF  }
0xac: {  	[dreg:$0x1] =	wrdreg $0xFFFFFFFF  }
0xad: {  	[dreg:$0x0] =	wrdreg $0x60  }
0xae: {  	[dreg:$0x2] =	wrdreg s2  }
0xaf: {  	[dreg:$0x3] =	wrdreg s24  }
0xb0: {  	[dreg:$0x4] =	wrdreg $0xA5800  }
0xb1: {  	[dreg:$0x5] =	wrdreg $0x9  }
0xb2: {  	_ =	task.clear_ibuf [dreg:s7], $0x6FFFF;
	_ =	strace $0x90000046  }
0xb3: {  	s29 =	simm.s32 $0x9;
	_ =	strace $0x80000048  }
0xb4: {  	_ =	swait.ge [sflag:s29], $0x1  }
0xb5: {  	[sflag:s29] =	ssyncadd.s32 $0xFFFFFFFF  }
0xb6: {  	_ =	strace $0x90000048  }
0xb7: {  	_ =	sfence  }
0xb8: {  	s30 =	sld [smem:$0x0];
	_ =	sdelay $0x2  }
0xb9: {  	s31 =	sshll.u32 s1, $0xD;
	s1 =	sshrl.u32 s1, $0x2  }
0xba: {  	s3 =	sand.u32 $0x4000, s31;
	s1 =	sadd.s32 s1, s30  }
0xbb: {  	s0 =	sor.u32 s3, s0;
	s1 =	sshll.u32 s1, $0x11  }
0xbc: {  	s0 =	sor.u32 s1, s0  }
0xbd: {  	s0 =	sadd.s32 $0x8F2B, s0  }
0xbe: {  	[sflag:s0] =	ssyncadd.remote.s32 $0x1  }
0xbf: {  	_ =	sfence.sel $0xFFFF  }
0xc0: {  	[dreg:$0x0] =	wrdreg $0xFFFFFFFF;
	(pc) =	sbr.abs _section_cstart, $3  }
0xc1: {  	[dreg:$0x1] =	wrdreg $0xFFFFFFFF  }
0xc2: {  	_ =	task.clear_ibuf [dreg:s7], $0x2FFFF;
	_ =	strace $0x9FFFFFFF  }
0xc3: {  	(tm) =	ssettm $0x7FFFFFFF  }
tec
execute0_lowered:
.L_overlay_start_1:
0x0: {  	(tag) =	ssettag $0x1  }
0x1: {  	s1 =	rddreg [dreg:$0x0]  }
0x2: {  	s0 =	srdreg.scid;
	s6 =	rddreg [dreg:$0x1]  }
0x3: {  	s12 =	stileid.u32;
	s3 =	rddreg [dreg:$0x2]  }
0x4: {  	s4 =	simm.s32 $0x0;
	s28 =	simm.s32 $0x5180;
	s29 =	simm.s32 $0x2880  }
0x5: {  	s31 =	simm.s32 $0x7980;
	s30 =	simm.s32 $0x3;
	s10 =	smul.u32 $0x4E000, s12  }
0x6: {  	s0 =	sand.u32 $0x1, s0;
	s2 =	sshll.u32 s12, $0x1;
	s18 =	smul.u32 $0x13800, s12  }
0x7: {  	[smem:$0x7FF] =	sst s4;
	s5 =	sadd.s32 $0x3C00, s6;
	s20 =	smul.u32 $0x4E20, s12  }
0x8: {  	p0 =	sne.s32 s12, $0xF;
	s12 =	simm.s32 $0x0;
	s11 =	smul.u32 $0x138800, s0  }
0x9: {  	s2 =	sor.u32 s0, s2;
	s8 =	ssub.s32 $0x2, s0;
	s0 =	smul.u32 $0x2710, s0  }
0xa: {  	_ =	strace $0x80000047;
	s2 =	smul.u32 $0x2710, s2;
	s9 =	sshrl.u32 s8, $0x1  }
0xb: {  	s17 =	sshrl.u32 s10, $0x2;
	s10 =	simm.s32 $0x4;
	s9 =	ssub.s32 s8, s9  }
0xc: {  	s8 =	sadd.s32 $0x138000, s3;
	s19 =	sadd.s32 s18, s11;
	s11 =	sshrl.u32 s11, $0x3  }
0xd: {  	s0 =	sadd.s32 s0, s20;
	s20 =	simm.s32 $0xA180;
	s2 =	sshrl.u32 s2, $0x3  }
0xe: {  	s22 =	smax.u32 s9, $0x1;
	s24 =	sadd.s32 $0x190, s0;
	s25 =	sadd.s32 $0x140, s0  }
0xf: {  	s7 =	sadd.s32 s2, s6;
	s13 =	sadd.s32 s5, s2;
	[dreg:$0xa] =	wrdreg s22  }
0x10: {  	s6 =	sadd.s32 $0x17800, s6;
	s7 =	sadd.s32 $0xDA00, s7;
	[dreg:$0x5] =	wrdreg s13  }
0x11: {  	s2 =	sadd.s32 $0xA, s13;
	s14 =	sadd.s32 $0x14, s13;
	[dreg:$0x4] =	wrdreg s7  }
0x12: {  	s21 =	sadd.s32 s6, s11;
	s23 =	sadd.s32 $0x4CE, s13;
	[dreg:$0x6] =	wrdreg s2  }
0x13: {  	s26 =	sadd.s32 $0x4D8, s13;
	s11 =	simm.s32 $0x7;
	[dreg:$0x7] =	wrdreg s14  }
0x14: {  	s7 =	sadd.s32 s17, s3;
	s2 =	sshrl.u32 s19, $0x3;
	[dreg:$0xb] =	wrdreg s23  }
0x15: {  	[dreg:$0xc] =	wrdreg s26;
	s19 =	sadd.s32 $0xF0, s0;
	s23 =	simm.s32 $0x2780  }
0x16: {  	s26 =	simm.s32 $0x2800;
	s0 =	simm.s32 $0x5;
	s2 =	sadd.s32 s6, s2  }
0x17: {  	s6 =	sshrl.u32 s25, $0x3;
	s25 =	simm.s32 $0x2980;
	[dreg:$0x8] =	wrdreg s2  }
0x18: {  	s2 =	sadd.s32 $0x27000, s21;
	s18 =	sadd.s32 s6, s5;
	s21 =	simm.s32 $0x8  }
0x19: {  	s6 =	simm.s32 $0x6;
	[dreg:$0x9] =	wrdreg s2;
	s2 =	sshrl.u32 s24, $0x3  }
0x1a: {  	v0 =	vimm.f32 $0.0e+00;
	s24 =	simm.s32 $0x50;
	s17 =	sadd.s32 s2, s5;
	s2 =	simm.s32 $0x2  }
.LBB2_1:
0x1b: {  	s9 =	rddreg [dreg:$0x4]  }
0x1c: {  	[tilespmem:s4], [sflag:$0x1] =	stream.linear.gather [hbm4b:s9+s4], $0x2710, $0x38;
	[tilespmem:$0x1DE00] =	vst v63  }
0x1d: {  	s13 =	simm.s32 $0x0;
	s9 =	simm.s32 $0x0  }
.LBB2_2:
0x1e: {  	p1 =	sne.s32 s9, $0xFC0  }
.Ltmp0:
0x1f: {  	_ = 	snop;
	(pc) =	sbr.rel @p1 .LBB2_2-.Ltmp0, $4  }
0x20: {  	s14 =	sand.u32 $0xE00, s9  }
0x21: {  	s15 =	sand.u32 $0x70, s13;
	s14 =	sshrl.u32 s14, $0x2  }
0x22: {  	s14 =	sor.u32 s15, s14  }
0x23: {  	s13 =	sadd.s32 $0x10, s13;
	s9 =	sadd.s32 $0x40, s9;
	[tilespmem:s14+$0xA180] =	vst v0  }
0x24: {  	s9 =	sadd.s32 $0x0, s7  }
0x25: {  	[spmem:s9] =	stream.linear.scatter [tilespmem:s20], [sflag:$0x8], $0x400, $0x38;
	[tilespmem:$0x1DE00] =	vst v63  }
0x26: {  	s13 =	simm.s32 $0x1000;
	_ =	swait.ge [sflag:s21], $0x400  }
.LBB2_4:
0x27: {  	s9 =	sshra.s32 s13, $0x2;
	[sflag:s21] =	ssyncset.done $0x0;
	p1 =	sne.s32 s13, $0x4D000  }
.Ltmp1:
0x28: {  	s9 =	sadd.s32 s9, s7;
	[sflag:s21] =	ssyncadd.s32 $0xFFFFFC00;
	(pc) =	sbr.rel @p1 .LBB2_4-.Ltmp1, $3  }
0x29: {  	[spmem:s9] =	stream.linear.scatter [tilespmem:s20], [sflag:$0x8], $0x400, $0x38;
	[tilespmem:$0x1DE00] =	vst v63  }
0x2a: {  	s13 =	sadd.s32 $0x1000, s13;
	_ =	sdelay $0x1  }
0x2b: {  	_ =	swait.ge [sflag:s21], $0x400  }
0x2c: {  	[sflag:s21] =	ssyncset.done $0x0  }
0x2d: {  	s9 =	simm.s32 @!p0 $0xA180;
	[sflag:s21] =	ssyncadd.s32 $0xFFFFFC00  }
0x2e: {  	[spmem:s8] =	stream.linear.scatter @!p0 [tilespmem:s9], [sflag:$0x8], $0x800, $0x38;
	[tilespmem:$0x1DE00] =	vst v63  }
0x2f: {  	s9 =	simm.s32 @!p0 $0x8  }
0x30: {  	_ =	swait.ge @!p0 [sflag:s9], $0x800  }
0x31: {  	[sflag:s9] =	ssyncset.done @!p0 $0x0  }
0x32: {  	s14 =	simm.s32 $0x1;
	[sflag:s9] =	ssyncadd.s32 @!p0 $0xFFFFF800  }
0x33: {  	_ =	swait.ge [sflag:s14], $0x2710  }
0x34: {  	[sflag:s14] =	ssyncset.done $0x0  }
0x35: {  	[sflag:s14] =	ssyncadd.s32 $0xFFFFD8F0  }
0x36: {  	[bflag:$0x0] =	sbarrier.arrive $0xFFFF  }
0x37: {  	s15 =	simm.s32 $0x0;
	s13 =	rddreg [dreg:$0x5]  }
0x38: {  	[tilespmem:s23], [sflag:$0x5] =	stream.linear.gather [hbm4b:s13+s15], $0x50, $0x38;
	[tilespmem:$0x1DE00] =	vst v63  }
0x39: {  	_ = 	snop  }
0x3a: {  	[tilespmem:s25], [sflag:$0x2] =	stream.indirect.gather [hbm4b:s1+s24], $0x80, s15, s24, $0xb8;
	[tilespmem:$0x1DE00] =	vst v63  }
0x3b: {  	s16 =	rddreg [dreg:$0x6]  }
0x3c: {  	[tilespmem:s26], [sflag:$0x6] =	stream.linear.gather [hbm4b:s16+s15], $0x50, $0x38;
	[tilespmem:$0x1DE00] =	vst v63  }
0x3d: {  	_ = 	snop  }
0x3e: {  	[tilespmem:s28], [sflag:$0x3] =	stream.indirect.gather [hbm4b:s1+s24], $0x80, s24, s24, $0xb8;
	[tilespmem:$0x1DE00] =	vst v63  }
0x3f: {  	s22 =	rddreg [dreg:$0x7]  }
0x40: {  	[tilespmem:s29], [sflag:$0x7] =	stream.linear.gather [hbm4b:s22+s15], $0x50, $0x38;
	[tilespmem:$0x1DE00] =	vst v63  }
0x41: {  	s14 =	simm.s32 $0xA0  }
0x42: {  	[tilespmem:s31], [sflag:$0x4] =	stream.indirect.gather [hbm4b:s1+s24], $0x80, s14, s24, $0xb8;
	[tilespmem:$0x1DE00] =	vst v63  }
0x43: {  	_ =	swait.ge [sflag:s2], $0x2800  }
0x44: {  	[sflag:s2] =	ssyncset.done $0x0  }
0x45: {  	[sflag:s2] =	ssyncadd.s32 $0xFFFFD800  }
0x46: {  	_ =	swait.ge [sflag:s0], $0x50  }
0x47: {  	[sflag:s0] =	ssyncset.done $0x0  }
0x48: {  	[sflag:s0] =	ssyncadd.s32 $0xFFFFFFB0  }
0x49: {  	[spmem:s3] =	stream.indirect.scatter.add.f32 [tilespmem:s25], [sflag:$0x8], $0x80, s23, s24, $0xb8;
	[tilespmem:$0x1DE00] =	vst v63  }
0x4a: {  	_ =	swait.ge [sflag:s21], $0x2800  }
0x4b: {  	s15 =	sshrl.u32 s19, $0x3;
	[sflag:s21] =	ssyncset.done $0x0  }
0x4c: {  	s9 =	sadd.s32 s5, s15;
	[sflag:s21] =	ssyncadd.s32 $0xFFFFD800  }
0x4d: {  	[tilespmem:s23], [sflag:$0x5] =	stream.linear.gather [hbm4b:s9+s4], $0x50, $0x38;
	[tilespmem:$0x1DE00] =	vst v63  }
0x4e: {  	s16 =	simm.s32 $0xF0  }
0x4f: {  	[tilespmem:s25], [sflag:$0x2] =	stream.indirect.gather [hbm4b:s1+s24], $0x80, s16, s24, $0xb8;
	[tilespmem:$0x1DE00] =	vst v63  }
0x50: {  	_ =	swait.ge [sflag:s30], $0x2800  }
0x51: {  	[sflag:s30] =	ssyncset.done $0x0  }
0x52: {  	[sflag:s30] =	ssyncadd.s32 $0xFFFFD800  }
0x53: {  	_ =	swait.ge [sflag:s6], $0x50  }
0x54: {  	[sflag:s6] =	ssyncset.done $0x0  }
0x55: {  	[sflag:s6] =	ssyncadd.s32 $0xFFFFFFB0  }
0x56: {  	[spmem:s3] =	stream.indirect.scatter.add.f32 [tilespmem:s28], [sflag:$0x8], $0x80, s26, s24, $0xb8;
	[tilespmem:$0x1DE00] =	vst v63  }
0x57: {  	_ =	swait.ge [sflag:s21], $0x2800  }
0x58: {  	[sflag:s21] =	ssyncset.done $0x0  }
0x59: {  	[sflag:s21] =	ssyncadd.s32 $0xFFFFD800  }
0x5a: {  	[tilespmem:s26], [sflag:$0x6] =	stream.linear.gather [hbm4b:s18+s4], $0x50, $0x38;
	[tilespmem:$0x1DE00] =	vst v63  }
0x5b: {  	s22 =	simm.s32 $0x140  }
0x5c: {  	[tilespmem:s28], [sflag:$0x3] =	stream.indirect.gather [hbm4b:s1+s24], $0x80, s22, s24, $0xb8;
	[tilespmem:$0x1DE00] =	vst v63  }
0x5d: {  	_ =	swait.ge [sflag:s10], $0x2800  }
0x5e: {  	[sflag:s10] =	ssyncset.done $0x0  }
0x5f: {  	[sflag:s10] =	ssyncadd.s32 $0xFFFFD800  }
0x60: {  	_ =	swait.ge [sflag:s11], $0x50  }
0x61: {  	[sflag:s11] =	ssyncset.done $0x0  }
0x62: {  	[sflag:s11] =	ssyncadd.s32 $0xFFFFFFB0  }
0x63: {  	[spmem:s3] =	stream.indirect.scatter.add.f32 [tilespmem:s31], [sflag:$0x8], $0x80, s29, s24, $0xb8;
	[tilespmem:$0x1DE00] =	vst v63  }
0x64: {  	s13 =	simm.s32 $0x3C0;
	_ =	swait.ge [sflag:s21], $0x2800  }
0x65: {  	s15 =	sadd.s32 $0x1E, s17;
	s14 =	sadd.s32 $0xF0, s19;
	[sflag:s21] =	ssyncset.done $0x0  }
0x66: {  	s9 =	simm.s32 $0x190;
	s16 =	sadd.s32 $0x1E, s18;
	[sflag:s21] =	ssyncadd.s32 $0xFFFFD800  }
0x67: {  	[tilespmem:s29], [sflag:$0x7] =	stream.linear.gather [hbm4b:s17+s4], $0x50, $0x38;
	[tilespmem:$0x1DE00] =	vst v63  }
.LBB2_6:
0x68: {  	[tilespmem:s31], [sflag:$0x4] =	stream.indirect.gather [hbm4b:s1+s24], $0x80, s9, s24, $0xb8;
	[tilespmem:$0x1DE00] =	vst v63  }
0x69: {  	s9 =	smov.u32 s13  }
0x6a: {  	p1 =	sne.s32 s13, $0x9240;
	s13 =	sadd.s32 $0x3C0, s13;
	_ =	swait.ge [sflag:s2], $0x2800  }
0x6b: {  	[sflag:s2] =	ssyncset.done $0x0  }
0x6c: {  	[sflag:s2] =	ssyncadd.s32 $0xFFFFD800  }
0x6d: {  	_ =	swait.ge [sflag:s0], $0x50  }
0x6e: {  	[sflag:s0] =	ssyncset.done $0x0  }
0x6f: {  	[sflag:s0] =	ssyncadd.s32 $0xFFFFFFB0  }
0x70: {  	[spmem:s3] =	stream.indirect.scatter.add.f32 [tilespmem:s25], [sflag:$0x8], $0x80, s23, s24, $0xb8;
	[tilespmem:$0x1DE00] =	vst v63  }
0x71: {  	_ =	swait.ge [sflag:s21], $0x2800  }
0x72: {  	s22 =	sshrl.u32 s14, $0x3;
	[sflag:s21] =	ssyncset.done $0x0  }
0x73: {  	s22 =	sadd.s32 s5, s22;
	s9 =	sshra.s32 s9, $0x2;
	[sflag:s21] =	ssyncadd.s32 $0xFFFFD800  }
0x74: {  	[tilespmem:s23], [sflag:$0x5] =	stream.linear.gather [hbm4b:s22+s4], $0x50, $0x38;
	[tilespmem:$0x1DE00] =	vst v63  }
0x75: {  	s22 =	sadd.s32 $0xF0, s9  }
0x76: {  	[tilespmem:s25], [sflag:$0x2] =	stream.indirect.gather [hbm4b:s1+s24], $0x80, s22, s24, $0xb8;
	[tilespmem:$0x1DE00] =	vst v63  }
0x77: {  	_ =	swait.ge [sflag:s30], $0x2800  }
0x78: {  	[sflag:s30] =	ssyncset.done $0x0  }
0x79: {  	[sflag:s30] =	ssyncadd.s32 $0xFFFFD800  }
0x7a: {  	_ =	swait.ge [sflag:s6], $0x50  }
0x7b: {  	[sflag:s6] =	ssyncset.done $0x0  }
0x7c: {  	[sflag:s6] =	ssyncadd.s32 $0xFFFFFFB0  }
0x7d: {  	[spmem:s3] =	stream.indirect.scatter.add.f32 [tilespmem:s28], [sflag:$0x8], $0x80, s26, s24, $0xb8;
	[tilespmem:$0x1DE00] =	vst v63  }
0x7e: {  	_ =	swait.ge [sflag:s21], $0x2800  }
0x7f: {  	[sflag:s21] =	ssyncset.done $0x0  }
0x80: {  	[sflag:s21] =	ssyncadd.s32 $0xFFFFD800  }
0x81: {  	[tilespmem:s26], [sflag:$0x6] =	stream.linear.gather [hbm4b:s16+s4], $0x50, $0x38;
	[tilespmem:$0x1DE00] =	vst v63  }
0x82: {  	s22 =	sadd.s32 $0x140, s9  }
0x83: {  	[tilespmem:s28], [sflag:$0x3] =	stream.indirect.gather [hbm4b:s1+s24], $0x80, s22, s24, $0xb8;
	[tilespmem:$0x1DE00] =	vst v63  }
0x84: {  	_ =	swait.ge [sflag:s10], $0x2800  }
0x85: {  	[sflag:s10] =	ssyncset.done $0x0  }
0x86: {  	[sflag:s10] =	ssyncadd.s32 $0xFFFFD800  }
0x87: {  	_ =	swait.ge [sflag:s11], $0x50  }
0x88: {  	[sflag:s11] =	ssyncset.done $0x0  }
0x89: {  	[sflag:s11] =	ssyncadd.s32 $0xFFFFFFB0  }
0x8a: {  	[spmem:s3] =	stream.indirect.scatter.add.f32 [tilespmem:s31], [sflag:$0x8], $0x80, s29, s24, $0xb8;
	[tilespmem:$0x1DE00] =	vst v63  }
.Ltmp2:
0x8b: {  	_ =	swait.ge [sflag:s21], $0x2800;
	(pc) =	sbr.rel @p1 .LBB2_6-.Ltmp2, $4  }
0x8c: {  	[sflag:s21] =	ssyncset.done $0x0  }
0x8d: {  	s14 =	sadd.s32 $0xF0, s14;
	[sflag:s21] =	ssyncadd.s32 $0xFFFFD800  }
0x8e: {  	[tilespmem:s29], [sflag:$0x7] =	stream.linear.gather [hbm4b:s15+s4], $0x50, $0x38;
	[tilespmem:$0x1DE00] =	vst v63  }
0x8f: {  	s9 =	sadd.s32 $0x190, s9;
	s16 =	sadd.s32 $0x1E, s16;
	s15 =	sadd.s32 $0x1E, s15  }
0x90: {  	[tilespmem:s31], [sflag:$0x4] =	stream.indirect.gather [hbm4b:s1+s24], $0x80, s9, s24, $0xb8;
	[tilespmem:$0x1DE00] =	vst v63  }
0x91: {  	_ =	swait.ge [sflag:s2], $0x2800  }
0x92: {  	[sflag:s2] =	ssyncset.done $0x0  }
0x93: {  	[sflag:s2] =	ssyncadd.s32 $0xFFFFD800  }
0x94: {  	_ =	swait.ge [sflag:s0], $0x50  }
0x95: {  	[sflag:s0] =	ssyncset.done $0x0  }
0x96: {  	[sflag:s0] =	ssyncadd.s32 $0xFFFFFFB0  }
0x97: {  	[spmem:s3] =	stream.indirect.scatter.add.f32 [tilespmem:s25], [sflag:$0x8], $0x80, s23, s24, $0xb8;
	[tilespmem:$0x1DE00] =	vst v63  }
0x98: {  	_ =	swait.ge [sflag:s21], $0x2800  }
0x99: {  	[sflag:s21] =	ssyncset.done $0x0  }
0x9a: {  	s22 =	rddreg [dreg:$0xb];
	[sflag:s21] =	ssyncadd.s32 $0xFFFFD800  }
0x9b: {  	[tilespmem:s23], [sflag:$0x5] =	stream.linear.gather [hbm4b:s22+s4], $0x50, $0x38;
	[tilespmem:$0x1DE00] =	vst v63  }
0x9c: {  	s13 =	simm.s32 $0x2670  }
0x9d: {  	[tilespmem:s25], [sflag:$0x2] =	stream.indirect.gather [hbm4b:s1+s24], $0x80, s13, s24, $0xb8;
	[tilespmem:$0x1DE00] =	vst v63  }
0x9e: {  	_ =	swait.ge [sflag:s30], $0x2800  }
0x9f: {  	[sflag:s30] =	ssyncset.done $0x0  }
0xa0: {  	[sflag:s30] =	ssyncadd.s32 $0xFFFFD800  }
0xa1: {  	_ =	swait.ge [sflag:s6], $0x50  }
0xa2: {  	[sflag:s6] =	ssyncset.done $0x0  }
0xa3: {  	[sflag:s6] =	ssyncadd.s32 $0xFFFFFFB0  }
0xa4: {  	[spmem:s3] =	stream.indirect.scatter.add.f32 [tilespmem:s28], [sflag:$0x8], $0x80, s26, s24, $0xb8;
	[tilespmem:$0x1DE00] =	vst v63  }
0xa5: {  	_ =	swait.ge [sflag:s21], $0x2800  }
0xa6: {  	[sflag:s21] =	ssyncset.done $0x0  }
0xa7: {  	s14 =	rddreg [dreg:$0xc];
	[sflag:s21] =	ssyncadd.s32 $0xFFFFD800  }
0xa8: {  	[tilespmem:s26], [sflag:$0x6] =	stream.linear.gather [hbm4b:s14+s4], $0x50, $0x38;
	[tilespmem:$0x1DE00] =	vst v63  }
0xa9: {  	s15 =	simm.s32 $0x26C0  }
0xaa: {  	[tilespmem:s28], [sflag:$0x3] =	stream.indirect.gather [hbm4b:s1+s24], $0x80, s15, s24, $0xb8;
	[tilespmem:$0x1DE00] =	vst v63  }
0xab: {  	_ =	swait.ge [sflag:s10], $0x2800  }
0xac: {  	[sflag:s10] =	ssyncset.done $0x0  }
0xad: {  	[sflag:s10] =	ssyncadd.s32 $0xFFFFD800  }
0xae: {  	_ =	swait.ge [sflag:s11], $0x50  }
0xaf: {  	[sflag:s11] =	ssyncset.done $0x0  }
0xb0: {  	[sflag:s11] =	ssyncadd.s32 $0xFFFFFFB0  }
0xb1: {  	[spmem:s3] =	stream.indirect.scatter.add.f32 [tilespmem:s31], [sflag:$0x8], $0x80, s29, s24, $0xb8;
	[tilespmem:$0x1DE00] =	vst v63  }
0xb2: {  	_ =	swait.ge [sflag:s21], $0x2800  }
0xb3: {  	[sflag:s21] =	ssyncset.done $0x0  }
0xb4: {  	[sflag:s21] =	ssyncadd.s32 $0xFFFFD800  }
0xb5: {  	_ =	swait.ge [sflag:s2], $0x2800  }
0xb6: {  	[sflag:s2] =	ssyncset.done $0x0  }
0xb7: {  	[sflag:s2] =	ssyncadd.s32 $0xFFFFD800  }
0xb8: {  	_ =	swait.ge [sflag:s0], $0x50  }
0xb9: {  	[sflag:s0] =	ssyncset.done $0x0  }
0xba: {  	[sflag:s0] =	ssyncadd.s32 $0xFFFFFFB0  }
0xbb: {  	[spmem:s3] =	stream.indirect.scatter.add.f32 [tilespmem:s25], [sflag:$0x8], $0x80, s23, s24, $0xb8;
	[tilespmem:$0x1DE00] =	vst v63  }
0xbc: {  	_ =	swait.ge [sflag:s21], $0x2800  }
0xbd: {  	[sflag:s21] =	ssyncset.done $0x0  }
0xbe: {  	[sflag:s21] =	ssyncadd.s32 $0xFFFFD800  }
0xbf: {  	_ =	swait.ge [sflag:s30], $0x2800  }
0xc0: {  	[sflag:s30] =	ssyncset.done $0x0  }
0xc1: {  	[sflag:s30] =	ssyncadd.s32 $0xFFFFD800  }
0xc2: {  	_ =	swait.ge [sflag:s6], $0x50  }
0xc3: {  	[sflag:s6] =	ssyncset.done $0x0  }
0xc4: {  	[sflag:s6] =	ssyncadd.s32 $0xFFFFFFB0  }
0xc5: {  	[spmem:s3] =	stream.indirect.scatter.add.f32 [tilespmem:s28], [sflag:$0x8], $0x80, s26, s24, $0xb8;
	[tilespmem:$0x1DE00] =	vst v63  }
0xc6: {  	_ =	swait.ge [sflag:s21], $0x2800  }
0xc7: {  	[sflag:s21] =	ssyncset.done $0x0  }
0xc8: {  	s16 =	stileid.u32;
	[sflag:s21] =	ssyncadd.s32 $0xFFFFD800  }
0xc9: {  	s9 =	sshll.u32 s16, $0x6;
	[bflag:$0x0] =	sbarrier.arrive $0xFFFF  }
0xca: {  	s9 =	sor.u32 $0x1C08, s9;
	s13 =	sshrl.u32 s7, $0x3;
	s14 =	rddreg [dreg:$0x8]  }
0xcb: {  	[hbm:s14], [sflag:s9] =	dma.local [spmem:s13], $0x2700  }
0xcc: {  	_ =	swait.ge [sflag:s21], $0x2700  }
0xcd: {  	[sflag:s21] =	ssyncset.done $0x0  }
0xce: {  	s13 =	sshrl.u32 @!p0 s8, $0x3;
	s14 =	rddreg [dreg:$0x9];
	[sflag:s21] =	ssyncadd.s32 $0xFFFFD900  }
0xcf: {  	[hbm:s14], [sflag:s9] =	dma.local @!p0 [spmem:s13], $0x100  }
0xd0: {  	s9 =	simm.s32 @!p0 $0x8  }
0xd1: {  	_ =	swait.ge @!p0 [sflag:s9], $0x100  }
0xd2: {  	s12 =	sadd.s32 $0x1, s12;
	s22 =	rddreg [dreg:$0xa]  }
0xd3: {  	p1 =	sne.s32 s12, s22  }
.Ltmp3:
0xd4: {  	_ = 	snop;
	(pc) =	sbr.rel @p1 .LBB2_1-.Ltmp3, $3  }
0xd5: {  	_ =	sdelay $0x1  }
0xd6: {  	[sflag:s9] =	ssyncset.done @!p0 $0x0  }
0xd7: {  	[sflag:s9] =	ssyncadd.s32 @!p0 $0xFFFFFF00  }
0xd8: {  	_ =	sfence.sel $0x180000  }
0xd9: {  	[bflag:$0x0] =	sbarrier.arrive $0xFFFF  }
0xda: {  	_ =	strace $0x90000047  }
0xdb: {  	s0 =	stileid.u32;
	[bflag:$0x2] =	sbarrier.arrive $0xFFFF  }
0xdc: {  	p0 =	sne.s32 s0, $0x0;
	s0 =	rddreg [dreg:$0x3]  }
0xdd: {  	s0 =	sadd.s32 @!p0 $0x100000, s0  }
0xde: {  	[sflag:s0] =	ssyncadd.tile.s32 @!p0 $0x1;
	_ =	shalt  }
.Lfunc_end2:
_tile_overlayer_lowered:
.L_overlay_start_2:
0xdf: {  	(tag) =	ssettag $0x2  }
0xe0: {  	s0 =	rddreg [dreg:$0x0];
	s2 =	stileid.u32  }
0xe1: {  	s1 =	rddreg [dreg:$0x1];
	p0 =	sne.s32 s2, $0x0  }
0xe2: {  	s3 =	rddreg [dreg:$0x2];
	[bflag:$0x3] =	sbarrier.arrive $0xFFFF;
	s2 =	simm.s32 @!p0 $0x1C08  }
0xe3: {  	[timem:s3], [sflag:s2] =	dma.local @!p0 [hbm:s0], s1  }
0xe4: {  	s0 =	simm.s32 @!p0 $0x8  }
0xe5: {  	_ =	swait.ge @!p0 [sflag:s0], s1  }
0xe6: {  	s1 =	ssub.s32 @!p0 $0x0, s1;
	[sflag:s0] =	ssyncset.done @!p0 $0x0  }
0xe7: {  	[sflag:s0] =	ssyncadd.s32 @!p0 s1  }
0xe8: {  	[bflag:$0x3] =	sbarrier.arrive $0xFFFF  }
0xe9: {  	_ =	shalt  }

</sc_bundles>
